<compile_context>
chip_gen: v7x
topology: tpu7x:2x2x1
jax: 0.10.2.dev20260603
libtpu: 0.0.44.dev20260713+nightly
codegen_flags: <defaults>
</compile_context>

<pallas_src>
import functools

import jax
import jax.numpy as jnp
from jax import lax
from jax.experimental import pallas as pl
from jax.experimental.pallas import tpu as pltpu
from jax.experimental.pallas import tpu_sc as plsc

_L, _DIM, _B, _N, _K, _W = 2, 768, 1, 8192, 4, 128
_NW = _N // _W
_SCALE = 1.0 / (_DIM ** 0.5)
_NEG = -1e30

_BT = 1024
_NB = _N // _BT
_WPB = _BT // _W

_SC_NC, _SC_NS = 2, 16
_SC_NWORK = _SC_NC * _SC_NS
_SC_CHUNK = 64


def _embed_gather(table, ids):
    rows_per_w = _N // _SC_NWORK
    nchunks = rows_per_w // _SC_CHUNK
    mesh = plsc.VectorSubcoreMesh(core_axis_name="c", subcore_axis_name="s")

    @functools.partial(
        pl.kernel,
        mesh=mesh,
        out_type=jax.ShapeDtypeStruct((_N, _DIM), jnp.float32),
        scratch_types=[
            pltpu.VMEM((rows_per_w,), jnp.int32),
            pltpu.VMEM((_SC_CHUNK, _DIM), jnp.float32),
            pltpu.VMEM((_SC_CHUNK, _DIM), jnp.float32),
            pltpu.SemaphoreType.DMA,
            pltpu.SemaphoreType.DMA,
            pltpu.SemaphoreType.DMA,
            pltpu.SemaphoreType.DMA,
        ],
    )
    def gather_kernel(table_hbm, idx_hbm, out_hbm, idx_v, r0, r1, g0, g1, s0, s1):
        wid = lax.axis_index("s") * _SC_NC + lax.axis_index("c")
        base = wid * rows_per_w
        pltpu.sync_copy(idx_hbm.at[pl.ds(base, rows_per_w)], idx_v)
        bufs, gsems, ssems = [r0, r1], [g0, g1], [s0, s1]
        gathers, stores = [], []
        for c in range(nchunks):
            b = c % 2
            if c >= 2:
                stores[c - 2].wait()
            gathers.append(pltpu.async_copy(
                table_hbm.at[idx_v.at[pl.ds(c * _SC_CHUNK, _SC_CHUNK)]],
                bufs[b], gsems[b]))
            if c >= 1:
                gathers[c - 1].wait()
                stores.append(pltpu.async_copy(
                    bufs[(c - 1) % 2],
                    out_hbm.at[pl.ds(base + (c - 1) * _SC_CHUNK, _SC_CHUNK)],
                    ssems[(c - 1) % 2]))
        gathers[-1].wait()
        stores.append(pltpu.async_copy(
            bufs[(nchunks - 1) % 2],
            out_hbm.at[pl.ds(base + (nchunks - 1) * _SC_CHUNK, _SC_CHUNK)],
            ssems[(nchunks - 1) % 2]))
        stores[-2].wait()
        stores[-1].wait()

    return gather_kernel(table, ids)


def _ln(x, g):
    mu = jnp.mean(x, axis=1, keepdims=True)
    var = jnp.mean(x * x, axis=1, keepdims=True) - mu * mu
    return (x - mu) * lax.rsqrt(var + 1e-6) * g


def _top4_write(s, fi, idx_ref, val_ref):
    vals = []
    for j in range(_K):
        m = jnp.max(s)
        ix = jnp.min(jnp.where(s == m, fi, _N))
        idx_ref[j] = ix
        vals.append(jnp.reshape(m, (1, 1)))
        s = jnp.where(fi == ix, _NEG, s)
    val_ref[...] = jnp.concatenate(vals, axis=0)


def _replay_pending(xb, i, pidx_ref, poh_ref):
    rows = lax.broadcasted_iota(jnp.int32, (_BT, 1), 0) + i * _BT
    onehot = jnp.concatenate(
        [(rows == pidx_ref[j]).astype(jnp.bfloat16) for j in range(_K)], axis=1)
    return xb + jnp.dot(onehot, poh_ref[...].astype(jnp.bfloat16),
                        preferred_element_type=jnp.float32)


def _ln_nog(x):
    mu = jnp.mean(x, axis=1, keepdims=True)
    var = jnp.mean(x * x, axis=1, keepdims=True) - mu * mu
    return (x - mu) * lax.rsqrt(var + 1e-6)


def _attn_window(x, pend_oh, pend_idx, g_col, wq, wk, wv, wo, rqkv):
    def body(x_ref, poh_ref, pidx_ref, g_ref, wq_ref, wk_ref, wv_ref, wo_ref,
             rqkv_ref, y_ref, iq_ref, gq_ref, ikv_ref, gkv_ref,
             wq16, wk16, wv16, wo16, sq_s, skv_s):
        i = pl.program_id(0)

        @pl.when(i == 0)
        def _cast_weights():
            gc = g_ref[...]
            wq16[...] = (wq_ref[...] * (gc * _SCALE)).astype(jnp.bfloat16)
            wk16[...] = (wk_ref[...] * gc).astype(jnp.bfloat16)
            wv16[...] = (wv_ref[...] * gc).astype(jnp.bfloat16)
            wo16[...] = wo_ref[...].astype(jnp.bfloat16)

        xb = _replay_pending(x_ref[...], i, pidx_ref, poh_ref)
        h = _ln_nog(xb)
        h16 = h.astype(jnp.bfloat16)
        sqkv = lax.dot_general(rqkv_ref[...], h, (((1,), (1,)), ((), ())),
                               preferred_element_type=jnp.float32)
        sq_s[pl.ds(i, 1), :] = sqkv[0:1, :]
        skv_s[pl.ds(i, 1), :] = sqkv[1:2, :]
        q16 = jnp.dot(h16, wq16[...], preferred_element_type=jnp.float32).astype(jnp.bfloat16)
        k16 = jnp.dot(h16, wk16[...], preferred_element_type=jnp.float32).astype(jnp.bfloat16)
        v16 = jnp.dot(h16, wv16[...], preferred_element_type=jnp.float32).astype(jnp.bfloat16)
        q3 = q16.reshape(_WPB, _W, _DIM)
        k3 = k16.reshape(_WPB, _W, _DIM)
        v3 = v16.reshape(_WPB, _W, _DIM)
        s3 = lax.dot_general(q3, k3, (((2,), (2,)), ((0,), (0,))),
                             preferred_element_type=jnp.float32)
        e3 = jnp.exp(s3)
        a3 = (e3 / jnp.sum(e3, axis=2, keepdims=True)).astype(jnp.bfloat16)
        av = lax.dot_general(a3, v3, (((2,), (1,)), ((0,), (0,))),
                             preferred_element_type=jnp.float32)
        av16 = av.astype(jnp.bfloat16).reshape(_BT, _DIM)
        y_ref[...] = xb + jnp.dot(av16, wo16[...], preferred_element_type=jnp.float32)

        @pl.when(i == _NB - 1)
        def _topk():
            fi = (lax.broadcasted_iota(jnp.int32, (_NB, _BT), 0) * _BT
                  + lax.broadcasted_iota(jnp.int32, (_NB, _BT), 1))
            _top4_write(sq_s[...], fi, iq_ref, gq_ref)
            _top4_write(skv_s[...], fi, ikv_ref, gkv_ref)

    full = lambda shape: pl.BlockSpec(shape, lambda i: tuple(0 for _ in shape))
    return pl.pallas_call(
        body,
        grid=(_NB,),
        in_specs=[
            pl.BlockSpec((_BT, _DIM), lambda i: (i, 0)),
            full((_K, _DIM)),
            pl.BlockSpec(memory_space=pltpu.SMEM),
            full((_DIM, 1)),
            full((_DIM, _DIM)), full((_DIM, _DIM)), full((_DIM, _DIM)), full((_DIM, _DIM)),
            full((2, _DIM)),
        ],
        out_specs=[
            pl.BlockSpec((_BT, _DIM), lambda i: (i, 0)),
            pl.BlockSpec(memory_space=pltpu.SMEM),
            full((_K, 1)),
            pl.BlockSpec(memory_space=pltpu.SMEM),
            full((_K, 1)),
        ],
        out_shape=[
            jax.ShapeDtypeStruct((_N, _DIM), jnp.float32),
            jax.ShapeDtypeStruct((_K,), jnp.int32),
            jax.ShapeDtypeStruct((_K, 1), jnp.float32),
            jax.ShapeDtypeStruct((_K,), jnp.int32),
            jax.ShapeDtypeStruct((_K, 1), jnp.float32),
        ],
        scratch_shapes=[pltpu.VMEM((_DIM, _DIM), jnp.bfloat16)] * 4
        + [pltpu.VMEM((_NB, _BT), jnp.float32)] * 2,
    )(x, pend_oh, pend_idx, g_col, wq, wk, wv, wo, rqkv)


def _ff_window(y, pend_oh, pend_idx, g_col, w1, w2, rff):
    def body(y_ref, poh_ref, pidx_ref, g_ref, w1_ref, w2_ref, rff_ref,
             z_ref, iff_ref, gff_ref, w116, w216, sff_s):
        i = pl.program_id(0)

        @pl.when(i == 0)
        def _cast_weights():
            w116[...] = (w1_ref[...] * g_ref[...]).astype(jnp.bfloat16)
            w216[...] = w2_ref[...].astype(jnp.bfloat16)

        xb = _replay_pending(y_ref[...], i, pidx_ref, poh_ref)
        h = _ln_nog(xb)
        h16 = h.astype(jnp.bfloat16)
        sff_s[pl.ds(i, 1), :] = lax.dot_general(
            rff_ref[...], h, (((1,), (1,)), ((), ())),
            preferred_element_type=jnp.float32)
        hh = jnp.maximum(jnp.dot(h16, w116[...],
                                 preferred_element_type=jnp.float32), 0.0)
        z_ref[...] = xb + jnp.dot(hh.astype(jnp.bfloat16), w216[...],
                                  preferred_element_type=jnp.float32)

        @pl.when(i == _NB - 1)
        def _topk():
            fi = (lax.broadcasted_iota(jnp.int32, (_NB, _BT), 0) * _BT
                  + lax.broadcasted_iota(jnp.int32, (_NB, _BT), 1))
            _top4_write(sff_s[...], fi, iff_ref, gff_ref)

    full = lambda shape: pl.BlockSpec(shape, lambda i: tuple(0 for _ in shape))
    return pl.pallas_call(
        body,
        grid=(_NB,),
        in_specs=[
            pl.BlockSpec((_BT, _DIM), lambda i: (i, 0)),
            full((_K, _DIM)),
            pl.BlockSpec(memory_space=pltpu.SMEM),
            full((_DIM, 1)),
            full((_DIM, _DIM // 2)), full((_DIM // 2, _DIM)),
            full((1, _DIM)),
        ],
        out_specs=[
            pl.BlockSpec((_BT, _DIM), lambda i: (i, 0)),
            pl.BlockSpec(memory_space=pltpu.SMEM),
            full((_K, 1)),
        ],
        out_shape=[
            jax.ShapeDtypeStruct((_N, _DIM), jnp.float32),
            jax.ShapeDtypeStruct((_K,), jnp.int32),
            jax.ShapeDtypeStruct((_K, 1), jnp.float32),
        ],
        scratch_shapes=[pltpu.VMEM((_DIM, _DIM // 2), jnp.bfloat16),
                        pltpu.VMEM((_DIM // 2, _DIM), jnp.bfloat16),
                        pltpu.VMEM((_NB, _BT), jnp.float32)],
    )(y, pend_oh, pend_idx, g_col, w1, w2, rff)


def _pick_row(blk_ref, pidx_ref, j):
    rem = pidx_ref[j] % 8
    r8 = lax.broadcasted_iota(jnp.int32, (8, 1), 0)
    return jnp.sum((r8 == rem).astype(jnp.float32) * blk_ref[...], axis=0,
                   keepdims=True)


def _heavy_attn(xin, pend_oh, gq, gkv, g, wq, wk, wv, wo, idx_all):
    def body(pidx_ref, *refs):
        row_refs = refs[:2 * _K]
        poh_ref, gq_ref, gkv_ref, g_ref, wq_ref, wk_ref, wv_ref, wo_ref, out_ref = refs[2 * _K:]
        rows_q = jnp.concatenate(
            [_pick_row(row_refs[r], pidx_ref, r) for r in range(_K)], axis=0)
        rows_k = jnp.concatenate(
            [_pick_row(row_refs[_K + r], pidx_ref, _K + r) for r in range(_K)], axis=0)
        riota = lax.broadcasted_iota(jnp.int32, (_K, 1), 0)
        for p in range(_K):
            ohp = poh_ref[p:p + 1, :]
            for r in range(_K):
                er = (riota == r).astype(jnp.float32)
                cq = jnp.where(pidx_ref[r] == pidx_ref[2 * _K + p], 1.0, 0.0)
                ck = jnp.where(pidx_ref[_K + r] == pidx_ref[2 * _K + p], 1.0, 0.0)
                rows_q = rows_q + cq * er * ohp
                rows_k = rows_k + ck * er * ohp
        hq = _ln(rows_q, g_ref[...])
        hkv = _ln(rows_k, g_ref[...])
        qh = jnp.dot(hq, wq_ref[...], preferred_element_type=jnp.float32)
        kh = jnp.dot(hkv, wk_ref[...], preferred_element_type=jnp.float32)
        vh = jnp.dot(hkv, wv_ref[...], preferred_element_type=jnp.float32)
        vh = vh * jax.nn.sigmoid(gkv_ref[...])
        s = lax.dot_general(qh, kh, (((1,), (1,)), ((), ())),
                            preferred_element_type=jnp.float32) * _SCALE
        e = jnp.exp(s)
        a = e / jnp.sum(e, axis=1, keepdims=True)
        oh = jnp.dot(jnp.dot(a, vh, preferred_element_type=jnp.float32),
                     wo_ref[...], preferred_element_type=jnp.float32)
        out_ref[...] = oh * jax.nn.sigmoid(gq_ref[...])

    def row_spec(j):
        return pl.BlockSpec((8, _DIM), lambda i, p, _j=j: (p[_j] // 8, 0))

    full = lambda shape: pl.BlockSpec(shape, lambda i, p: tuple(0 for _ in shape))
    gs = pltpu.PrefetchScalarGridSpec(
        num_scalar_prefetch=1,
        grid=(1,),
        in_specs=[row_spec(j) for j in range(2 * _K)] + [
            full((_K, _DIM)), full((_K, 1)), full((_K, 1)), full((1, _DIM)),
            full((_DIM, _DIM)), full((_DIM, _DIM)), full((_DIM, _DIM)), full((_DIM, _DIM)),
        ],
        out_specs=full((_K, _DIM)),
    )
    return pl.pallas_call(
        body,
        grid_spec=gs,
        out_shape=jax.ShapeDtypeStruct((_K, _DIM), jnp.float32),
    )(idx_all, *([xin] * (2 * _K)), pend_oh, gq, gkv, g, wq, wk, wv, wo)


def _heavy_ff(yin, pend_oh, gff, g, w1, w2, idx_all):
    def body(pidx_ref, *refs):
        row_refs = refs[:_K]
        poh_ref, gff_ref, g_ref, w1_ref, w2_ref, out_ref = refs[_K:]
        rows = jnp.concatenate(
            [_pick_row(row_refs[r], pidx_ref, r) for r in range(_K)], axis=0)
        riota = lax.broadcasted_iota(jnp.int32, (_K, 1), 0)
        for p in range(_K):
            ohp = poh_ref[p:p + 1, :]
            for r in range(_K):
                er = (riota == r).astype(jnp.float32)
                c = jnp.where(pidx_ref[r] == pidx_ref[_K + p], 1.0, 0.0)
                rows = rows + c * er * ohp
        h = _ln(rows, g_ref[...])
        hh = jnp.maximum(jnp.dot(h, w1_ref[...], preferred_element_type=jnp.float32), 0.0)
        out = jnp.dot(hh, w2_ref[...], preferred_element_type=jnp.float32)
        out_ref[...] = out * jax.nn.sigmoid(gff_ref[...])

    def row_spec(j):
        return pl.BlockSpec((8, _DIM), lambda i, p, _j=j: (p[_j] // 8, 0))

    full = lambda shape: pl.BlockSpec(shape, lambda i, p: tuple(0 for _ in shape))
    gs = pltpu.PrefetchScalarGridSpec(
        num_scalar_prefetch=1,
        grid=(1,),
        in_specs=[row_spec(j) for j in range(_K)] + [
            full((_K, _DIM)), full((_K, 1)), full((1, _DIM)),
            full((_DIM, 4 * _DIM)), full((4 * _DIM, _DIM)),
        ],
        out_specs=full((_K, _DIM)),
    )
    return pl.pallas_call(
        body,
        grid_spec=gs,
        out_shape=jax.ShapeDtypeStruct((_K, _DIM), jnp.float32),
    )(idx_all, *([yin] * _K), pend_oh, gff, g, w1, w2)


def _apply_scatter(base, oh, idx):
    order = jnp.argsort(idx)
    pidx = jnp.concatenate([idx[order], order.astype(jnp.int32)])

    def body(pidx_ref, b_ref, oh_ref, out_ref):
        i = pl.program_id(0)
        sel = pidx_ref[_K + i]
        r4 = lax.broadcasted_iota(jnp.int32, (_K, 1), 0)
        row = jnp.sum((r4 == sel).astype(jnp.float32) * oh_ref[...], axis=0,
                      keepdims=True)
        rem = pidx_ref[i] % 8
        r8 = lax.broadcasted_iota(jnp.int32, (8, 1), 0)
        upd = (r8 == rem).astype(jnp.float32) * row
        im1 = jnp.maximum(i - 1, 0)
        fresh = jnp.logical_or(i == 0,
                               pidx_ref[i] // 8 != pidx_ref[im1] // 8)

        @pl.when(fresh)
        def _init():
            out_ref[...] = b_ref[...] + upd

        @pl.when(jnp.logical_not(fresh))
        def _accum():
            out_ref[...] = out_ref[...] + upd

    gs = pltpu.PrefetchScalarGridSpec(
        num_scalar_prefetch=1,
        grid=(_K,),
        in_specs=[
            pl.BlockSpec((8, _DIM), lambda i, p: (p[i] // 8, 0)),
            pl.BlockSpec((_K, _DIM), lambda i, p: (0, 0)),
        ],
        out_specs=pl.BlockSpec((8, _DIM), lambda i, p: (p[i] // 8, 0)),
    )
    return pl.pallas_call(
        body,
        grid_spec=gs,
        out_shape=jax.ShapeDtypeStruct((_N, _DIM), jnp.float32),
        input_output_aliases={1: 0},
    )(pidx, base, oh)


def kernel(input_ids, embed, ln1_g, ln2_g, Wq_l, Wk_l, Wv_l, Wo_l,
           Wq_h, Wk_h, Wv_h, Wo_h, r_q, r_kv, r_ff,
           ff_l_w1, ff_l_w2, ff_h_w1, ff_h_w2):
    ids = input_ids.reshape(_N).astype(jnp.int32)
    x = _embed_gather(embed, ids)

    pend_oh = jnp.zeros((_K, _DIM), jnp.float32)
    pend_idx = jnp.full((_K,), -1, jnp.int32)
    for l in range(_L):
        g1 = ln1_g[l].reshape(1, _DIM)
        g2 = ln2_g[l].reshape(1, _DIM)
        g1c = ln1_g[l].reshape(_DIM, 1)
        g2c = ln2_g[l].reshape(_DIM, 1)
        rqkv = jnp.stack([r_q[l], r_kv[l]]) * g1
        rff = (r_ff[l] * ln2_g[l]).reshape(1, _DIM)

        y, iq, gq, ikv, gkv = _attn_window(x, pend_oh, pend_idx, g1c,
                                           Wq_l[l], Wk_l[l], Wv_l[l], Wo_l[l],
                                           rqkv)
        oh_a = _heavy_attn(x, pend_oh, gq, gkv, g1, Wq_h[l], Wk_h[l],
                           Wv_h[l], Wo_h[l],
                           jnp.concatenate([iq, ikv, pend_idx]))
        z, iff, gff = _ff_window(y, oh_a, iq, g2c, ff_l_w1[l], ff_l_w2[l], rff)
        oh_f = _heavy_ff(y, oh_a, gff, g2, ff_h_w1[l], ff_h_w2[l],
                         jnp.concatenate([iff, iq]))
        x, pend_oh, pend_idx = z, oh_f, iff

    x = _apply_scatter(x, pend_oh, pend_idx)
    return x.reshape(_B, _N, _DIM)

# --- scband reference (transcript-rebuilt; emitter-appended) ---
"""Pipeline reference for scband-co-lt5-encoder-48541720379432 (READ-ONLY COPY).

The authoritative reference and input builder live on the scoring server;
editing this copy changes nothing except your own understanding.
"""

import jax, jax.numpy as jnp
import numpy as np

L = 2; DIM = 768; VOCAB = 32128; B = 1; N = 8192; K = 4; W = 128

def setup_inputs(seed: int = 0):
    key = jax.random.key(seed)
    ks = jax.random.split(key, 24)
    s = 0.02
    r = lambda i, shape: jax.random.normal(ks[i], shape, jnp.float32) * s
    return {
        'input_ids': jax.random.randint(ks[0], (B, N), 0, VOCAB),
        'embed': r(1, (VOCAB, DIM)),
        'ln1_g': jnp.ones((L, DIM), jnp.float32),
        'ln2_g': jnp.ones((L, DIM), jnp.float32),
        'Wq_l': r(2, (L, DIM, DIM)), 'Wk_l': r(3, (L, DIM, DIM)),
        'Wv_l': r(4, (L, DIM, DIM)), 'Wo_l': r(5, (L, DIM, DIM)),
        'Wq_h': r(6, (L, DIM, DIM)), 'Wk_h': r(7, (L, DIM, DIM)),
        'Wv_h': r(8, (L, DIM, DIM)), 'Wo_h': r(9, (L, DIM, DIM)),
        'r_q': r(10, (L, DIM)), 'r_kv': r(11, (L, DIM)), 'r_ff': r(12, (L, DIM)),
        'ff_l_w1': r(13, (L, DIM, DIM // 2)), 'ff_l_w2': r(14, (L, DIM // 2, DIM)),
        'ff_h_w1': r(15, (L, DIM, DIM * 4)), 'ff_h_w2': r(16, (L, DIM * 4, DIM)),
    }

def _ln(x, g):
    m = x.mean(-1, keepdims=True)
    v = ((x - m) ** 2).mean(-1, keepdims=True)
    return (x - m) / jnp.sqrt(v + 1e-6) * g

def _scatter_add(base, idx, upd):
    return jax.vmap(lambda b, i, u: b.at[i].add(u))(base, idx, upd)

def _gather(x, idx):
    return jnp.take_along_axis(x, idx[:, :, None], axis=1)

def _forward(input_ids, embed, ln1_g, ln2_g, Wq_l, Wk_l, Wv_l, Wo_l, Wq_h, Wk_h, Wv_h, Wo_h, r_q, r_kv, r_ff, ff_l_w1, ff_l_w2, ff_h_w1, ff_h_w2):
    x = jnp.take(embed, input_ids, axis=0)
    scale = 1.0 / jnp.sqrt(DIM)
    for l in range(L):
        # --- conditional routed attention ---
        h = _ln(x, ln1_g[l])
        # light branch: local windowed attention over all tokens
        hw = h.reshape(B, N // W, W, DIM)
        ql = jnp.einsum('bnwd,de->bnwe', hw, Wq_l[l])
        kl = jnp.einsum('bnwd,de->bnwe', hw, Wk_l[l])
        vl = jnp.einsum('bnwd,de->bnwe', hw, Wv_l[l])
        al = jax.nn.softmax(jnp.einsum('bnwe,bnve->bnwv', ql, kl) * scale, axis=-1)
        out_light = jnp.einsum('bnwv,bnve->bnwe', al, vl)
        out_light = jnp.einsum('bnwe,ed->bnwd', out_light, Wo_l[l]).reshape(B, N, DIM)
        # heavy branch: top-k routed q and kv tokens (num_heavy_tokens = 4)
        sq = jnp.einsum('bnd,d->bn', h, r_q[l])
        skv = jnp.einsum('bnd,d->bn', h, r_kv[l])
        gq, iq = jax.lax.top_k(sq, K)
        gkv, ikv = jax.lax.top_k(skv, K)
        hq = _gather(h, iq)
        hkv = _gather(h, ikv)
        qh = hq @ Wq_h[l]
        kh = hkv @ Wk_h[l]
        vh = (hkv @ Wv_h[l]) * jax.nn.sigmoid(gkv)[:, :, None]
        ah = jax.nn.softmax(jnp.einsum('bqd,bkd->bqk', qh, kh) * scale, axis=-1)
        oh = (jnp.einsum('bqk,bkd->bqd', ah, vh) @ Wo_h[l]) * jax.nn.sigmoid(gq)[:, :, None]
        x = x + out_light + _scatter_add(jnp.zeros_like(x), iq, oh)
        # --- conditional routed feedforward ---
        h2 = _ln(x, ln2_g[l])
        light = jax.nn.relu(h2 @ ff_l_w1[l]) @ ff_l_w2[l]
        sff = jnp.einsum('bnd,d->bn', h2, r_ff[l])
        gff, iff = jax.lax.top_k(sff, K)
        hsel = _gather(h2, iff)
        heavy = (jax.nn.relu(hsel @ ff_h_w1[l]) @ ff_h_w2[l]) * jax.nn.sigmoid(gff)[:, :, None]
        x = x + light + _scatter_add(jnp.zeros_like(x), iff, heavy)
    return x

def reference(input_ids, embed, ln1_g, ln2_g, Wq_l, Wk_l, Wv_l, Wo_l, Wq_h, Wk_h, Wv_h, Wo_h, r_q, r_kv, r_ff, ff_l_w1, ff_l_w2, ff_h_w1, ff_h_w2):
    return _forward(input_ids, embed, ln1_g, ln2_g, Wq_l, Wk_l, Wv_l, Wo_l, Wq_h, Wk_h, Wv_h, Wo_h, r_q, r_kv, r_ff, ff_l_w1, ff_l_w2, ff_h_w1, ff_h_w2)

if __name__ == "__main__":
    import jax
    _d = setup_inputs()
    print(jax.jit(kernel)(*tuple(_d.values())))

</pallas_src>

<mosaic_0001>
#map = affine_map<(d0, d1) -> (0, 0)>
#map1 = affine_map<(d0, d1) -> (0)>
module attributes {stable_mosaic.version = 14 : i64} {
  func.func @gather_kernel(%arg0: i32, %arg1: i32, %arg2: memref<32128x768xf32, #tpu.memory_space<hbm>>, %arg3: memref<8192xi32, #tpu.memory_space<hbm>>, %arg4: memref<8192x768xf32, #tpu.memory_space<hbm>>, %arg5: memref<256xi32, #tpu.memory_space<vmem>>, %arg6: memref<64x768xf32, #tpu.memory_space<vmem>>, %arg7: memref<64x768xf32, #tpu.memory_space<vmem>>, %arg8: memref<!tpu.dma_semaphore, #tpu.memory_space<semaphore_mem>>, %arg9: memref<!tpu.dma_semaphore, #tpu.memory_space<semaphore_mem>>, %arg10: memref<!tpu.dma_semaphore, #tpu.memory_space<semaphore_mem>>, %arg11: memref<!tpu.dma_semaphore, #tpu.memory_space<semaphore_mem>>) attributes {dimension_semantics = [#tpu.dimension_semantics<core_parallel>, #tpu.dimension_semantics<subcore_parallel>], iteration_bounds = array<i64: 2, 16>, scalar_prefetch = 0 : i64, scratch_operands = 7 : i64, tpu.core_type = #tpu.core_type<sc_vector_subcore>, window_params = [{transform_indices = #map}, {transform_indices = #map1}, {transform_indices = #map}]} {
    %mul3A = arith.constant 2 : i32
    %mul3A_0 = arith.muli %arg1, %mul3A : i32
    %add3A = arith.addi %mul3A_0, %arg0 : i32
    %mul3A_1 = arith.constant 256 : i32
    %mul3A_2 = arith.muli %add3A, %mul3A_1 : i32
    "tpu.region"() ({
      %run_scoped3A = tpu.sem_alloc : memref<!tpu.dma_semaphore, #tpu.memory_space<semaphore_mem>>
      %dma_start3A_81 = tpu.memref_slice %arg3[%mul3A_2] : memref<8192xi32, #tpu.memory_space<hbm>> -> memref<256xi32, #tpu.memory_space<hbm>>
      %dma_start3A_82 = tpu.memref_slice %arg3[%mul3A_2] : memref<8192xi32, #tpu.memory_space<hbm>> -> memref<256xi32, #tpu.memory_space<hbm>>
      tpu.enqueue_dma source(%dma_start3A_82 : memref<256xi32, #tpu.memory_space<hbm>>) target(%arg5 : memref<256xi32, #tpu.memory_space<vmem>>) target_semaphore(%run_scoped3A : memref<!tpu.dma_semaphore, #tpu.memory_space<semaphore_mem>>)
      %dma_wait3A_83 = tpu.memref_slice %arg3[%mul3A_2] : memref<8192xi32, #tpu.memory_space<hbm>> -> memref<256xi32, #tpu.memory_space<hbm>>
      %dma_wait3A_84 = tpu.memref_slice %arg3[%mul3A_2] : memref<8192xi32, #tpu.memory_space<hbm>> -> memref<256xi32, #tpu.memory_space<hbm>>
      tpu.wait_dma2 semaphore(%run_scoped3A : memref<!tpu.dma_semaphore, #tpu.memory_space<semaphore_mem>>) src(%dma_wait3A_84 : memref<256xi32, #tpu.memory_space<hbm>>) dst(%arg5 : memref<256xi32, #tpu.memory_space<vmem>>)
      tpu.yield
    }) : () -> ()
    %dma_start3A = arith.constant 0 : i32
    %dma_start3A_3 = tpu.memref_slice %arg5[%dma_start3A] : memref<256xi32, #tpu.memory_space<vmem>> -> memref<64xi32, #tpu.memory_space<vmem>>
    %dma_start3A_4 = arith.constant 0 : i32
    %dma_start3A_5 = arith.constant 0 : i32
    %dma_start3A_6 = tpu.memref_slice %arg2[%dma_start3A_4, %dma_start3A_5] : memref<32128x768xf32, #tpu.memory_space<hbm>> -> memref<32128x768xf32, #tpu.memory_space<hbm>>
    tpu.enqueue_indirect_dma source(%dma_start3A_6 : memref<32128x768xf32, #tpu.memory_space<hbm>>) target(%arg6 : memref<64x768xf32, #tpu.memory_space<vmem>>) offsets(%dma_start3A_3 : memref<64xi32, #tpu.memory_space<vmem>>) semaphore(%arg8 : memref<!tpu.dma_semaphore, #tpu.memory_space<semaphore_mem>>)
    %dma_start3A_7 = arith.constant 64 : i32
    %dma_start3A_8 = tpu.memref_slice %arg5[%dma_start3A_7] : memref<256xi32, #tpu.memory_space<vmem>> -> memref<64xi32, #tpu.memory_space<vmem>>
    %dma_start3A_9 = arith.constant 0 : i32
    %dma_start3A_10 = arith.constant 0 : i32
    %dma_start3A_11 = tpu.memref_slice %arg2[%dma_start3A_9, %dma_start3A_10] : memref<32128x768xf32, #tpu.memory_space<hbm>> -> memref<32128x768xf32, #tpu.memory_space<hbm>>
    tpu.enqueue_indirect_dma source(%dma_start3A_11 : memref<32128x768xf32, #tpu.memory_space<hbm>>) target(%arg7 : memref<64x768xf32, #tpu.memory_space<vmem>>) offsets(%dma_start3A_8 : memref<64xi32, #tpu.memory_space<vmem>>) semaphore(%arg9 : memref<!tpu.dma_semaphore, #tpu.memory_space<semaphore_mem>>)
    %dma_wait3A = arith.constant 0 : i32
    %dma_wait3A_12 = tpu.memref_slice %arg5[%dma_wait3A] : memref<256xi32, #tpu.memory_space<vmem>> -> memref<64xi32, #tpu.memory_space<vmem>>
    %dma_wait3A_13 = arith.constant 0 : i32
    %dma_wait3A_14 = arith.constant 0 : i32
    %dma_wait3A_15 = tpu.memref_slice %arg2[%dma_wait3A_13, %dma_wait3A_14] : memref<32128x768xf32, #tpu.memory_space<hbm>> -> memref<32128x768xf32, #tpu.memory_space<hbm>>
    tpu.wait_indirect_dma semaphore(%arg8 : memref<!tpu.dma_semaphore, #tpu.memory_space<semaphore_mem>>) src(%dma_wait3A_15 : memref<32128x768xf32, #tpu.memory_space<hbm>>) dst(%arg6 : memref<64x768xf32, #tpu.memory_space<vmem>>)
    %add3A_16 = arith.constant 0 : i32
    %add3A_17 = arith.addi %mul3A_2, %add3A_16 : i32
    %dma_start3A_18 = arith.constant 0 : i32
    %dma_start3A_19 = tpu.memref_slice %arg4[%add3A_17, %dma_start3A_18] : memref<8192x768xf32, #tpu.memory_space<hbm>> -> memref<64x768xf32, #tpu.memory_space<hbm>>
    %dma_start3A_20 = arith.constant 0 : i32
    %dma_start3A_21 = tpu.memref_slice %arg4[%add3A_17, %dma_start3A_20] : memref<8192x768xf32, #tpu.memory_space<hbm>> -> memref<64x768xf32, #tpu.memory_space<hbm>>
    tpu.enqueue_dma source(%arg6 : memref<64x768xf32, #tpu.memory_space<vmem>>) target(%dma_start3A_21 : memref<64x768xf32, #tpu.memory_space<hbm>>) target_semaphore(%arg10 : memref<!tpu.dma_semaphore, #tpu.memory_space<semaphore_mem>>)
    %dma_wait3A_22 = arith.constant 0 : i32
    %dma_wait3A_23 = tpu.memref_slice %arg4[%add3A_17, %dma_wait3A_22] : memref<8192x768xf32, #tpu.memory_space<hbm>> -> memref<64x768xf32, #tpu.memory_space<hbm>>
    %dma_wait3A_24 = arith.constant 0 : i32
    %dma_wait3A_25 = tpu.memref_slice %arg4[%add3A_17, %dma_wait3A_24] : memref<8192x768xf32, #tpu.memory_space<hbm>> -> memref<64x768xf32, #tpu.memory_space<hbm>>
    tpu.wait_dma2 semaphore(%arg10 : memref<!tpu.dma_semaphore, #tpu.memory_space<semaphore_mem>>) src(%arg6 : memref<64x768xf32, #tpu.memory_space<vmem>>) dst(%dma_wait3A_25 : memref<64x768xf32, #tpu.memory_space<hbm>>)
    %dma_start3A_26 = arith.constant 128 : i32
    %dma_start3A_27 = tpu.memref_slice %arg5[%dma_start3A_26] : memref<256xi32, #tpu.memory_space<vmem>> -> memref<64xi32, #tpu.memory_space<vmem>>
    %dma_start3A_28 = arith.constant 0 : i32
    %dma_start3A_29 = arith.constant 0 : i32
    %dma_start3A_30 = tpu.memref_slice %arg2[%dma_start3A_28, %dma_start3A_29] : memref<32128x768xf32, #tpu.memory_space<hbm>> -> memref<32128x768xf32, #tpu.memory_space<hbm>>
    tpu.enqueue_indirect_dma source(%dma_start3A_30 : memref<32128x768xf32, #tpu.memory_space<hbm>>) target(%arg6 : memref<64x768xf32, #tpu.memory_space<vmem>>) offsets(%dma_start3A_27 : memref<64xi32, #tpu.memory_space<vmem>>) semaphore(%arg8 : memref<!tpu.dma_semaphore, #tpu.memory_space<semaphore_mem>>)
    %dma_wait3A_31 = arith.constant 64 : i32
    %dma_wait3A_32 = tpu.memref_slice %arg5[%dma_wait3A_31] : memref<256xi32, #tpu.memory_space<vmem>> -> memref<64xi32, #tpu.memory_space<vmem>>
    %dma_wait3A_33 = arith.constant 0 : i32
    %dma_wait3A_34 = arith.constant 0 : i32
    %dma_wait3A_35 = tpu.memref_slice %arg2[%dma_wait3A_33, %dma_wait3A_34] : memref<32128x768xf32, #tpu.memory_space<hbm>> -> memref<32128x768xf32, #tpu.memory_space<hbm>>
    tpu.wait_indirect_dma semaphore(%arg9 : memref<!tpu.dma_semaphore, #tpu.memory_space<semaphore_mem>>) src(%dma_wait3A_35 : memref<32128x768xf32, #tpu.memory_space<hbm>>) dst(%arg7 : memref<64x768xf32, #tpu.memory_space<vmem>>)
    %add3A_36 = arith.constant 64 : i32
    %add3A_37 = arith.addi %mul3A_2, %add3A_36 : i32
    %dma_start3A_38 = arith.constant 0 : i32
    %dma_start3A_39 = tpu.memref_slice %arg4[%add3A_37, %dma_start3A_38] : memref<8192x768xf32, #tpu.memory_space<hbm>> -> memref<64x768xf32, #tpu.memory_space<hbm>>
    %dma_start3A_40 = arith.constant 0 : i32
    %dma_start3A_41 = tpu.memref_slice %arg4[%add3A_37, %dma_start3A_40] : memref<8192x768xf32, #tpu.memory_space<hbm>> -> memref<64x768xf32, #tpu.memory_space<hbm>>
    tpu.enqueue_dma source(%arg7 : memref<64x768xf32, #tpu.memory_space<vmem>>) target(%dma_start3A_41 : memref<64x768xf32, #tpu.memory_space<hbm>>) target_semaphore(%arg11 : memref<!tpu.dma_semaphore, #tpu.memory_space<semaphore_mem>>)
    %dma_wait3A_42 = arith.constant 0 : i32
    %dma_wait3A_43 = tpu.memref_slice %arg4[%add3A_37, %dma_wait3A_42] : memref<8192x768xf32, #tpu.memory_space<hbm>> -> memref<64x768xf32, #tpu.memory_space<hbm>>
    %dma_wait3A_44 = arith.constant 0 : i32
    %dma_wait3A_45 = tpu.memref_slice %arg4[%add3A_37, %dma_wait3A_44] : memref<8192x768xf32, #tpu.memory_space<hbm>> -> memref<64x768xf32, #tpu.memory_space<hbm>>
    tpu.wait_dma2 semaphore(%arg11 : memref<!tpu.dma_semaphore, #tpu.memory_space<semaphore_mem>>) src(%arg7 : memref<64x768xf32, #tpu.memory_space<vmem>>) dst(%dma_wait3A_45 : memref<64x768xf32, #tpu.memory_space<hbm>>)
    %dma_start3A_46 = arith.constant 192 : i32
    %dma_start3A_47 = tpu.memref_slice %arg5[%dma_start3A_46] : memref<256xi32, #tpu.memory_space<vmem>> -> memref<64xi32, #tpu.memory_space<vmem>>
    %dma_start3A_48 = arith.constant 0 : i32
    %dma_start3A_49 = arith.constant 0 : i32
    %dma_start3A_50 = tpu.memref_slice %arg2[%dma_start3A_48, %dma_start3A_49] : memref<32128x768xf32, #tpu.memory_space<hbm>> -> memref<32128x768xf32, #tpu.memory_space<hbm>>
    tpu.enqueue_indirect_dma source(%dma_start3A_50 : memref<32128x768xf32, #tpu.memory_space<hbm>>) target(%arg7 : memref<64x768xf32, #tpu.memory_space<vmem>>) offsets(%dma_start3A_47 : memref<64xi32, #tpu.memory_space<vmem>>) semaphore(%arg9 : memref<!tpu.dma_semaphore, #tpu.memory_space<semaphore_mem>>)
    %dma_wait3A_51 = arith.constant 128 : i32
    %dma_wait3A_52 = tpu.memref_slice %arg5[%dma_wait3A_51] : memref<256xi32, #tpu.memory_space<vmem>> -> memref<64xi32, #tpu.memory_space<vmem>>
    %dma_wait3A_53 = arith.constant 0 : i32
    %dma_wait3A_54 = arith.constant 0 : i32
    %dma_wait3A_55 = tpu.memref_slice %arg2[%dma_wait3A_53, %dma_wait3A_54] : memref<32128x768xf32, #tpu.memory_space<hbm>> -> memref<32128x768xf32, #tpu.memory_space<hbm>>
    tpu.wait_indirect_dma semaphore(%arg8 : memref<!tpu.dma_semaphore, #tpu.memory_space<semaphore_mem>>) src(%dma_wait3A_55 : memref<32128x768xf32, #tpu.memory_space<hbm>>) dst(%arg6 : memref<64x768xf32, #tpu.memory_space<vmem>>)
    %add3A_56 = arith.constant 128 : i32
    %add3A_57 = arith.addi %mul3A_2, %add3A_56 : i32
    %dma_start3A_58 = arith.constant 0 : i32
    %dma_start3A_59 = tpu.memref_slice %arg4[%add3A_57, %dma_start3A_58] : memref<8192x768xf32, #tpu.memory_space<hbm>> -> memref<64x768xf32, #tpu.memory_space<hbm>>
    %dma_start3A_60 = arith.constant 0 : i32
    %dma_start3A_61 = tpu.memref_slice %arg4[%add3A_57, %dma_start3A_60] : memref<8192x768xf32, #tpu.memory_space<hbm>> -> memref<64x768xf32, #tpu.memory_space<hbm>>
    tpu.enqueue_dma source(%arg6 : memref<64x768xf32, #tpu.memory_space<vmem>>) target(%dma_start3A_61 : memref<64x768xf32, #tpu.memory_space<hbm>>) target_semaphore(%arg10 : memref<!tpu.dma_semaphore, #tpu.memory_space<semaphore_mem>>)
    %dma_wait3A_62 = arith.constant 192 : i32
    %dma_wait3A_63 = tpu.memref_slice %arg5[%dma_wait3A_62] : memref<256xi32, #tpu.memory_space<vmem>> -> memref<64xi32, #tpu.memory_space<vmem>>
    %dma_wait3A_64 = arith.constant 0 : i32
    %dma_wait3A_65 = arith.constant 0 : i32
    %dma_wait3A_66 = tpu.memref_slice %arg2[%dma_wait3A_64, %dma_wait3A_65] : memref<32128x768xf32, #tpu.memory_space<hbm>> -> memref<32128x768xf32, #tpu.memory_space<hbm>>
    tpu.wait_indirect_dma semaphore(%arg9 : memref<!tpu.dma_semaphore, #tpu.memory_space<semaphore_mem>>) src(%dma_wait3A_66 : memref<32128x768xf32, #tpu.memory_space<hbm>>) dst(%arg7 : memref<64x768xf32, #tpu.memory_space<vmem>>)
    %add3A_67 = arith.constant 192 : i32
    %add3A_68 = arith.addi %mul3A_2, %add3A_67 : i32
    %dma_start3A_69 = arith.constant 0 : i32
    %dma_start3A_70 = tpu.memref_slice %arg4[%add3A_68, %dma_start3A_69] : memref<8192x768xf32, #tpu.memory_space<hbm>> -> memref<64x768xf32, #tpu.memory_space<hbm>>
    %dma_start3A_71 = arith.constant 0 : i32
    %dma_start3A_72 = tpu.memref_slice %arg4[%add3A_68, %dma_start3A_71] : memref<8192x768xf32, #tpu.memory_space<hbm>> -> memref<64x768xf32, #tpu.memory_space<hbm>>
    tpu.enqueue_dma source(%arg7 : memref<64x768xf32, #tpu.memory_space<vmem>>) target(%dma_start3A_72 : memref<64x768xf32, #tpu.memory_space<hbm>>) target_semaphore(%arg11 : memref<!tpu.dma_semaphore, #tpu.memory_space<semaphore_mem>>)
    %dma_wait3A_73 = arith.constant 0 : i32
    %dma_wait3A_74 = tpu.memref_slice %arg4[%add3A_57, %dma_wait3A_73] : memref<8192x768xf32, #tpu.memory_space<hbm>> -> memref<64x768xf32, #tpu.memory_space<hbm>>
    %dma_wait3A_75 = arith.constant 0 : i32
    %dma_wait3A_76 = tpu.memref_slice %arg4[%add3A_57, %dma_wait3A_75] : memref<8192x768xf32, #tpu.memory_space<hbm>> -> memref<64x768xf32, #tpu.memory_space<hbm>>
    tpu.wait_dma2 semaphore(%arg10 : memref<!tpu.dma_semaphore, #tpu.memory_space<semaphore_mem>>) src(%arg6 : memref<64x768xf32, #tpu.memory_space<vmem>>) dst(%dma_wait3A_76 : memref<64x768xf32, #tpu.memory_space<hbm>>)
    %dma_wait3A_77 = arith.constant 0 : i32
    %dma_wait3A_78 = tpu.memref_slice %arg4[%add3A_68, %dma_wait3A_77] : memref<8192x768xf32, #tpu.memory_space<hbm>> -> memref<64x768xf32, #tpu.memory_space<hbm>>
    %dma_wait3A_79 = arith.constant 0 : i32
    %dma_wait3A_80 = tpu.memref_slice %arg4[%add3A_68, %dma_wait3A_79] : memref<8192x768xf32, #tpu.memory_space<hbm>> -> memref<64x768xf32, #tpu.memory_space<hbm>>
    tpu.wait_dma2 semaphore(%arg11 : memref<!tpu.dma_semaphore, #tpu.memory_space<semaphore_mem>>) src(%arg7 : memref<64x768xf32, #tpu.memory_space<vmem>>) dst(%dma_wait3A_80 : memref<64x768xf32, #tpu.memory_space<hbm>>)
    return
  }
}

module attributes {stable_mosaic.version = 14 : i64} {
  func.func @body(%arg0: i32, %arg1: memref<1024x768xf32, #tpu.memory_space<vmem>>, %arg2: memref<4x768xf32, #tpu.memory_space<vmem>>, %arg3: memref<4xi32, #tpu.memory_space<smem>>, %arg4: memref<768x1xf32, #tpu.memory_space<vmem>>, %arg5: memref<768x768xf32, #tpu.memory_space<vmem>>, %arg6: memref<768x768xf32, #tpu.memory_space<vmem>>, %arg7: memref<768x768xf32, #tpu.memory_space<vmem>>, %arg8: memref<768x768xf32, #tpu.memory_space<vmem>>, %arg9: memref<2x768xf32, #tpu.memory_space<vmem>>, %arg10: memref<1024x768xf32, #tpu.memory_space<vmem>>, %arg11: memref<4xi32, #tpu.memory_space<smem>>, %arg12: memref<4x1xf32, #tpu.memory_space<vmem>>, %arg13: memref<4xi32, #tpu.memory_space<smem>>, %arg14: memref<4x1xf32, #tpu.memory_space<vmem>>, %arg15: memref<768x768xbf16, #tpu.memory_space<vmem>>, %arg16: memref<768x768xbf16, #tpu.memory_space<vmem>>, %arg17: memref<768x768xbf16, #tpu.memory_space<vmem>>, %arg18: memref<768x768xbf16, #tpu.memory_space<vmem>>, %arg19: memref<8x1024xf32, #tpu.memory_space<vmem>>, %arg20: memref<8x1024xf32, #tpu.memory_space<vmem>>) attributes {dimension_semantics = [#tpu.dimension_semantics<arbitrary>], iteration_bounds = array<i64: 8>, scalar_prefetch = 0 : i64, scratch_operands = 6 : i64, tpu.core_type = #tpu.core_type<tc>, window_params = [{transform_indices = @transform_0, window_bounds = array<i64: 1024, 768>}, {pipeline_mode = #tpu.pipeline_mode<synchronous>, transform_indices = @transform_1, window_bounds = array<i64: 4, 768>}, {transform_indices = @transform_2, window_bounds = array<i64: 4>}, {pipeline_mode = #tpu.pipeline_mode<synchronous>, transform_indices = @transform_3, window_bounds = array<i64: 768, 1>}, {pipeline_mode = #tpu.pipeline_mode<synchronous>, transform_indices = @transform_4, window_bounds = array<i64: 768, 768>}, {pipeline_mode = #tpu.pipeline_mode<synchronous>, transform_indices = @transform_5, window_bounds = array<i64: 768, 768>}, {pipeline_mode = #tpu.pipeline_mode<synchronous>, transform_indices = @transform_6, window_bounds = array<i64: 768, 768>}, {pipeline_mode = #tpu.pipeline_mode<synchronous>, transform_indices = @transform_7, window_bounds = array<i64: 768, 768>}, {pipeline_mode = #tpu.pipeline_mode<synchronous>, transform_indices = @transform_8, window_bounds = array<i64: 2, 768>}, {transform_indices = @transform_9, window_bounds = array<i64: 1024, 768>}, {transform_indices = @transform_10, window_bounds = array<i64: 4>}, {pipeline_mode = #tpu.pipeline_mode<synchronous>, transform_indices = @transform_11, window_bounds = array<i64: 4, 1>}, {transform_indices = @transform_12, window_bounds = array<i64: 4>}, {pipeline_mode = #tpu.pipeline_mode<synchronous>, transform_indices = @transform_13, window_bounds = array<i64: 4, 1>}]} {
    %eq3A = arith.constant 0 : i32
    %eq3A_0 = arith.cmpi eq, %arg0, %eq3A : i32
    %convert_element_type3A = arith.extui %eq3A_0 : i1 to i32
    %cond3A = arith.constant 0 : i32
    %cond3A_1 = arith.cmpi ne, %convert_element_type3A, %cond3A : i32
    scf.if %cond3A_1 {
      %get3A_116 = arith.constant 0 : index
      %get3A_117 = arith.constant 0 : index
      %get3A_118 = vector.load %arg4[%get3A_116, %get3A_117] : memref<768x1xf32, #tpu.memory_space<vmem>>, vector<768x1xf32>
      %get3A_119 = arith.constant 0 : index
      %get3A_120 = arith.constant 0 : index
      %get3A_121 = vector.load %arg5[%get3A_119, %get3A_120] : memref<768x768xf32, #tpu.memory_space<vmem>>, vector<768x768xf32>
      %mul3A_122 = arith.constant 0.0360843912 : f32
      %mul3A_123 = vector.broadcast %mul3A_122 : f32 to vector<768x1xf32>
      %mul3A_124 = arith.mulf %get3A_118, %mul3A_123 : vector<768x1xf32>
      %mul3A_125 = vector.broadcast %mul3A_124 : vector<768x1xf32> to vector<768x768xf32>
      %mul3A_126 = arith.mulf %get3A_121, %mul3A_125 : vector<768x768xf32>
      %convert_element_type3A_127 = arith.truncf %mul3A_126 : vector<768x768xf32> to vector<768x768xbf16>
      %swap3A_128 = arith.constant 0 : index
      %swap3A_129 = arith.constant 0 : index
      %swap3A_130 = vector.load %arg15[%swap3A_128, %swap3A_129] : memref<768x768xbf16, #tpu.memory_space<vmem>>, vector<768x768xbf16>
      tpu.vector_store %arg15[%swap3A_128, %swap3A_129], %convert_element_type3A_127 {strides = array<i32>} : memref<768x768xbf16, #tpu.memory_space<vmem>>, vector<768x768xbf16>,
      %get3A_131 = arith.constant 0 : index
      %get3A_132 = arith.constant 0 : index
      %get3A_133 = vector.load %arg6[%get3A_131, %get3A_132] : memref<768x768xf32, #tpu.memory_space<vmem>>, vector<768x768xf32>
      %mul3A_134 = vector.broadcast %get3A_118 : vector<768x1xf32> to vector<768x768xf32>
      %mul3A_135 = arith.mulf %get3A_133, %mul3A_134 : vector<768x768xf32>
      %convert_element_type3A_136 = arith.truncf %mul3A_135 : vector<768x768xf32> to vector<768x768xbf16>
      %swap3A_137 = arith.constant 0 : index
      %swap3A_138 = arith.constant 0 : index
      %swap3A_139 = vector.load %arg16[%swap3A_137, %swap3A_138] : memref<768x768xbf16, #tpu.memory_space<vmem>>, vector<768x768xbf16>
      tpu.vector_store %arg16[%swap3A_137, %swap3A_138], %convert_element_type3A_136 {strides = array<i32>} : memref<768x768xbf16, #tpu.memory_space<vmem>>, vector<768x768xbf16>,
      %get3A_140 = arith.constant 0 : index
      %get3A_141 = arith.constant 0 : index
      %get3A_142 = vector.load %arg7[%get3A_140, %get3A_141] : memref<768x768xf32, #tpu.memory_space<vmem>>, vector<768x768xf32>
      %mul3A_143 = vector.broadcast %get3A_118 : vector<768x1xf32> to vector<768x768xf32>
      %mul3A_144 = arith.mulf %get3A_142, %mul3A_143 : vector<768x768xf32>
      %convert_element_type3A_145 = arith.truncf %mul3A_144 : vector<768x768xf32> to vector<768x768xbf16>
      %swap3A_146 = arith.constant 0 : index
      %swap3A_147 = arith.constant 0 : index
      %swap3A_148 = vector.load %arg17[%swap3A_146, %swap3A_147] : memref<768x768xbf16, #tpu.memory_space<vmem>>, vector<768x768xbf16>
      tpu.vector_store %arg17[%swap3A_146, %swap3A_147], %convert_element_type3A_145 {strides = array<i32>} : memref<768x768xbf16, #tpu.memory_space<vmem>>, vector<768x768xbf16>,
      %get3A_149 = arith.constant 0 : index
      %get3A_150 = arith.constant 0 : index
      %get3A_151 = vector.load %arg8[%get3A_149, %get3A_150] : memref<768x768xf32, #tpu.memory_space<vmem>>, vector<768x768xf32>
      %convert_element_type3A_152 = arith.truncf %get3A_151 : vector<768x768xf32> to vector<768x768xbf16>
      %swap3A_153 = arith.constant 0 : index
      %swap3A_154 = arith.constant 0 : index
      %swap3A_155 = vector.load %arg18[%swap3A_153, %swap3A_154] : memref<768x768xbf16, #tpu.memory_space<vmem>>, vector<768x768xbf16>
      tpu.vector_store %arg18[%swap3A_153, %swap3A_154], %convert_element_type3A_152 {strides = array<i32>} : memref<768x768xbf16, #tpu.memory_space<vmem>>, vector<768x768xbf16>,
    } else {
    }
    %get3A = arith.constant 0 : index
    %get3A_2 = arith.constant 0 : index
    %get3A_3 = vector.load %arg1[%get3A, %get3A_2] : memref<1024x768xf32, #tpu.memory_space<vmem>>, vector<1024x768xf32>
    %iota3A = tpu.iota {dimensions = array<i32: 0>} : vector<1024x1xi32>
    %mul3A = arith.constant 1024 : i32
    %mul3A_4 = arith.muli %arg0, %mul3A : i32
    %add3A = vector.broadcast %mul3A_4 : i32 to vector<1024x1xi32>
    %add3A_5 = arith.addi %iota3A, %add3A : vector<1024x1xi32>
    %get3A_6 = arith.constant 0 : index
    %get3A_7 = memref.load %arg3[%get3A_6] : memref<4xi32, #tpu.memory_space<smem>>
    %eq3A_8 = vector.broadcast %get3A_7 : i32 to vector<1024x1xi32>
    %eq3A_9 = arith.cmpi eq, %add3A_5, %eq3A_8 : vector<1024x1xi32>
    %convert_element_type3A_10 = arith.extui %eq3A_9 : vector<1024x1xi1> to vector<1024x1xi32>
    %convert_element_type3A_11 = arith.sitofp %convert_element_type3A_10 : vector<1024x1xi32> to vector<1024x1xf32>
    %convert_element_type3A_12 = arith.truncf %convert_element_type3A_11 : vector<1024x1xf32> to vector<1024x1xbf16>
    %get3A_13 = arith.constant 1 : index
    %get3A_14 = memref.load %arg3[%get3A_13] : memref<4xi32, #tpu.memory_space<smem>>
    %eq3A_15 = vector.broadcast %get3A_14 : i32 to vector<1024x1xi32>
    %eq3A_16 = arith.cmpi eq, %add3A_5, %eq3A_15 : vector<1024x1xi32>
    %convert_element_type3A_17 = arith.extui %eq3A_16 : vector<1024x1xi1> to vector<1024x1xi32>
    %convert_element_type3A_18 = arith.sitofp %convert_element_type3A_17 : vector<1024x1xi32> to vector<1024x1xf32>
    %convert_element_type3A_19 = arith.truncf %convert_element_type3A_18 : vector<1024x1xf32> to vector<1024x1xbf16>
    %get3A_20 = arith.constant 2 : index
    %get3A_21 = memref.load %arg3[%get3A_20] : memref<4xi32, #tpu.memory_space<smem>>
    %eq3A_22 = vector.broadcast %get3A_21 : i32 to vector<1024x1xi32>
    %eq3A_23 = arith.cmpi eq, %add3A_5, %eq3A_22 : vector<1024x1xi32>
    %convert_element_type3A_24 = arith.extui %eq3A_23 : vector<1024x1xi1> to vector<1024x1xi32>
    %convert_element_type3A_25 = arith.sitofp %convert_element_type3A_24 : vector<1024x1xi32> to vector<1024x1xf32>
    %convert_element_type3A_26 = arith.truncf %convert_element_type3A_25 : vector<1024x1xf32> to vector<1024x1xbf16>
    %get3A_27 = arith.constant 3 : index
    %get3A_28 = memref.load %arg3[%get3A_27] : memref<4xi32, #tpu.memory_space<smem>>
    %eq3A_29 = vector.broadcast %get3A_28 : i32 to vector<1024x1xi32>
    %eq3A_30 = arith.cmpi eq, %add3A_5, %eq3A_29 : vector<1024x1xi32>
    %convert_element_type3A_31 = arith.extui %eq3A_30 : vector<1024x1xi1> to vector<1024x1xi32>
    %convert_element_type3A_32 = arith.sitofp %convert_element_type3A_31 : vector<1024x1xi32> to vector<1024x1xf32>
    %convert_element_type3A_33 = arith.truncf %convert_element_type3A_32 : vector<1024x1xf32> to vector<1024x1xbf16>
    %concatenate3A = tpu.concatenate %convert_element_type3A_12, %convert_element_type3A_19, %convert_element_type3A_26, %convert_element_type3A_33 in 1 : vector<1024x1xbf16>, vector<1024x1xbf16>, vector<1024x1xbf16>, vector<1024x1xbf16> -> vector<1024x4xbf16>
    %get3A_34 = arith.constant 0 : index
    %get3A_35 = arith.constant 0 : index
    %get3A_36 = vector.load %arg2[%get3A_34, %get3A_35] : memref<4x768xf32, #tpu.memory_space<vmem>>, vector<4x768xf32>
    %convert_element_type3A_37 = arith.truncf %get3A_36 : vector<4x768xf32> to vector<4x768xbf16>
    %dot_general3A = arith.constant dense<0.000000e+00> : vector<1024x768xf32>
    %dot_general3A_38 = tpu.matmul %concatenate3A, %convert_element_type3A_37, %dot_general3A {dimension_numbers = #tpu.dot_dimension_numbers<[1], [0], [0], [1], [0, 0, 1, 1], [], []>, transpose_lhs_hint = false} : vector<1024x4xbf16>, vector<4x768xbf16>, vector<1024x768xf32> -> vector<1024x768xf32>
    %add3A_39 = arith.addf %get3A_3, %dot_general3A_38 : vector<1024x768xf32>
    %reduce_sum3A = arith.constant dense<0.000000e+00> : vector<1024xf32>
    %reduce_sum3A_40 = vector.multi_reduction <add>, %add3A_39, %reduce_sum3A [1] : vector<1024x768xf32> to vector<1024xf32>
    %broadcast_in_dim3A = vector.shape_cast %reduce_sum3A_40 : vector<1024xf32> to vector<1024x1xf32>
    %div3A = arith.constant 7.680000e+02 : f32
    %div3A_41 = vector.broadcast %div3A : f32 to vector<1024x1xf32>
    %div3A_42 = arith.divf %broadcast_in_dim3A, %div3A_41 : vector<1024x1xf32>
    %mul3A_43 = arith.mulf %add3A_39, %add3A_39 : vector<1024x768xf32>
    %reduce_sum3A_44 = arith.constant dense<0.000000e+00> : vector<1024xf32>
    %reduce_sum3A_45 = vector.multi_reduction <add>, %mul3A_43, %reduce_sum3A_44 [1] : vector<1024x768xf32> to vector<1024xf32>
    %broadcast_in_dim3A_46 = vector.shape_cast %reduce_sum3A_45 : vector<1024xf32> to vector<1024x1xf32>
    %div3A_47 = arith.constant 7.680000e+02 : f32
    %div3A_48 = vector.broadcast %div3A_47 : f32 to vector<1024x1xf32>
    %div3A_49 = arith.divf %broadcast_in_dim3A_46, %div3A_48 : vector<1024x1xf32>
    %mul3A_50 = arith.mulf %div3A_42, %div3A_42 : vector<1024x1xf32>
    %sub3A = arith.subf %div3A_49, %mul3A_50 : vector<1024x1xf32>
    %sub3A_51 = vector.broadcast %div3A_42 : vector<1024x1xf32> to vector<1024x768xf32>
    %sub3A_52 = arith.subf %add3A_39, %sub3A_51 : vector<1024x768xf32>
    %add3A_53 = arith.constant 9.99999997E-7 : f32
    %add3A_54 = vector.broadcast %add3A_53 : f32 to vector<1024x1xf32>
    %add3A_55 = arith.addf %sub3A, %add3A_54 : vector<1024x1xf32>
    %rsqrt3A = math.rsqrt %add3A_55 : vector<1024x1xf32>
    %mul3A_56 = vector.broadcast %rsqrt3A : vector<1024x1xf32> to vector<1024x768xf32>
    %mul3A_57 = arith.mulf %sub3A_52, %mul3A_56 : vector<1024x768xf32>
    %convert_element_type3A_58 = arith.truncf %mul3A_57 : vector<1024x768xf32> to vector<1024x768xbf16>
    %get3A_59 = arith.constant 0 : index
    %get3A_60 = arith.constant 0 : index
    %get3A_61 = vector.load %arg9[%get3A_59, %get3A_60] : memref<2x768xf32, #tpu.memory_space<vmem>>, vector<2x768xf32>
    %dot_general3A_62 = arith.constant dense<0.000000e+00> : vector<2x1024xf32>
    %dot_general3A_63 = tpu.matmul %get3A_61, %mul3A_57, %dot_general3A_62 {dimension_numbers = #tpu.dot_dimension_numbers<[1], [1], [0], [0], [0, 0, 1, 0], [], []>, transpose_lhs_hint = false} : vector<2x768xf32>, vector<1024x768xf32>, vector<2x1024xf32> -> vector<2x1024xf32>
    %slice3A = vector.extract_strided_slice %dot_general3A_63 {offsets = [0, 0], sizes = [1, 1024], strides = [1, 1]} : vector<2x1024xf32> to vector<1x1024xf32>
    %swap3A = arith.index_cast %arg0 : i32 to index
    %swap3A_64 = arith.constant 0 : index
    %swap3A_65 = vector.load %arg19[%swap3A, %swap3A_64] : memref<8x1024xf32, #tpu.memory_space<vmem>>, vector<1x1024xf32>
    tpu.vector_store %arg19[%swap3A, %swap3A_64], %slice3A {strides = array<i32>} : memref<8x1024xf32, #tpu.memory_space<vmem>>, vector<1x1024xf32>,
    %slice3A_66 = vector.extract_strided_slice %dot_general3A_63 {offsets = [1, 0], sizes = [1, 1024], strides = [1, 1]} : vector<2x1024xf32> to vector<1x1024xf32>
    %swap3A_67 = arith.index_cast %arg0 : i32 to index
    %swap3A_68 = arith.constant 0 : index
    %swap3A_69 = vector.load %arg20[%swap3A_67, %swap3A_68] : memref<8x1024xf32, #tpu.memory_space<vmem>>, vector<1x1024xf32>
    tpu.vector_store %arg20[%swap3A_67, %swap3A_68], %slice3A_66 {strides = array<i32>} : memref<8x1024xf32, #tpu.memory_space<vmem>>, vector<1x1024xf32>,
    %get3A_70 = arith.constant 0 : index
    %get3A_71 = arith.constant 0 : index
    %get3A_72 = vector.load %arg15[%get3A_70, %get3A_71] : memref<768x768xbf16, #tpu.memory_space<vmem>>, vector<768x768xbf16>
    %dot_general3A_73 = arith.constant dense<0.000000e+00> : vector<1024x768xf32>
    %dot_general3A_74 = tpu.matmul %convert_element_type3A_58, %get3A_72, %dot_general3A_73 {dimension_numbers = #tpu.dot_dimension_numbers<[1], [0], [0], [1], [0, 0, 1, 1], [], []>, transpose_lhs_hint = false} : vector<1024x768xbf16>, vector<768x768xbf16>, vector<1024x768xf32> -> vector<1024x768xf32>
    %convert_element_type3A_75 = arith.truncf %dot_general3A_74 : vector<1024x768xf32> to vector<1024x768xbf16>
    %get3A_76 = arith.constant 0 : index
    %get3A_77 = arith.constant 0 : index
    %get3A_78 = vector.load %arg16[%get3A_76, %get3A_77] : memref<768x768xbf16, #tpu.memory_space<vmem>>, vector<768x768xbf16>
    %dot_general3A_79 = arith.constant dense<0.000000e+00> : vector<1024x768xf32>
    %dot_general3A_80 = tpu.matmul %convert_element_type3A_58, %get3A_78, %dot_general3A_79 {dimension_numbers = #tpu.dot_dimension_numbers<[1], [0], [0], [1], [0, 0, 1, 1], [], []>, transpose_lhs_hint = false} : vector<1024x768xbf16>, vector<768x768xbf16>, vector<1024x768xf32> -> vector<1024x768xf32>
    %convert_element_type3A_81 = arith.truncf %dot_general3A_80 : vector<1024x768xf32> to vector<1024x768xbf16>
    %get3A_82 = arith.constant 0 : index
    %get3A_83 = arith.constant 0 : index
    %get3A_84 = vector.load %arg17[%get3A_82, %get3A_83] : memref<768x768xbf16, #tpu.memory_space<vmem>>, vector<768x768xbf16>
    %dot_general3A_85 = arith.constant dense<0.000000e+00> : vector<1024x768xf32>
    %dot_general3A_86 = tpu.matmul %convert_element_type3A_58, %get3A_84, %dot_general3A_85 {dimension_numbers = #tpu.dot_dimension_numbers<[1], [0], [0], [1], [0, 0, 1, 1], [], []>, transpose_lhs_hint = false} : vector<1024x768xbf16>, vector<768x768xbf16>, vector<1024x768xf32> -> vector<1024x768xf32>
    %convert_element_type3A_87 = arith.truncf %dot_general3A_86 : vector<1024x768xf32> to vector<1024x768xbf16>
    %reshape3A = vector.shape_cast %convert_element_type3A_75 : vector<1024x768xbf16> to vector<8x128x768xbf16>
    %reshape3A_88 = vector.shape_cast %convert_element_type3A_81 : vector<1024x768xbf16> to vector<8x128x768xbf16>
    %reshape3A_89 = vector.shape_cast %convert_element_type3A_87 : vector<1024x768xbf16> to vector<8x128x768xbf16>
    %dot_general3A_90 = arith.constant dense<0.000000e+00> : vector<8x128x128xf32>
    %dot_general3A_91 = tpu.matmul %reshape3A, %reshape3A_88, %dot_general3A_90 {dimension_numbers = #tpu.dot_dimension_numbers<[2], [2], [1], [1], [0, 0, 0, 1, 1, 1], [0], [0]>, transpose_lhs_hint = false} : vector<8x128x768xbf16>, vector<8x128x768xbf16>, vector<8x128x128xf32> -> vector<8x128x128xf32>
    %exp3A = math.exp %dot_general3A_91 : vector<8x128x128xf32>
    %reduce_sum3A_92 = arith.constant dense<0.000000e+00> : vector<8x128xf32>
    %reduce_sum3A_93 = vector.multi_reduction <add>, %exp3A, %reduce_sum3A_92 [2] : vector<8x128x128xf32> to vector<8x128xf32>
    %broadcast_in_dim3A_94 = vector.shape_cast %reduce_sum3A_93 : vector<8x128xf32> to vector<8x128x1xf32>
    %div3A_95 = vector.broadcast %broadcast_in_dim3A_94 : vector<8x128x1xf32> to vector<8x128x128xf32>
    %div3A_96 = arith.divf %exp3A, %div3A_95 : vector<8x128x128xf32>
    %convert_element_type3A_97 = arith.truncf %div3A_96 : vector<8x128x128xf32> to vector<8x128x128xbf16>
    %dot_general3A_98 = arith.constant dense<0.000000e+00> : vector<8x128x768xf32>
    %dot_general3A_99 = tpu.matmul %convert_element_type3A_97, %reshape3A_89, %dot_general3A_98 {dimension_numbers = #tpu.dot_dimension_numbers<[2], [1], [1], [2], [0, 0, 0, 1, 1, 2], [0], [0]>, transpose_lhs_hint = false} : vector<8x128x128xbf16>, vector<8x128x768xbf16>, vector<8x128x768xf32> -> vector<8x128x768xf32>
    %convert_element_type3A_100 = arith.truncf %dot_general3A_99 : vector<8x128x768xf32> to vector<8x128x768xbf16>
    %reshape3A_101 = vector.shape_cast %convert_element_type3A_100 : vector<8x128x768xbf16> to vector<1024x768xbf16>
    %get3A_102 = arith.constant 0 : index
    %get3A_103 = arith.constant 0 : index
    %get3A_104 = vector.load %arg18[%get3A_102, %get3A_103] : memref<768x768xbf16, #tpu.memory_space<vmem>>, vector<768x768xbf16>
    %dot_general3A_105 = arith.constant dense<0.000000e+00> : vector<1024x768xf32>
    %dot_general3A_106 = tpu.matmul %reshape3A_101, %get3A_104, %dot_general3A_105 {dimension_numbers = #tpu.dot_dimension_numbers<[1], [0], [0], [1], [0, 0, 1, 1], [], []>, transpose_lhs_hint = false} : vector<1024x768xbf16>, vector<768x768xbf16>, vector<1024x768xf32> -> vector<1024x768xf32>
    %add3A_107 = arith.addf %add3A_39, %dot_general3A_106 : vector<1024x768xf32>
    %swap3A_108 = arith.constant 0 : index
    %swap3A_109 = arith.constant 0 : index
    %swap3A_110 = vector.load %arg10[%swap3A_108, %swap3A_109] : memref<1024x768xf32, #tpu.memory_space<vmem>>, vector<1024x768xf32>
    tpu.vector_store %arg10[%swap3A_108, %swap3A_109], %add3A_107 {strides = array<i32>} : memref<1024x768xf32, #tpu.memory_space<vmem>>, vector<1024x768xf32>,
    %eq3A_111 = arith.constant 7 : i32
    %eq3A_112 = arith.cmpi eq, %arg0, %eq3A_111 : i32
    %convert_element_type3A_113 = arith.extui %eq3A_112 : i1 to i32
    %cond3A_114 = arith.constant 0 : i32
    %cond3A_115 = arith.cmpi ne, %convert_element_type3A_113, %cond3A_114 : i32
    scf.if %cond3A_115 {
      %iota3A_116 = tpu.iota {dimensions = array<i32: 0>} : vector<8x1024xi32>
      %mul3A_117 = arith.constant 1024 : i32
      %mul3A_118 = vector.broadcast %mul3A_117 : i32 to vector<8x1024xi32>
      %mul3A_119 = arith.muli %iota3A_116, %mul3A_118 : vector<8x1024xi32>
      %iota3A_120 = tpu.iota {dimensions = array<i32: 1>} : vector<8x1024xi32>
      %add3A_121 = arith.addi %mul3A_119, %iota3A_120 : vector<8x1024xi32>
      %get3A_122 = arith.constant 0 : index
      %get3A_123 = arith.constant 0 : index
      %get3A_124 = vector.load %arg19[%get3A_122, %get3A_123] : memref<8x1024xf32, #tpu.memory_space<vmem>>, vector<8x1024xf32>
      %reduce_max3A = vector.shape_cast %get3A_124 : vector<8x1024xf32> to vector<1x8x1024xf32>
      %reduce_max3A_125 = arith.constant dense<0xFF800000> : vector<1xf32>
      %reduce_max3A_126 = vector.multi_reduction <maximumf>, %reduce_max3A, %reduce_max3A_125 [1, 2] : vector<1x8x1024xf32> to vector<1xf32>
      %reduce_max3A_127 = vector.shape_cast %reduce_max3A_126 : vector<1xf32> to vector<1x1x1xf32>
      %reduce_max3A_128 = vector.extract %reduce_max3A_127[0, 0, 0] : f32 from vector<1x1x1xf32>
      %eq3A_129 = vector.broadcast %reduce_max3A_128 : f32 to vector<8x1024xf32>
      %eq3A_130 = arith.cmpf oeq, %get3A_124, %eq3A_129 : vector<8x1024xf32>
      %jit3A = arith.constant 8192 : i32
      %broadcast_in_dim3A_131 = vector.broadcast %jit3A : i32 to vector<8x1024xi32>
      %select_n3A = arith.select %eq3A_130, %add3A_121, %broadcast_in_dim3A_131 : vector<8x1024xi1>, vector<8x1024xi32>
      %reduce_min3A = vector.shape_cast %select_n3A : vector<8x1024xi32> to vector<1x8x1024xi32>
      %reduce_min3A_132 = arith.constant dense<2147483647> : vector<1xi32>
      %reduce_min3A_133 = vector.multi_reduction <minsi>, %reduce_min3A, %reduce_min3A_132 [1, 2] : vector<1x8x1024xi32> to vector<1xi32>
      %reduce_min3A_134 = vector.shape_cast %reduce_min3A_133 : vector<1xi32> to vector<1x1x1xi32>
      %reduce_min3A_135 = vector.extract %reduce_min3A_134[0, 0, 0] : i32 from vector<1x1x1xi32>
      %swap3A_136 = arith.constant 0 : index
      %swap3A_137 = memref.load %arg11[%swap3A_136] : memref<4xi32, #tpu.memory_space<smem>>
      memref.store %reduce_min3A_135, %arg11[%swap3A_136] : memref<4xi32, #tpu.memory_space<smem>>
      %reshape3A_138 = vector.broadcast %reduce_max3A_128 : f32 to vector<1x1xf32>
      %eq3A_139 = vector.broadcast %reduce_min3A_135 : i32 to vector<8x1024xi32>
      %eq3A_140 = arith.cmpi eq, %add3A_121, %eq3A_139 : vector<8x1024xi32>
      %jit3A_141 = arith.constant -1.000000e+30 : f32
      %broadcast_in_dim3A_142 = vector.broadcast %jit3A_141 : f32 to vector<8x1024xf32>
      %select_n3A_143 = arith.select %eq3A_140, %broadcast_in_dim3A_142, %get3A_124 : vector<8x1024xi1>, vector<8x1024xf32>
      %reduce_max3A_144 = vector.shape_cast %select_n3A_143 : vector<8x1024xf32> to vector<1x8x1024xf32>
      %reduce_max3A_145 = arith.constant dense<0xFF800000> : vector<1xf32>
      %reduce_max3A_146 = vector.multi_reduction <maximumf>, %reduce_max3A_144, %reduce_max3A_145 [1, 2] : vector<1x8x1024xf32> to vector<1xf32>
      %reduce_max3A_147 = vector.shape_cast %reduce_max3A_146 : vector<1xf32> to vector<1x1x1xf32>
      %reduce_max3A_148 = vector.extract %reduce_max3A_147[0, 0, 0] : f32 from vector<1x1x1xf32>
      %eq3A_149 = vector.broadcast %reduce_max3A_148 : f32 to vector<8x1024xf32>
      %eq3A_150 = arith.cmpf oeq, %select_n3A_143, %eq3A_149 : vector<8x1024xf32>
      %jit3A_151 = arith.constant 8192 : i32
      %broadcast_in_dim3A_152 = vector.broadcast %jit3A_151 : i32 to vector<8x1024xi32>
      %select_n3A_153 = arith.select %eq3A_150, %add3A_121, %broadcast_in_dim3A_152 : vector<8x1024xi1>, vector<8x1024xi32>
      %reduce_min3A_154 = vector.shape_cast %select_n3A_153 : vector<8x1024xi32> to vector<1x8x1024xi32>
      %reduce_min3A_155 = arith.constant dense<2147483647> : vector<1xi32>
      %reduce_min3A_156 = vector.multi_reduction <minsi>, %reduce_min3A_154, %reduce_min3A_155 [1, 2] : vector<1x8x1024xi32> to vector<1xi32>
      %reduce_min3A_157 = vector.shape_cast %reduce_min3A_156 : vector<1xi32> to vector<1x1x1xi32>
      %reduce_min3A_158 = vector.extract %reduce_min3A_157[0, 0, 0] : i32 from vector<1x1x1xi32>
      %swap3A_159 = arith.constant 1 : index
      %swap3A_160 = memref.load %arg11[%swap3A_159] : memref<4xi32, #tpu.memory_space<smem>>
      memref.store %reduce_min3A_158, %arg11[%swap3A_159] : memref<4xi32, #tpu.memory_space<smem>>
      %reshape3A_161 = vector.broadcast %reduce_max3A_148 : f32 to vector<1x1xf32>
      %eq3A_162 = vector.broadcast %reduce_min3A_158 : i32 to vector<8x1024xi32>
      %eq3A_163 = arith.cmpi eq, %add3A_121, %eq3A_162 : vector<8x1024xi32>
      %jit3A_164 = arith.constant -1.000000e+30 : f32
      %broadcast_in_dim3A_165 = vector.broadcast %jit3A_164 : f32 to vector<8x1024xf32>
      %select_n3A_166 = arith.select %eq3A_163, %broadcast_in_dim3A_165, %select_n3A_143 : vector<8x1024xi1>, vector<8x1024xf32>
      %reduce_max3A_167 = vector.shape_cast %select_n3A_166 : vector<8x1024xf32> to vector<1x8x1024xf32>
      %reduce_max3A_168 = arith.constant dense<0xFF800000> : vector<1xf32>
      %reduce_max3A_169 = vector.multi_reduction <maximumf>, %reduce_max3A_167, %reduce_max3A_168 [1, 2] : vector<1x8x1024xf32> to vector<1xf32>
      %reduce_max3A_170 = vector.shape_cast %reduce_max3A_169 : vector<1xf32> to vector<1x1x1xf32>
      %reduce_max3A_171 = vector.extract %reduce_max3A_170[0, 0, 0] : f32 from vector<1x1x1xf32>
      %eq3A_172 = vector.broadcast %reduce_max3A_171 : f32 to vector<8x1024xf32>
      %eq3A_173 = arith.cmpf oeq, %select_n3A_166, %eq3A_172 : vector<8x1024xf32>
      %jit3A_174 = arith.constant 8192 : i32
      %broadcast_in_dim3A_175 = vector.broadcast %jit3A_174 : i32 to vector<8x1024xi32>
      %select_n3A_176 = arith.select %eq3A_173, %add3A_121, %broadcast_in_dim3A_175 : vector<8x1024xi1>, vector<8x1024xi32>
      %reduce_min3A_177 = vector.shape_cast %select_n3A_176 : vector<8x1024xi32> to vector<1x8x1024xi32>
      %reduce_min3A_178 = arith.constant dense<2147483647> : vector<1xi32>
      %reduce_min3A_179 = vector.multi_reduction <minsi>, %reduce_min3A_177, %reduce_min3A_178 [1, 2] : vector<1x8x1024xi32> to vector<1xi32>
      %reduce_min3A_180 = vector.shape_cast %reduce_min3A_179 : vector<1xi32> to vector<1x1x1xi32>
      %reduce_min3A_181 = vector.extract %reduce_min3A_180[0, 0, 0] : i32 from vector<1x1x1xi32>
      %swap3A_182 = arith.constant 2 : index
      %swap3A_183 = memref.load %arg11[%swap3A_182] : memref<4xi32, #tpu.memory_space<smem>>
      memref.store %reduce_min3A_181, %arg11[%swap3A_182] : memref<4xi32, #tpu.memory_space<smem>>
      %reshape3A_184 = vector.broadcast %reduce_max3A_171 : f32 to vector<1x1xf32>
      %eq3A_185 = vector.broadcast %reduce_min3A_181 : i32 to vector<8x1024xi32>
      %eq3A_186 = arith.cmpi eq, %add3A_121, %eq3A_185 : vector<8x1024xi32>
      %jit3A_187 = arith.constant -1.000000e+30 : f32
      %broadcast_in_dim3A_188 = vector.broadcast %jit3A_187 : f32 to vector<8x1024xf32>
      %select_n3A_189 = arith.select %eq3A_186, %broadcast_in_dim3A_188, %select_n3A_166 : vector<8x1024xi1>, vector<8x1024xf32>
      %reduce_max3A_190 = vector.shape_cast %select_n3A_189 : vector<8x1024xf32> to vector<1x8x1024xf32>
      %reduce_max3A_191 = arith.constant dense<0xFF800000> : vector<1xf32>
      %reduce_max3A_192 = vector.multi_reduction <maximumf>, %reduce_max3A_190, %reduce_max3A_191 [1, 2] : vector<1x8x1024xf32> to vector<1xf32>
      %reduce_max3A_193 = vector.shape_cast %reduce_max3A_192 : vector<1xf32> to vector<1x1x1xf32>
      %reduce_max3A_194 = vector.extract %reduce_max3A_193[0, 0, 0] : f32 from vector<1x1x1xf32>
      %eq3A_195 = vector.broadcast %reduce_max3A_194 : f32 to vector<8x1024xf32>
      %eq3A_196 = arith.cmpf oeq, %select_n3A_189, %eq3A_195 : vector<8x1024xf32>
      %jit3A_197 = arith.constant 8192 : i32
      %broadcast_in_dim3A_198 = vector.broadcast %jit3A_197 : i32 to vector<8x1024xi32>
      %select_n3A_199 = arith.select %eq3A_196, %add3A_121, %broadcast_in_dim3A_198 : vector<8x1024xi1>, vector<8x1024xi32>
      %reduce_min3A_200 = vector.shape_cast %select_n3A_199 : vector<8x1024xi32> to vector<1x8x1024xi32>
      %reduce_min3A_201 = arith.constant dense<2147483647> : vector<1xi32>
      %reduce_min3A_202 = vector.multi_reduction <minsi>, %reduce_min3A_200, %reduce_min3A_201 [1, 2] : vector<1x8x1024xi32> to vector<1xi32>
      %reduce_min3A_203 = vector.shape_cast %reduce_min3A_202 : vector<1xi32> to vector<1x1x1xi32>
      %reduce_min3A_204 = vector.extract %reduce_min3A_203[0, 0, 0] : i32 from vector<1x1x1xi32>
      %swap3A_205 = arith.constant 3 : index
      %swap3A_206 = memref.load %arg11[%swap3A_205] : memref<4xi32, #tpu.memory_space<smem>>
      memref.store %reduce_min3A_204, %arg11[%swap3A_205] : memref<4xi32, #tpu.memory_space<smem>>
      %reshape3A_207 = vector.broadcast %reduce_max3A_194 : f32 to vector<1x1xf32>
      %concatenate3A_208 = tpu.concatenate %reshape3A_138, %reshape3A_161, %reshape3A_184, %reshape3A_207 in 0 : vector<1x1xf32>, vector<1x1xf32>, vector<1x1xf32>, vector<1x1xf32> -> vector<4x1xf32>
      %swap3A_209 = arith.constant 0 : index
      %swap3A_210 = arith.constant 0 : index
      %swap3A_211 = vector.load %arg12[%swap3A_209, %swap3A_210] : memref<4x1xf32, #tpu.memory_space<vmem>>, vector<4x1xf32>
      tpu.vector_store %arg12[%swap3A_209, %swap3A_210], %concatenate3A_208 {strides = array<i32>} : memref<4x1xf32, #tpu.memory_space<vmem>>, vector<4x1xf32>,
      %get3A_212 = arith.constant 0 : index
      %get3A_213 = arith.constant 0 : index
      %get3A_214 = vector.load %arg20[%get3A_212, %get3A_213] : memref<8x1024xf32, #tpu.memory_space<vmem>>, vector<8x1024xf32>
      %reduce_max3A_215 = vector.shape_cast %get3A_214 : vector<8x1024xf32> to vector<1x8x1024xf32>
      %reduce_max3A_216 = arith.constant dense<0xFF800000> : vector<1xf32>
      %reduce_max3A_217 = vector.multi_reduction <maximumf>, %reduce_max3A_215, %reduce_max3A_216 [1, 2] : vector<1x8x1024xf32> to vector<1xf32>
      %reduce_max3A_218 = vector.shape_cast %reduce_max3A_217 : vector<1xf32> to vector<1x1x1xf32>
      %reduce_max3A_219 = vector.extract %reduce_max3A_218[0, 0, 0] : f32 from vector<1x1x1xf32>
      %eq3A_220 = vector.broadcast %reduce_max3A_219 : f32 to vector<8x1024xf32>
      %eq3A_221 = arith.cmpf oeq, %get3A_214, %eq3A_220 : vector<8x1024xf32>
      %jit3A_222 = arith.constant 8192 : i32
      %broadcast_in_dim3A_223 = vector.broadcast %jit3A_222 : i32 to vector<8x1024xi32>
      %select_n3A_224 = arith.select %eq3A_221, %add3A_121, %broadcast_in_dim3A_223 : vector<8x1024xi1>, vector<8x1024xi32>
      %reduce_min3A_225 = vector.shape_cast %select_n3A_224 : vector<8x1024xi32> to vector<1x8x1024xi32>
      %reduce_min3A_226 = arith.constant dense<2147483647> : vector<1xi32>
      %reduce_min3A_227 = vector.multi_reduction <minsi>, %reduce_min3A_225, %reduce_min3A_226 [1, 2] : vector<1x8x1024xi32> to vector<1xi32>
      %reduce_min3A_228 = vector.shape_cast %reduce_min3A_227 : vector<1xi32> to vector<1x1x1xi32>
      %reduce_min3A_229 = vector.extract %reduce_min3A_228[0, 0, 0] : i32 from vector<1x1x1xi32>
      %swap3A_230 = arith.constant 0 : index
      %swap3A_231 = memref.load %arg13[%swap3A_230] : memref<4xi32, #tpu.memory_space<smem>>
      memref.store %reduce_min3A_229, %arg13[%swap3A_230] : memref<4xi32, #tpu.memory_space<smem>>
      %reshape3A_232 = vector.broadcast %reduce_max3A_219 : f32 to vector<1x1xf32>
      %eq3A_233 = vector.broadcast %reduce_min3A_229 : i32 to vector<8x1024xi32>
      %eq3A_234 = arith.cmpi eq, %add3A_121, %eq3A_233 : vector<8x1024xi32>
      %jit3A_235 = arith.constant -1.000000e+30 : f32
      %broadcast_in_dim3A_236 = vector.broadcast %jit3A_235 : f32 to vector<8x1024xf32>
      %select_n3A_237 = arith.select %eq3A_234, %broadcast_in_dim3A_236, %get3A_214 : vector<8x1024xi1>, vector<8x1024xf32>
      %reduce_max3A_238 = vector.shape_cast %select_n3A_237 : vector<8x1024xf32> to vector<1x8x1024xf32>
      %reduce_max3A_239 = arith.constant dense<0xFF800000> : vector<1xf32>
      %reduce_max3A_240 = vector.multi_reduction <maximumf>, %reduce_max3A_238, %reduce_max3A_239 [1, 2] : vector<1x8x1024xf32> to vector<1xf32>
      %reduce_max3A_241 = vector.shape_cast %reduce_max3A_240 : vector<1xf32> to vector<1x1x1xf32>
      %reduce_max3A_242 = vector.extract %reduce_max3A_241[0, 0, 0] : f32 from vector<1x1x1xf32>
      %eq3A_243 = vector.broadcast %reduce_max3A_242 : f32 to vector<8x1024xf32>
      %eq3A_244 = arith.cmpf oeq, %select_n3A_237, %eq3A_243 : vector<8x1024xf32>
      %jit3A_245 = arith.constant 8192 : i32
      %broadcast_in_dim3A_246 = vector.broadcast %jit3A_245 : i32 to vector<8x1024xi32>
      %select_n3A_247 = arith.select %eq3A_244, %add3A_121, %broadcast_in_dim3A_246 : vector<8x1024xi1>, vector<8x1024xi32>
      %reduce_min3A_248 = vector.shape_cast %select_n3A_247 : vector<8x1024xi32> to vector<1x8x1024xi32>
      %reduce_min3A_249 = arith.constant dense<2147483647> : vector<1xi32>
      %reduce_min3A_250 = vector.multi_reduction <minsi>, %reduce_min3A_248, %reduce_min3A_249 [1, 2] : vector<1x8x1024xi32> to vector<1xi32>
      %reduce_min3A_251 = vector.shape_cast %reduce_min3A_250 : vector<1xi32> to vector<1x1x1xi32>
      %reduce_min3A_252 = vector.extract %reduce_min3A_251[0, 0, 0] : i32 from vector<1x1x1xi32>
      %swap3A_253 = arith.constant 1 : index
      %swap3A_254 = memref.load %arg13[%swap3A_253] : memref<4xi32, #tpu.memory_space<smem>>
      memref.store %reduce_min3A_252, %arg13[%swap3A_253] : memref<4xi32, #tpu.memory_space<smem>>
      %reshape3A_255 = vector.broadcast %reduce_max3A_242 : f32 to vector<1x1xf32>
      %eq3A_256 = vector.broadcast %reduce_min3A_252 : i32 to vector<8x1024xi32>
      %eq3A_257 = arith.cmpi eq, %add3A_121, %eq3A_256 : vector<8x1024xi32>
      %jit3A_258 = arith.constant -1.000000e+30 : f32
      %broadcast_in_dim3A_259 = vector.broadcast %jit3A_258 : f32 to vector<8x1024xf32>
      %select_n3A_260 = arith.select %eq3A_257, %broadcast_in_dim3A_259, %select_n3A_237 : vector<8x1024xi1>, vector<8x1024xf32>
      %reduce_max3A_261 = vector.shape_cast %select_n3A_260 : vector<8x1024xf32> to vector<1x8x1024xf32>
      %reduce_max3A_262 = arith.constant dense<0xFF800000> : vector<1xf32>
      %reduce_max3A_263 = vector.multi_reduction <maximumf>, %reduce_max3A_261, %reduce_max3A_262 [1, 2] : vector<1x8x1024xf32> to vector<1xf32>
      %reduce_max3A_264 = vector.shape_cast %reduce_max3A_263 : vector<1xf32> to vector<1x1x1xf32>
      %reduce_max3A_265 = vector.extract %reduce_max3A_264[0, 0, 0] : f32 from vector<1x1x1xf32>
      %eq3A_266 = vector.broadcast %reduce_max3A_265 : f32 to vector<8x1024xf32>
      %eq3A_267 = arith.cmpf oeq, %select_n3A_260, %eq3A_266 : vector<8x1024xf32>
      %jit3A_268 = arith.constant 8192 : i32
      %broadcast_in_dim3A_269 = vector.broadcast %jit3A_268 : i32 to vector<8x1024xi32>
      %select_n3A_270 = arith.select %eq3A_267, %add3A_121, %broadcast_in_dim3A_269 : vector<8x1024xi1>, vector<8x1024xi32>
      %reduce_min3A_271 = vector.shape_cast %select_n3A_270 : vector<8x1024xi32> to vector<1x8x1024xi32>
      %reduce_min3A_272 = arith.constant dense<2147483647> : vector<1xi32>
      %reduce_min3A_273 = vector.multi_reduction <minsi>, %reduce_min3A_271, %reduce_min3A_272 [1, 2] : vector<1x8x1024xi32> to vector<1xi32>
      %reduce_min3A_274 = vector.shape_cast %reduce_min3A_273 : vector<1xi32> to vector<1x1x1xi32>
      %reduce_min3A_275 = vector.extract %reduce_min3A_274[0, 0, 0] : i32 from vector<1x1x1xi32>
      %swap3A_276 = arith.constant 2 : index
      %swap3A_277 = memref.load %arg13[%swap3A_276] : memref<4xi32, #tpu.memory_space<smem>>
      memref.store %reduce_min3A_275, %arg13[%swap3A_276] : memref<4xi32, #tpu.memory_space<smem>>
      %reshape3A_278 = vector.broadcast %reduce_max3A_265 : f32 to vector<1x1xf32>
      %eq3A_279 = vector.broadcast %reduce_min3A_275 : i32 to vector<8x1024xi32>
      %eq3A_280 = arith.cmpi eq, %add3A_121, %eq3A_279 : vector<8x1024xi32>
      %jit3A_281 = arith.constant -1.000000e+30 : f32
      %broadcast_in_dim3A_282 = vector.broadcast %jit3A_281 : f32 to vector<8x1024xf32>
      %select_n3A_283 = arith.select %eq3A_280, %broadcast_in_dim3A_282, %select_n3A_260 : vector<8x1024xi1>, vector<8x1024xf32>
      %reduce_max3A_284 = vector.shape_cast %select_n3A_283 : vector<8x1024xf32> to vector<1x8x1024xf32>
      %reduce_max3A_285 = arith.constant dense<0xFF800000> : vector<1xf32>
      %reduce_max3A_286 = vector.multi_reduction <maximumf>, %reduce_max3A_284, %reduce_max3A_285 [1, 2] : vector<1x8x1024xf32> to vector<1xf32>
      %reduce_max3A_287 = vector.shape_cast %reduce_max3A_286 : vector<1xf32> to vector<1x1x1xf32>
      %reduce_max3A_288 = vector.extract %reduce_max3A_287[0, 0, 0] : f32 from vector<1x1x1xf32>
      %eq3A_289 = vector.broadcast %reduce_max3A_288 : f32 to vector<8x1024xf32>
      %eq3A_290 = arith.cmpf oeq, %select_n3A_283, %eq3A_289 : vector<8x1024xf32>
      %jit3A_291 = arith.constant 8192 : i32
      %broadcast_in_dim3A_292 = vector.broadcast %jit3A_291 : i32 to vector<8x1024xi32>
      %select_n3A_293 = arith.select %eq3A_290, %add3A_121, %broadcast_in_dim3A_292 : vector<8x1024xi1>, vector<8x1024xi32>
      %reduce_min3A_294 = vector.shape_cast %select_n3A_293 : vector<8x1024xi32> to vector<1x8x1024xi32>
      %reduce_min3A_295 = arith.constant dense<2147483647> : vector<1xi32>
      %reduce_min3A_296 = vector.multi_reduction <minsi>, %reduce_min3A_294, %reduce_min3A_295 [1, 2] : vector<1x8x1024xi32> to vector<1xi32>
      %reduce_min3A_297 = vector.shape_cast %reduce_min3A_296 : vector<1xi32> to vector<1x1x1xi32>
      %reduce_min3A_298 = vector.extract %reduce_min3A_297[0, 0, 0] : i32 from vector<1x1x1xi32>
      %swap3A_299 = arith.constant 3 : index
      %swap3A_300 = memref.load %arg13[%swap3A_299] : memref<4xi32, #tpu.memory_space<smem>>
      memref.store %reduce_min3A_298, %arg13[%swap3A_299] : memref<4xi32, #tpu.memory_space<smem>>
      %reshape3A_301 = vector.broadcast %reduce_max3A_288 : f32 to vector<1x1xf32>
      %concatenate3A_302 = tpu.concatenate %reshape3A_232, %reshape3A_255, %reshape3A_278, %reshape3A_301 in 0 : vector<1x1xf32>, vector<1x1xf32>, vector<1x1xf32>, vector<1x1xf32> -> vector<4x1xf32>
      %swap3A_303 = arith.constant 0 : index
      %swap3A_304 = arith.constant 0 : index
      %swap3A_305 = vector.load %arg14[%swap3A_303, %swap3A_304] : memref<4x1xf32, #tpu.memory_space<vmem>>, vector<4x1xf32>
      tpu.vector_store %arg14[%swap3A_303, %swap3A_304], %concatenate3A_302 {strides = array<i32>} : memref<4x1xf32, #tpu.memory_space<vmem>>, vector<4x1xf32>,
    } else {
    }
    return
  }
  func.func @transform_0(%arg0: i32) -> (i32, i32) {
    %c0_i32 = arith.constant 0 : i32
    %c0_i32_0 = arith.constant 0 : i32
    return %arg0, %c0_i32 : i32, i32
  }
  func.func @transform_1(%arg0: i32) -> (i32, i32) {
    %c0_i32 = arith.constant 0 : i32
    %c0_i32_0 = arith.constant 0 : i32
    %c0_i32_1 = arith.constant 0 : i32
    return %c0_i32, %c0_i32_0 : i32, i32
  }
  func.func @transform_2(%arg0: i32) -> i32 {
    %c0_i32 = arith.constant 0 : i32
    %c0_i32_0 = arith.constant 0 : i32
    return %c0_i32 : i32
  }
  func.func @transform_3(%arg0: i32) -> (i32, i32) {
    %c0_i32 = arith.constant 0 : i32
    %c0_i32_0 = arith.constant 0 : i32
    %c0_i32_1 = arith.constant 0 : i32
    return %c0_i32, %c0_i32_0 : i32, i32
  }
  func.func @transform_4(%arg0: i32) -> (i32, i32) {
    %c0_i32 = arith.constant 0 : i32
    %c0_i32_0 = arith.constant 0 : i32
    %c0_i32_1 = arith.constant 0 : i32
    return %c0_i32, %c0_i32_0 : i32, i32
  }
  func.func @transform_5(%arg0: i32) -> (i32, i32) {
    %c0_i32 = arith.constant 0 : i32
    %c0_i32_0 = arith.constant 0 : i32
    %c0_i32_1 = arith.constant 0 : i32
    return %c0_i32, %c0_i32_0 : i32, i32
  }
  func.func @transform_6(%arg0: i32) -> (i32, i32) {
    %c0_i32 = arith.constant 0 : i32
    %c0_i32_0 = arith.constant 0 : i32
    %c0_i32_1 = arith.constant 0 : i32
    return %c0_i32, %c0_i32_0 : i32, i32
  }
  func.func @transform_7(%arg0: i32) -> (i32, i32) {
    %c0_i32 = arith.constant 0 : i32
    %c0_i32_0 = arith.constant 0 : i32
    %c0_i32_1 = arith.constant 0 : i32
    return %c0_i32, %c0_i32_0 : i32, i32
  }
  func.func @transform_8(%arg0: i32) -> (i32, i32) {
    %c0_i32 = arith.constant 0 : i32
    %c0_i32_0 = arith.constant 0 : i32
    %c0_i32_1 = arith.constant 0 : i32
    return %c0_i32, %c0_i32_0 : i32, i32
  }
  func.func @transform_9(%arg0: i32) -> (i32, i32) {
    %c0_i32 = arith.constant 0 : i32
    %c0_i32_0 = arith.constant 0 : i32
    return %arg0, %c0_i32 : i32, i32
  }
  func.func @transform_10(%arg0: i32) -> i32 {
    %c0_i32 = arith.constant 0 : i32
    %c0_i32_0 = arith.constant 0 : i32
    return %c0_i32 : i32
  }
  func.func @transform_11(%arg0: i32) -> (i32, i32) {
    %c0_i32 = arith.constant 0 : i32
    %c0_i32_0 = arith.constant 0 : i32
    %c0_i32_1 = arith.constant 0 : i32
    return %c0_i32, %c0_i32_0 : i32, i32
  }
  func.func @transform_12(%arg0: i32) -> i32 {
    %c0_i32 = arith.constant 0 : i32
    %c0_i32_0 = arith.constant 0 : i32
    return %c0_i32 : i32
  }
  func.func @transform_13(%arg0: i32) -> (i32, i32) {
    %c0_i32 = arith.constant 0 : i32
    %c0_i32_0 = arith.constant 0 : i32
    %c0_i32_1 = arith.constant 0 : i32
    return %c0_i32, %c0_i32_0 : i32, i32
  }
}

module attributes {stable_mosaic.version = 14 : i64} {
  func.func @body(%arg0: i32, %arg1: memref<12xi32, #tpu.memory_space<smem>>, %arg2: memref<8x768xf32, #tpu.memory_space<vmem>>, %arg3: memref<8x768xf32, #tpu.memory_space<vmem>>, %arg4: memref<8x768xf32, #tpu.memory_space<vmem>>, %arg5: memref<8x768xf32, #tpu.memory_space<vmem>>, %arg6: memref<8x768xf32, #tpu.memory_space<vmem>>, %arg7: memref<8x768xf32, #tpu.memory_space<vmem>>, %arg8: memref<8x768xf32, #tpu.memory_space<vmem>>, %arg9: memref<8x768xf32, #tpu.memory_space<vmem>>, %arg10: memref<4x768xf32, #tpu.memory_space<vmem>>, %arg11: memref<4x1xf32, #tpu.memory_space<vmem>>, %arg12: memref<4x1xf32, #tpu.memory_space<vmem>>, %arg13: memref<1x768xf32, #tpu.memory_space<vmem>>, %arg14: memref<768x768xf32, #tpu.memory_space<vmem>>, %arg15: memref<768x768xf32, #tpu.memory_space<vmem>>, %arg16: memref<768x768xf32, #tpu.memory_space<vmem>>, %arg17: memref<768x768xf32, #tpu.memory_space<vmem>>, %arg18: memref<4x768xf32, #tpu.memory_space<vmem>>) attributes {dimension_semantics = [#tpu.dimension_semantics<arbitrary>], iteration_bounds = array<i64: 1>, scalar_prefetch = 1 : i64, scratch_operands = 0 : i64, tpu.core_type = #tpu.core_type<tc>, window_params = [{transform_indices = @transform_0, window_bounds = array<i64: 8, 768>}, {transform_indices = @transform_1, window_bounds = array<i64: 8, 768>}, {transform_indices = @transform_2, window_bounds = array<i64: 8, 768>}, {transform_indices = @transform_3, window_bounds = array<i64: 8, 768>}, {transform_indices = @transform_4, window_bounds = array<i64: 8, 768>}, {transform_indices = @transform_5, window_bounds = array<i64: 8, 768>}, {transform_indices = @transform_6, window_bounds = array<i64: 8, 768>}, {transform_indices = @transform_7, window_bounds = array<i64: 8, 768>}, {pipeline_mode = #tpu.pipeline_mode<synchronous>, transform_indices = @transform_8, window_bounds = array<i64: 4, 768>}, {pipeline_mode = #tpu.pipeline_mode<synchronous>, transform_indices = @transform_9, window_bounds = array<i64: 4, 1>}, {pipeline_mode = #tpu.pipeline_mode<synchronous>, transform_indices = @transform_10, window_bounds = array<i64: 4, 1>}, {pipeline_mode = #tpu.pipeline_mode<synchronous>, transform_indices = @transform_11, window_bounds = array<i64: 1, 768>}, {pipeline_mode = #tpu.pipeline_mode<synchronous>, transform_indices = @transform_12, window_bounds = array<i64: 768, 768>}, {pipeline_mode = #tpu.pipeline_mode<synchronous>, transform_indices = @transform_13, window_bounds = array<i64: 768, 768>}, {pipeline_mode = #tpu.pipeline_mode<synchronous>, transform_indices = @transform_14, window_bounds = array<i64: 768, 768>}, {pipeline_mode = #tpu.pipeline_mode<synchronous>, transform_indices = @transform_15, window_bounds = array<i64: 768, 768>}, {pipeline_mode = #tpu.pipeline_mode<synchronous>, transform_indices = @transform_16, window_bounds = array<i64: 4, 768>}]} {
    %get3A = arith.constant 0 : index
    %get3A_0 = memref.load %arg1[%get3A] : memref<12xi32, #tpu.memory_space<smem>>
    %jit3A = arith.constant 8 : i32
    %eq3A = arith.constant 0 : i32
    %eq3A_1 = arith.cmpi eq, %jit3A, %eq3A : i32
    %jit3A_2 = arith.constant 1 : i32
    %select_n3A = arith.select %eq3A_1, %jit3A_2, %jit3A : i32
    %rem3A = arith.remsi %get3A_0, %select_n3A : i32
    %ne3A = arith.constant 0 : i32
    %ne3A_3 = arith.cmpi ne, %rem3A, %ne3A : i32
    %lt3A = arith.constant 0 : i32
    %lt3A_4 = arith.cmpi slt, %rem3A, %lt3A : i32
    %lt3A_5 = arith.constant 0 : i32
    %lt3A_6 = arith.cmpi slt, %select_n3A, %lt3A_5 : i32
    %ne3A_7 = arith.xori %lt3A_4, %lt3A_6 : i1
    %and3A = arith.andi %ne3A_7, %ne3A_3 : i1
    %add3A = arith.addi %rem3A, %select_n3A : i32
    %select_n3A_8 = arith.select %and3A, %add3A, %rem3A : i32
    %iota3A = tpu.iota {dimensions = array<i32: 0>} : vector<8x1xi32>
    %eq3A_9 = vector.broadcast %select_n3A_8 : i32 to vector<8x1xi32>
    %eq3A_10 = arith.cmpi eq, %iota3A, %eq3A_9 : vector<8x1xi32>
    %convert_element_type3A = arith.extui %eq3A_10 : vector<8x1xi1> to vector<8x1xi32>
    %convert_element_type3A_11 = arith.sitofp %convert_element_type3A : vector<8x1xi32> to vector<8x1xf32>
    %get3A_12 = arith.constant 0 : index
    %get3A_13 = arith.constant 0 : index
    %get3A_14 = vector.load %arg2[%get3A_12, %get3A_13] : memref<8x768xf32, #tpu.memory_space<vmem>>, vector<8x768xf32>
    %mul3A = vector.broadcast %convert_element_type3A_11 : vector<8x1xf32> to vector<8x768xf32>
    %mul3A_15 = arith.mulf %mul3A, %get3A_14 : vector<8x768xf32>
    %reduce_sum3A = arith.constant dense<0.000000e+00> : vector<768xf32>
    %reduce_sum3A_16 = vector.multi_reduction <add>, %mul3A_15, %reduce_sum3A [0] : vector<8x768xf32> to vector<768xf32>
    %broadcast_in_dim3A = vector.shape_cast %reduce_sum3A_16 : vector<768xf32> to vector<1x768xf32>
    %get3A_17 = arith.constant 1 : index
    %get3A_18 = memref.load %arg1[%get3A_17] : memref<12xi32, #tpu.memory_space<smem>>
    %jit3A_19 = arith.constant 8 : i32
    %eq3A_20 = arith.constant 0 : i32
    %eq3A_21 = arith.cmpi eq, %jit3A_19, %eq3A_20 : i32
    %jit3A_22 = arith.constant 1 : i32
    %select_n3A_23 = arith.select %eq3A_21, %jit3A_22, %jit3A_19 : i32
    %rem3A_24 = arith.remsi %get3A_18, %select_n3A_23 : i32
    %ne3A_25 = arith.constant 0 : i32
    %ne3A_26 = arith.cmpi ne, %rem3A_24, %ne3A_25 : i32
    %lt3A_27 = arith.constant 0 : i32
    %lt3A_28 = arith.cmpi slt, %rem3A_24, %lt3A_27 : i32
    %lt3A_29 = arith.constant 0 : i32
    %lt3A_30 = arith.cmpi slt, %select_n3A_23, %lt3A_29 : i32
    %ne3A_31 = arith.xori %lt3A_28, %lt3A_30 : i1
    %and3A_32 = arith.andi %ne3A_31, %ne3A_26 : i1
    %add3A_33 = arith.addi %rem3A_24, %select_n3A_23 : i32
    %select_n3A_34 = arith.select %and3A_32, %add3A_33, %rem3A_24 : i32
    %iota3A_35 = tpu.iota {dimensions = array<i32: 0>} : vector<8x1xi32>
    %eq3A_36 = vector.broadcast %select_n3A_34 : i32 to vector<8x1xi32>
    %eq3A_37 = arith.cmpi eq, %iota3A_35, %eq3A_36 : vector<8x1xi32>
    %convert_element_type3A_38 = arith.extui %eq3A_37 : vector<8x1xi1> to vector<8x1xi32>
    %convert_element_type3A_39 = arith.sitofp %convert_element_type3A_38 : vector<8x1xi32> to vector<8x1xf32>
    %get3A_40 = arith.constant 0 : index
    %get3A_41 = arith.constant 0 : index
    %get3A_42 = vector.load %arg3[%get3A_40, %get3A_41] : memref<8x768xf32, #tpu.memory_space<vmem>>, vector<8x768xf32>
    %mul3A_43 = vector.broadcast %convert_element_type3A_39 : vector<8x1xf32> to vector<8x768xf32>
    %mul3A_44 = arith.mulf %mul3A_43, %get3A_42 : vector<8x768xf32>
    %reduce_sum3A_45 = arith.constant dense<0.000000e+00> : vector<768xf32>
    %reduce_sum3A_46 = vector.multi_reduction <add>, %mul3A_44, %reduce_sum3A_45 [0] : vector<8x768xf32> to vector<768xf32>
    %broadcast_in_dim3A_47 = vector.shape_cast %reduce_sum3A_46 : vector<768xf32> to vector<1x768xf32>
    %get3A_48 = arith.constant 2 : index
    %get3A_49 = memref.load %arg1[%get3A_48] : memref<12xi32, #tpu.memory_space<smem>>
    %jit3A_50 = arith.constant 8 : i32
    %eq3A_51 = arith.constant 0 : i32
    %eq3A_52 = arith.cmpi eq, %jit3A_50, %eq3A_51 : i32
    %jit3A_53 = arith.constant 1 : i32
    %select_n3A_54 = arith.select %eq3A_52, %jit3A_53, %jit3A_50 : i32
    %rem3A_55 = arith.remsi %get3A_49, %select_n3A_54 : i32
    %ne3A_56 = arith.constant 0 : i32
    %ne3A_57 = arith.cmpi ne, %rem3A_55, %ne3A_56 : i32
    %lt3A_58 = arith.constant 0 : i32
    %lt3A_59 = arith.cmpi slt, %rem3A_55, %lt3A_58 : i32
    %lt3A_60 = arith.constant 0 : i32
    %lt3A_61 = arith.cmpi slt, %select_n3A_54, %lt3A_60 : i32
    %ne3A_62 = arith.xori %lt3A_59, %lt3A_61 : i1
    %and3A_63 = arith.andi %ne3A_62, %ne3A_57 : i1
    %add3A_64 = arith.addi %rem3A_55, %select_n3A_54 : i32
    %select_n3A_65 = arith.select %and3A_63, %add3A_64, %rem3A_55 : i32
    %iota3A_66 = tpu.iota {dimensions = array<i32: 0>} : vector<8x1xi32>
    %eq3A_67 = vector.broadcast %select_n3A_65 : i32 to vector<8x1xi32>
    %eq3A_68 = arith.cmpi eq, %iota3A_66, %eq3A_67 : vector<8x1xi32>
    %convert_element_type3A_69 = arith.extui %eq3A_68 : vector<8x1xi1> to vector<8x1xi32>
    %convert_element_type3A_70 = arith.sitofp %convert_element_type3A_69 : vector<8x1xi32> to vector<8x1xf32>
    %get3A_71 = arith.constant 0 : index
    %get3A_72 = arith.constant 0 : index
    %get3A_73 = vector.load %arg4[%get3A_71, %get3A_72] : memref<8x768xf32, #tpu.memory_space<vmem>>, vector<8x768xf32>
    %mul3A_74 = vector.broadcast %convert_element_type3A_70 : vector<8x1xf32> to vector<8x768xf32>
    %mul3A_75 = arith.mulf %mul3A_74, %get3A_73 : vector<8x768xf32>
    %reduce_sum3A_76 = arith.constant dense<0.000000e+00> : vector<768xf32>
    %reduce_sum3A_77 = vector.multi_reduction <add>, %mul3A_75, %reduce_sum3A_76 [0] : vector<8x768xf32> to vector<768xf32>
    %broadcast_in_dim3A_78 = vector.shape_cast %reduce_sum3A_77 : vector<768xf32> to vector<1x768xf32>
    %get3A_79 = arith.constant 3 : index
    %get3A_80 = memref.load %arg1[%get3A_79] : memref<12xi32, #tpu.memory_space<smem>>
    %jit3A_81 = arith.constant 8 : i32
    %eq3A_82 = arith.constant 0 : i32
    %eq3A_83 = arith.cmpi eq, %jit3A_81, %eq3A_82 : i32
    %jit3A_84 = arith.constant 1 : i32
    %select_n3A_85 = arith.select %eq3A_83, %jit3A_84, %jit3A_81 : i32
    %rem3A_86 = arith.remsi %get3A_80, %select_n3A_85 : i32
    %ne3A_87 = arith.constant 0 : i32
    %ne3A_88 = arith.cmpi ne, %rem3A_86, %ne3A_87 : i32
    %lt3A_89 = arith.constant 0 : i32
    %lt3A_90 = arith.cmpi slt, %rem3A_86, %lt3A_89 : i32
    %lt3A_91 = arith.constant 0 : i32
    %lt3A_92 = arith.cmpi slt, %select_n3A_85, %lt3A_91 : i32
    %ne3A_93 = arith.xori %lt3A_90, %lt3A_92 : i1
    %and3A_94 = arith.andi %ne3A_93, %ne3A_88 : i1
    %add3A_95 = arith.addi %rem3A_86, %select_n3A_85 : i32
    %select_n3A_96 = arith.select %and3A_94, %add3A_95, %rem3A_86 : i32
    %iota3A_97 = tpu.iota {dimensions = array<i32: 0>} : vector<8x1xi32>
    %eq3A_98 = vector.broadcast %select_n3A_96 : i32 to vector<8x1xi32>
    %eq3A_99 = arith.cmpi eq, %iota3A_97, %eq3A_98 : vector<8x1xi32>
    %convert_element_type3A_100 = arith.extui %eq3A_99 : vector<8x1xi1> to vector<8x1xi32>
    %convert_element_type3A_101 = arith.sitofp %convert_element_type3A_100 : vector<8x1xi32> to vector<8x1xf32>
    %get3A_102 = arith.constant 0 : index
    %get3A_103 = arith.constant 0 : index
    %get3A_104 = vector.load %arg5[%get3A_102, %get3A_103] : memref<8x768xf32, #tpu.memory_space<vmem>>, vector<8x768xf32>
    %mul3A_105 = vector.broadcast %convert_element_type3A_101 : vector<8x1xf32> to vector<8x768xf32>
    %mul3A_106 = arith.mulf %mul3A_105, %get3A_104 : vector<8x768xf32>
    %reduce_sum3A_107 = arith.constant dense<0.000000e+00> : vector<768xf32>
    %reduce_sum3A_108 = vector.multi_reduction <add>, %mul3A_106, %reduce_sum3A_107 [0] : vector<8x768xf32> to vector<768xf32>
    %broadcast_in_dim3A_109 = vector.shape_cast %reduce_sum3A_108 : vector<768xf32> to vector<1x768xf32>
    %concatenate3A = tpu.concatenate %broadcast_in_dim3A, %broadcast_in_dim3A_47, %broadcast_in_dim3A_78, %broadcast_in_dim3A_109 in 0 : vector<1x768xf32>, vector<1x768xf32>, vector<1x768xf32>, vector<1x768xf32> -> vector<4x768xf32>
    %get3A_110 = arith.constant 4 : index
    %get3A_111 = memref.load %arg1[%get3A_110] : memref<12xi32, #tpu.memory_space<smem>>
    %jit3A_112 = arith.constant 8 : i32
    %eq3A_113 = arith.constant 0 : i32
    %eq3A_114 = arith.cmpi eq, %jit3A_112, %eq3A_113 : i32
    %jit3A_115 = arith.constant 1 : i32
    %select_n3A_116 = arith.select %eq3A_114, %jit3A_115, %jit3A_112 : i32
    %rem3A_117 = arith.remsi %get3A_111, %select_n3A_116 : i32
    %ne3A_118 = arith.constant 0 : i32
    %ne3A_119 = arith.cmpi ne, %rem3A_117, %ne3A_118 : i32
    %lt3A_120 = arith.constant 0 : i32
    %lt3A_121 = arith.cmpi slt, %rem3A_117, %lt3A_120 : i32
    %lt3A_122 = arith.constant 0 : i32
    %lt3A_123 = arith.cmpi slt, %select_n3A_116, %lt3A_122 : i32
    %ne3A_124 = arith.xori %lt3A_121, %lt3A_123 : i1
    %and3A_125 = arith.andi %ne3A_124, %ne3A_119 : i1
    %add3A_126 = arith.addi %rem3A_117, %select_n3A_116 : i32
    %select_n3A_127 = arith.select %and3A_125, %add3A_126, %rem3A_117 : i32
    %iota3A_128 = tpu.iota {dimensions = array<i32: 0>} : vector<8x1xi32>
    %eq3A_129 = vector.broadcast %select_n3A_127 : i32 to vector<8x1xi32>
    %eq3A_130 = arith.cmpi eq, %iota3A_128, %eq3A_129 : vector<8x1xi32>
    %convert_element_type3A_131 = arith.extui %eq3A_130 : vector<8x1xi1> to vector<8x1xi32>
    %convert_element_type3A_132 = arith.sitofp %convert_element_type3A_131 : vector<8x1xi32> to vector<8x1xf32>
    %get3A_133 = arith.constant 0 : index
    %get3A_134 = arith.constant 0 : index
    %get3A_135 = vector.load %arg6[%get3A_133, %get3A_134] : memref<8x768xf32, #tpu.memory_space<vmem>>, vector<8x768xf32>
    %mul3A_136 = vector.broadcast %convert_element_type3A_132 : vector<8x1xf32> to vector<8x768xf32>
    %mul3A_137 = arith.mulf %mul3A_136, %get3A_135 : vector<8x768xf32>
    %reduce_sum3A_138 = arith.constant dense<0.000000e+00> : vector<768xf32>
    %reduce_sum3A_139 = vector.multi_reduction <add>, %mul3A_137, %reduce_sum3A_138 [0] : vector<8x768xf32> to vector<768xf32>
    %broadcast_in_dim3A_140 = vector.shape_cast %reduce_sum3A_139 : vector<768xf32> to vector<1x768xf32>
    %get3A_141 = arith.constant 5 : index
    %get3A_142 = memref.load %arg1[%get3A_141] : memref<12xi32, #tpu.memory_space<smem>>
    %jit3A_143 = arith.constant 8 : i32
    %eq3A_144 = arith.constant 0 : i32
    %eq3A_145 = arith.cmpi eq, %jit3A_143, %eq3A_144 : i32
    %jit3A_146 = arith.constant 1 : i32
    %select_n3A_147 = arith.select %eq3A_145, %jit3A_146, %jit3A_143 : i32
    %rem3A_148 = arith.remsi %get3A_142, %select_n3A_147 : i32
    %ne3A_149 = arith.constant 0 : i32
    %ne3A_150 = arith.cmpi ne, %rem3A_148, %ne3A_149 : i32
    %lt3A_151 = arith.constant 0 : i32
    %lt3A_152 = arith.cmpi slt, %rem3A_148, %lt3A_151 : i32
    %lt3A_153 = arith.constant 0 : i32
    %lt3A_154 = arith.cmpi slt, %select_n3A_147, %lt3A_153 : i32
    %ne3A_155 = arith.xori %lt3A_152, %lt3A_154 : i1
    %and3A_156 = arith.andi %ne3A_155, %ne3A_150 : i1
    %add3A_157 = arith.addi %rem3A_148, %select_n3A_147 : i32
    %select_n3A_158 = arith.select %and3A_156, %add3A_157, %rem3A_148 : i32
    %iota3A_159 = tpu.iota {dimensions = array<i32: 0>} : vector<8x1xi32>
    %eq3A_160 = vector.broadcast %select_n3A_158 : i32 to vector<8x1xi32>
    %eq3A_161 = arith.cmpi eq, %iota3A_159, %eq3A_160 : vector<8x1xi32>
    %convert_element_type3A_162 = arith.extui %eq3A_161 : vector<8x1xi1> to vector<8x1xi32>
    %convert_element_type3A_163 = arith.sitofp %convert_element_type3A_162 : vector<8x1xi32> to vector<8x1xf32>
    %get3A_164 = arith.constant 0 : index
    %get3A_165 = arith.constant 0 : index
    %get3A_166 = vector.load %arg7[%get3A_164, %get3A_165] : memref<8x768xf32, #tpu.memory_space<vmem>>, vector<8x768xf32>
    %mul3A_167 = vector.broadcast %convert_element_type3A_163 : vector<8x1xf32> to vector<8x768xf32>
    %mul3A_168 = arith.mulf %mul3A_167, %get3A_166 : vector<8x768xf32>
    %reduce_sum3A_169 = arith.constant dense<0.000000e+00> : vector<768xf32>
    %reduce_sum3A_170 = vector.multi_reduction <add>, %mul3A_168, %reduce_sum3A_169 [0] : vector<8x768xf32> to vector<768xf32>
    %broadcast_in_dim3A_171 = vector.shape_cast %reduce_sum3A_170 : vector<768xf32> to vector<1x768xf32>
    %get3A_172 = arith.constant 6 : index
    %get3A_173 = memref.load %arg1[%get3A_172] : memref<12xi32, #tpu.memory_space<smem>>
    %jit3A_174 = arith.constant 8 : i32
    %eq3A_175 = arith.constant 0 : i32
    %eq3A_176 = arith.cmpi eq, %jit3A_174, %eq3A_175 : i32
    %jit3A_177 = arith.constant 1 : i32
    %select_n3A_178 = arith.select %eq3A_176, %jit3A_177, %jit3A_174 : i32
    %rem3A_179 = arith.remsi %get3A_173, %select_n3A_178 : i32
    %ne3A_180 = arith.constant 0 : i32
    %ne3A_181 = arith.cmpi ne, %rem3A_179, %ne3A_180 : i32
    %lt3A_182 = arith.constant 0 : i32
    %lt3A_183 = arith.cmpi slt, %rem3A_179, %lt3A_182 : i32
    %lt3A_184 = arith.constant 0 : i32
    %lt3A_185 = arith.cmpi slt, %select_n3A_178, %lt3A_184 : i32
    %ne3A_186 = arith.xori %lt3A_183, %lt3A_185 : i1
    %and3A_187 = arith.andi %ne3A_186, %ne3A_181 : i1
    %add3A_188 = arith.addi %rem3A_179, %select_n3A_178 : i32
    %select_n3A_189 = arith.select %and3A_187, %add3A_188, %rem3A_179 : i32
    %iota3A_190 = tpu.iota {dimensions = array<i32: 0>} : vector<8x1xi32>
    %eq3A_191 = vector.broadcast %select_n3A_189 : i32 to vector<8x1xi32>
    %eq3A_192 = arith.cmpi eq, %iota3A_190, %eq3A_191 : vector<8x1xi32>
    %convert_element_type3A_193 = arith.extui %eq3A_192 : vector<8x1xi1> to vector<8x1xi32>
    %convert_element_type3A_194 = arith.sitofp %convert_element_type3A_193 : vector<8x1xi32> to vector<8x1xf32>
    %get3A_195 = arith.constant 0 : index
    %get3A_196 = arith.constant 0 : index
    %get3A_197 = vector.load %arg8[%get3A_195, %get3A_196] : memref<8x768xf32, #tpu.memory_space<vmem>>, vector<8x768xf32>
    %mul3A_198 = vector.broadcast %convert_element_type3A_194 : vector<8x1xf32> to vector<8x768xf32>
    %mul3A_199 = arith.mulf %mul3A_198, %get3A_197 : vector<8x768xf32>
    %reduce_sum3A_200 = arith.constant dense<0.000000e+00> : vector<768xf32>
    %reduce_sum3A_201 = vector.multi_reduction <add>, %mul3A_199, %reduce_sum3A_200 [0] : vector<8x768xf32> to vector<768xf32>
    %broadcast_in_dim3A_202 = vector.shape_cast %reduce_sum3A_201 : vector<768xf32> to vector<1x768xf32>
    %get3A_203 = arith.constant 7 : index
    %get3A_204 = memref.load %arg1[%get3A_203] : memref<12xi32, #tpu.memory_space<smem>>
    %jit3A_205 = arith.constant 8 : i32
    %eq3A_206 = arith.constant 0 : i32
    %eq3A_207 = arith.cmpi eq, %jit3A_205, %eq3A_206 : i32
    %jit3A_208 = arith.constant 1 : i32
    %select_n3A_209 = arith.select %eq3A_207, %jit3A_208, %jit3A_205 : i32
    %rem3A_210 = arith.remsi %get3A_204, %select_n3A_209 : i32
    %ne3A_211 = arith.constant 0 : i32
    %ne3A_212 = arith.cmpi ne, %rem3A_210, %ne3A_211 : i32
    %lt3A_213 = arith.constant 0 : i32
    %lt3A_214 = arith.cmpi slt, %rem3A_210, %lt3A_213 : i32
    %lt3A_215 = arith.constant 0 : i32
    %lt3A_216 = arith.cmpi slt, %select_n3A_209, %lt3A_215 : i32
    %ne3A_217 = arith.xori %lt3A_214, %lt3A_216 : i1
    %and3A_218 = arith.andi %ne3A_217, %ne3A_212 : i1
    %add3A_219 = arith.addi %rem3A_210, %select_n3A_209 : i32
    %select_n3A_220 = arith.select %and3A_218, %add3A_219, %rem3A_210 : i32
    %iota3A_221 = tpu.iota {dimensions = array<i32: 0>} : vector<8x1xi32>
    %eq3A_222 = vector.broadcast %select_n3A_220 : i32 to vector<8x1xi32>
    %eq3A_223 = arith.cmpi eq, %iota3A_221, %eq3A_222 : vector<8x1xi32>
    %convert_element_type3A_224 = arith.extui %eq3A_223 : vector<8x1xi1> to vector<8x1xi32>
    %convert_element_type3A_225 = arith.sitofp %convert_element_type3A_224 : vector<8x1xi32> to vector<8x1xf32>
    %get3A_226 = arith.constant 0 : index
    %get3A_227 = arith.constant 0 : index
    %get3A_228 = vector.load %arg9[%get3A_226, %get3A_227] : memref<8x768xf32, #tpu.memory_space<vmem>>, vector<8x768xf32>
    %mul3A_229 = vector.broadcast %convert_element_type3A_225 : vector<8x1xf32> to vector<8x768xf32>
    %mul3A_230 = arith.mulf %mul3A_229, %get3A_228 : vector<8x768xf32>
    %reduce_sum3A_231 = arith.constant dense<0.000000e+00> : vector<768xf32>
    %reduce_sum3A_232 = vector.multi_reduction <add>, %mul3A_230, %reduce_sum3A_231 [0] : vector<8x768xf32> to vector<768xf32>
    %broadcast_in_dim3A_233 = vector.shape_cast %reduce_sum3A_232 : vector<768xf32> to vector<1x768xf32>
    %concatenate3A_234 = tpu.concatenate %broadcast_in_dim3A_140, %broadcast_in_dim3A_171, %broadcast_in_dim3A_202, %broadcast_in_dim3A_233 in 0 : vector<1x768xf32>, vector<1x768xf32>, vector<1x768xf32>, vector<1x768xf32> -> vector<4x768xf32>
    %iota3A_235 = tpu.iota {dimensions = array<i32: 0>} : vector<4x1xi32>
    %get3A_236 = arith.constant 0 : index
    %get3A_237 = arith.constant 0 : index
    %get3A_238 = vector.load %arg10[%get3A_236, %get3A_237] : memref<4x768xf32, #tpu.memory_space<vmem>>, vector<1x768xf32>
    %eq3A_239 = arith.constant 0 : i32
    %eq3A_240 = vector.broadcast %eq3A_239 : i32 to vector<4x1xi32>
    %eq3A_241 = arith.cmpi eq, %iota3A_235, %eq3A_240 : vector<4x1xi32>
    %convert_element_type3A_242 = arith.extui %eq3A_241 : vector<4x1xi1> to vector<4x1xi32>
    %convert_element_type3A_243 = arith.sitofp %convert_element_type3A_242 : vector<4x1xi32> to vector<4x1xf32>
    %get3A_244 = arith.constant 0 : index
    %get3A_245 = memref.load %arg1[%get3A_244] : memref<12xi32, #tpu.memory_space<smem>>
    %get3A_246 = arith.constant 8 : index
    %get3A_247 = memref.load %arg1[%get3A_246] : memref<12xi32, #tpu.memory_space<smem>>
    %eq3A_248 = arith.cmpi eq, %get3A_245, %get3A_247 : i32
    %jit3A_249 = arith.constant 1.000000e+00 : f32
    %jit3A_250 = arith.constant 0.000000e+00 : f32
    %select_n3A_251 = arith.select %eq3A_248, %jit3A_249, %jit3A_250 : f32
    %get3A_252 = arith.constant 4 : index
    %get3A_253 = memref.load %arg1[%get3A_252] : memref<12xi32, #tpu.memory_space<smem>>
    %get3A_254 = arith.constant 8 : index
    %get3A_255 = memref.load %arg1[%get3A_254] : memref<12xi32, #tpu.memory_space<smem>>
    %eq3A_256 = arith.cmpi eq, %get3A_253, %get3A_255 : i32
    %jit3A_257 = arith.constant 1.000000e+00 : f32
    %jit3A_258 = arith.constant 0.000000e+00 : f32
    %select_n3A_259 = arith.select %eq3A_256, %jit3A_257, %jit3A_258 : f32
    %mul3A_260 = vector.broadcast %select_n3A_251 : f32 to vector<4x1xf32>
    %mul3A_261 = arith.mulf %mul3A_260, %convert_element_type3A_243 : vector<4x1xf32>
    %mul3A_262 = vector.broadcast %mul3A_261 : vector<4x1xf32> to vector<4x768xf32>
    %mul3A_263 = vector.broadcast %get3A_238 : vector<1x768xf32> to vector<4x768xf32>
    %mul3A_264 = arith.mulf %mul3A_262, %mul3A_263 : vector<4x768xf32>
    %add3A_265 = arith.addf %concatenate3A, %mul3A_264 : vector<4x768xf32>
    %mul3A_266 = vector.broadcast %select_n3A_259 : f32 to vector<4x1xf32>
    %mul3A_267 = arith.mulf %mul3A_266, %convert_element_type3A_243 : vector<4x1xf32>
    %mul3A_268 = vector.broadcast %mul3A_267 : vector<4x1xf32> to vector<4x768xf32>
    %mul3A_269 = vector.broadcast %get3A_238 : vector<1x768xf32> to vector<4x768xf32>
    %mul3A_270 = arith.mulf %mul3A_268, %mul3A_269 : vector<4x768xf32>
    %add3A_271 = arith.addf %concatenate3A_234, %mul3A_270 : vector<4x768xf32>
    %eq3A_272 = arith.constant 1 : i32
    %eq3A_273 = vector.broadcast %eq3A_272 : i32 to vector<4x1xi32>
    %eq3A_274 = arith.cmpi eq, %iota3A_235, %eq3A_273 : vector<4x1xi32>
    %convert_element_type3A_275 = arith.extui %eq3A_274 : vector<4x1xi1> to vector<4x1xi32>
    %convert_element_type3A_276 = arith.sitofp %convert_element_type3A_275 : vector<4x1xi32> to vector<4x1xf32>
    %get3A_277 = arith.constant 1 : index
    %get3A_278 = memref.load %arg1[%get3A_277] : memref<12xi32, #tpu.memory_space<smem>>
    %get3A_279 = arith.constant 8 : index
    %get3A_280 = memref.load %arg1[%get3A_279] : memref<12xi32, #tpu.memory_space<smem>>
    %eq3A_281 = arith.cmpi eq, %get3A_278, %get3A_280 : i32
    %jit3A_282 = arith.constant 1.000000e+00 : f32
    %jit3A_283 = arith.constant 0.000000e+00 : f32
    %select_n3A_284 = arith.select %eq3A_281, %jit3A_282, %jit3A_283 : f32
    %get3A_285 = arith.constant 5 : index
    %get3A_286 = memref.load %arg1[%get3A_285] : memref<12xi32, #tpu.memory_space<smem>>
    %get3A_287 = arith.constant 8 : index
    %get3A_288 = memref.load %arg1[%get3A_287] : memref<12xi32, #tpu.memory_space<smem>>
    %eq3A_289 = arith.cmpi eq, %get3A_286, %get3A_288 : i32
    %jit3A_290 = arith.constant 1.000000e+00 : f32
    %jit3A_291 = arith.constant 0.000000e+00 : f32
    %select_n3A_292 = arith.select %eq3A_289, %jit3A_290, %jit3A_291 : f32
    %mul3A_293 = vector.broadcast %select_n3A_284 : f32 to vector<4x1xf32>
    %mul3A_294 = arith.mulf %mul3A_293, %convert_element_type3A_276 : vector<4x1xf32>
    %mul3A_295 = vector.broadcast %mul3A_294 : vector<4x1xf32> to vector<4x768xf32>
    %mul3A_296 = vector.broadcast %get3A_238 : vector<1x768xf32> to vector<4x768xf32>
    %mul3A_297 = arith.mulf %mul3A_295, %mul3A_296 : vector<4x768xf32>
    %add3A_298 = arith.addf %add3A_265, %mul3A_297 : vector<4x768xf32>
    %mul3A_299 = vector.broadcast %select_n3A_292 : f32 to vector<4x1xf32>
    %mul3A_300 = arith.mulf %mul3A_299, %convert_element_type3A_276 : vector<4x1xf32>
    %mul3A_301 = vector.broadcast %mul3A_300 : vector<4x1xf32> to vector<4x768xf32>
    %mul3A_302 = vector.broadcast %get3A_238 : vector<1x768xf32> to vector<4x768xf32>
    %mul3A_303 = arith.mulf %mul3A_301, %mul3A_302 : vector<4x768xf32>
    %add3A_304 = arith.addf %add3A_271, %mul3A_303 : vector<4x768xf32>
    %eq3A_305 = arith.constant 2 : i32
    %eq3A_306 = vector.broadcast %eq3A_305 : i32 to vector<4x1xi32>
    %eq3A_307 = arith.cmpi eq, %iota3A_235, %eq3A_306 : vector<4x1xi32>
    %convert_element_type3A_308 = arith.extui %eq3A_307 : vector<4x1xi1> to vector<4x1xi32>
    %convert_element_type3A_309 = arith.sitofp %convert_element_type3A_308 : vector<4x1xi32> to vector<4x1xf32>
    %get3A_310 = arith.constant 2 : index
    %get3A_311 = memref.load %arg1[%get3A_310] : memref<12xi32, #tpu.memory_space<smem>>
    %get3A_312 = arith.constant 8 : index
    %get3A_313 = memref.load %arg1[%get3A_312] : memref<12xi32, #tpu.memory_space<smem>>
    %eq3A_314 = arith.cmpi eq, %get3A_311, %get3A_313 : i32
    %jit3A_315 = arith.constant 1.000000e+00 : f32
    %jit3A_316 = arith.constant 0.000000e+00 : f32
    %select_n3A_317 = arith.select %eq3A_314, %jit3A_315, %jit3A_316 : f32
    %get3A_318 = arith.constant 6 : index
    %get3A_319 = memref.load %arg1[%get3A_318] : memref<12xi32, #tpu.memory_space<smem>>
    %get3A_320 = arith.constant 8 : index
    %get3A_321 = memref.load %arg1[%get3A_320] : memref<12xi32, #tpu.memory_space<smem>>
    %eq3A_322 = arith.cmpi eq, %get3A_319, %get3A_321 : i32
    %jit3A_323 = arith.constant 1.000000e+00 : f32
    %jit3A_324 = arith.constant 0.000000e+00 : f32
    %select_n3A_325 = arith.select %eq3A_322, %jit3A_323, %jit3A_324 : f32
    %mul3A_326 = vector.broadcast %select_n3A_317 : f32 to vector<4x1xf32>
    %mul3A_327 = arith.mulf %mul3A_326, %convert_element_type3A_309 : vector<4x1xf32>
    %mul3A_328 = vector.broadcast %mul3A_327 : vector<4x1xf32> to vector<4x768xf32>
    %mul3A_329 = vector.broadcast %get3A_238 : vector<1x768xf32> to vector<4x768xf32>
    %mul3A_330 = arith.mulf %mul3A_328, %mul3A_329 : vector<4x768xf32>
    %add3A_331 = arith.addf %add3A_298, %mul3A_330 : vector<4x768xf32>
    %mul3A_332 = vector.broadcast %select_n3A_325 : f32 to vector<4x1xf32>
    %mul3A_333 = arith.mulf %mul3A_332, %convert_element_type3A_309 : vector<4x1xf32>
    %mul3A_334 = vector.broadcast %mul3A_333 : vector<4x1xf32> to vector<4x768xf32>
    %mul3A_335 = vector.broadcast %get3A_238 : vector<1x768xf32> to vector<4x768xf32>
    %mul3A_336 = arith.mulf %mul3A_334, %mul3A_335 : vector<4x768xf32>
    %add3A_337 = arith.addf %add3A_304, %mul3A_336 : vector<4x768xf32>
    %eq3A_338 = arith.constant 3 : i32
    %eq3A_339 = vector.broadcast %eq3A_338 : i32 to vector<4x1xi32>
    %eq3A_340 = arith.cmpi eq, %iota3A_235, %eq3A_339 : vector<4x1xi32>
    %convert_element_type3A_341 = arith.extui %eq3A_340 : vector<4x1xi1> to vector<4x1xi32>
    %convert_element_type3A_342 = arith.sitofp %convert_element_type3A_341 : vector<4x1xi32> to vector<4x1xf32>
    %get3A_343 = arith.constant 3 : index
    %get3A_344 = memref.load %arg1[%get3A_343] : memref<12xi32, #tpu.memory_space<smem>>
    %get3A_345 = arith.constant 8 : index
    %get3A_346 = memref.load %arg1[%get3A_345] : memref<12xi32, #tpu.memory_space<smem>>
    %eq3A_347 = arith.cmpi eq, %get3A_344, %get3A_346 : i32
    %jit3A_348 = arith.constant 1.000000e+00 : f32
    %jit3A_349 = arith.constant 0.000000e+00 : f32
    %select_n3A_350 = arith.select %eq3A_347, %jit3A_348, %jit3A_349 : f32
    %get3A_351 = arith.constant 7 : index
    %get3A_352 = memref.load %arg1[%get3A_351] : memref<12xi32, #tpu.memory_space<smem>>
    %get3A_353 = arith.constant 8 : index
    %get3A_354 = memref.load %arg1[%get3A_353] : memref<12xi32, #tpu.memory_space<smem>>
    %eq3A_355 = arith.cmpi eq, %get3A_352, %get3A_354 : i32
    %jit3A_356 = arith.constant 1.000000e+00 : f32
    %jit3A_357 = arith.constant 0.000000e+00 : f32
    %select_n3A_358 = arith.select %eq3A_355, %jit3A_356, %jit3A_357 : f32
    %mul3A_359 = vector.broadcast %select_n3A_350 : f32 to vector<4x1xf32>
    %mul3A_360 = arith.mulf %mul3A_359, %convert_element_type3A_342 : vector<4x1xf32>
    %mul3A_361 = vector.broadcast %mul3A_360 : vector<4x1xf32> to vector<4x768xf32>
    %mul3A_362 = vector.broadcast %get3A_238 : vector<1x768xf32> to vector<4x768xf32>
    %mul3A_363 = arith.mulf %mul3A_361, %mul3A_362 : vector<4x768xf32>
    %add3A_364 = arith.addf %add3A_331, %mul3A_363 : vector<4x768xf32>
    %mul3A_365 = vector.broadcast %select_n3A_358 : f32 to vector<4x1xf32>
    %mul3A_366 = arith.mulf %mul3A_365, %convert_element_type3A_342 : vector<4x1xf32>
    %mul3A_367 = vector.broadcast %mul3A_366 : vector<4x1xf32> to vector<4x768xf32>
    %mul3A_368 = vector.broadcast %get3A_238 : vector<1x768xf32> to vector<4x768xf32>
    %mul3A_369 = arith.mulf %mul3A_367, %mul3A_368 : vector<4x768xf32>
    %add3A_370 = arith.addf %add3A_337, %mul3A_369 : vector<4x768xf32>
    %get3A_371 = arith.constant 1 : index
    %get3A_372 = arith.constant 0 : index
    %get3A_373 = vector.load %arg10[%get3A_371, %get3A_372] : memref<4x768xf32, #tpu.memory_space<vmem>>, vector<1x768xf32>
    %eq3A_374 = arith.constant 0 : i32
    %eq3A_375 = vector.broadcast %eq3A_374 : i32 to vector<4x1xi32>
    %eq3A_376 = arith.cmpi eq, %iota3A_235, %eq3A_375 : vector<4x1xi32>
    %convert_element_type3A_377 = arith.extui %eq3A_376 : vector<4x1xi1> to vector<4x1xi32>
    %convert_element_type3A_378 = arith.sitofp %convert_element_type3A_377 : vector<4x1xi32> to vector<4x1xf32>
    %get3A_379 = arith.constant 0 : index
    %get3A_380 = memref.load %arg1[%get3A_379] : memref<12xi32, #tpu.memory_space<smem>>
    %get3A_381 = arith.constant 9 : index
    %get3A_382 = memref.load %arg1[%get3A_381] : memref<12xi32, #tpu.memory_space<smem>>
    %eq3A_383 = arith.cmpi eq, %get3A_380, %get3A_382 : i32
    %jit3A_384 = arith.constant 1.000000e+00 : f32
    %jit3A_385 = arith.constant 0.000000e+00 : f32
    %select_n3A_386 = arith.select %eq3A_383, %jit3A_384, %jit3A_385 : f32
    %get3A_387 = arith.constant 4 : index
    %get3A_388 = memref.load %arg1[%get3A_387] : memref<12xi32, #tpu.memory_space<smem>>
    %get3A_389 = arith.constant 9 : index
    %get3A_390 = memref.load %arg1[%get3A_389] : memref<12xi32, #tpu.memory_space<smem>>
    %eq3A_391 = arith.cmpi eq, %get3A_388, %get3A_390 : i32
    %jit3A_392 = arith.constant 1.000000e+00 : f32
    %jit3A_393 = arith.constant 0.000000e+00 : f32
    %select_n3A_394 = arith.select %eq3A_391, %jit3A_392, %jit3A_393 : f32
    %mul3A_395 = vector.broadcast %select_n3A_386 : f32 to vector<4x1xf32>
    %mul3A_396 = arith.mulf %mul3A_395, %convert_element_type3A_378 : vector<4x1xf32>
    %mul3A_397 = vector.broadcast %mul3A_396 : vector<4x1xf32> to vector<4x768xf32>
    %mul3A_398 = vector.broadcast %get3A_373 : vector<1x768xf32> to vector<4x768xf32>
    %mul3A_399 = arith.mulf %mul3A_397, %mul3A_398 : vector<4x768xf32>
    %add3A_400 = arith.addf %add3A_364, %mul3A_399 : vector<4x768xf32>
    %mul3A_401 = vector.broadcast %select_n3A_394 : f32 to vector<4x1xf32>
    %mul3A_402 = arith.mulf %mul3A_401, %convert_element_type3A_378 : vector<4x1xf32>
    %mul3A_403 = vector.broadcast %mul3A_402 : vector<4x1xf32> to vector<4x768xf32>
    %mul3A_404 = vector.broadcast %get3A_373 : vector<1x768xf32> to vector<4x768xf32>
    %mul3A_405 = arith.mulf %mul3A_403, %mul3A_404 : vector<4x768xf32>
    %add3A_406 = arith.addf %add3A_370, %mul3A_405 : vector<4x768xf32>
    %eq3A_407 = arith.constant 1 : i32
    %eq3A_408 = vector.broadcast %eq3A_407 : i32 to vector<4x1xi32>
    %eq3A_409 = arith.cmpi eq, %iota3A_235, %eq3A_408 : vector<4x1xi32>
    %convert_element_type3A_410 = arith.extui %eq3A_409 : vector<4x1xi1> to vector<4x1xi32>
    %convert_element_type3A_411 = arith.sitofp %convert_element_type3A_410 : vector<4x1xi32> to vector<4x1xf32>
    %get3A_412 = arith.constant 1 : index
    %get3A_413 = memref.load %arg1[%get3A_412] : memref<12xi32, #tpu.memory_space<smem>>
    %get3A_414 = arith.constant 9 : index
    %get3A_415 = memref.load %arg1[%get3A_414] : memref<12xi32, #tpu.memory_space<smem>>
    %eq3A_416 = arith.cmpi eq, %get3A_413, %get3A_415 : i32
    %jit3A_417 = arith.constant 1.000000e+00 : f32
    %jit3A_418 = arith.constant 0.000000e+00 : f32
    %select_n3A_419 = arith.select %eq3A_416, %jit3A_417, %jit3A_418 : f32
    %get3A_420 = arith.constant 5 : index
    %get3A_421 = memref.load %arg1[%get3A_420] : memref<12xi32, #tpu.memory_space<smem>>
    %get3A_422 = arith.constant 9 : index
    %get3A_423 = memref.load %arg1[%get3A_422] : memref<12xi32, #tpu.memory_space<smem>>
    %eq3A_424 = arith.cmpi eq, %get3A_421, %get3A_423 : i32
    %jit3A_425 = arith.constant 1.000000e+00 : f32
    %jit3A_426 = arith.constant 0.000000e+00 : f32
    %select_n3A_427 = arith.select %eq3A_424, %jit3A_425, %jit3A_426 : f32
    %mul3A_428 = vector.broadcast %select_n3A_419 : f32 to vector<4x1xf32>
    %mul3A_429 = arith.mulf %mul3A_428, %convert_element_type3A_411 : vector<4x1xf32>
    %mul3A_430 = vector.broadcast %mul3A_429 : vector<4x1xf32> to vector<4x768xf32>
    %mul3A_431 = vector.broadcast %get3A_373 : vector<1x768xf32> to vector<4x768xf32>
    %mul3A_432 = arith.mulf %mul3A_430, %mul3A_431 : vector<4x768xf32>
    %add3A_433 = arith.addf %add3A_400, %mul3A_432 : vector<4x768xf32>
    %mul3A_434 = vector.broadcast %select_n3A_427 : f32 to vector<4x1xf32>
    %mul3A_435 = arith.mulf %mul3A_434, %convert_element_type3A_411 : vector<4x1xf32>
    %mul3A_436 = vector.broadcast %mul3A_435 : vector<4x1xf32> to vector<4x768xf32>
    %mul3A_437 = vector.broadcast %get3A_373 : vector<1x768xf32> to vector<4x768xf32>
    %mul3A_438 = arith.mulf %mul3A_436, %mul3A_437 : vector<4x768xf32>
    %add3A_439 = arith.addf %add3A_406, %mul3A_438 : vector<4x768xf32>
    %eq3A_440 = arith.constant 2 : i32
    %eq3A_441 = vector.broadcast %eq3A_440 : i32 to vector<4x1xi32>
    %eq3A_442 = arith.cmpi eq, %iota3A_235, %eq3A_441 : vector<4x1xi32>
    %convert_element_type3A_443 = arith.extui %eq3A_442 : vector<4x1xi1> to vector<4x1xi32>
    %convert_element_type3A_444 = arith.sitofp %convert_element_type3A_443 : vector<4x1xi32> to vector<4x1xf32>
    %get3A_445 = arith.constant 2 : index
    %get3A_446 = memref.load %arg1[%get3A_445] : memref<12xi32, #tpu.memory_space<smem>>
    %get3A_447 = arith.constant 9 : index
    %get3A_448 = memref.load %arg1[%get3A_447] : memref<12xi32, #tpu.memory_space<smem>>
    %eq3A_449 = arith.cmpi eq, %get3A_446, %get3A_448 : i32
    %jit3A_450 = arith.constant 1.000000e+00 : f32
    %jit3A_451 = arith.constant 0.000000e+00 : f32
    %select_n3A_452 = arith.select %eq3A_449, %jit3A_450, %jit3A_451 : f32
    %get3A_453 = arith.constant 6 : index
    %get3A_454 = memref.load %arg1[%get3A_453] : memref<12xi32, #tpu.memory_space<smem>>
    %get3A_455 = arith.constant 9 : index
    %get3A_456 = memref.load %arg1[%get3A_455] : memref<12xi32, #tpu.memory_space<smem>>
    %eq3A_457 = arith.cmpi eq, %get3A_454, %get3A_456 : i32
    %jit3A_458 = arith.constant 1.000000e+00 : f32
    %jit3A_459 = arith.constant 0.000000e+00 : f32
    %select_n3A_460 = arith.select %eq3A_457, %jit3A_458, %jit3A_459 : f32
    %mul3A_461 = vector.broadcast %select_n3A_452 : f32 to vector<4x1xf32>
    %mul3A_462 = arith.mulf %mul3A_461, %convert_element_type3A_444 : vector<4x1xf32>
    %mul3A_463 = vector.broadcast %mul3A_462 : vector<4x1xf32> to vector<4x768xf32>
    %mul3A_464 = vector.broadcast %get3A_373 : vector<1x768xf32> to vector<4x768xf32>
    %mul3A_465 = arith.mulf %mul3A_463, %mul3A_464 : vector<4x768xf32>
    %add3A_466 = arith.addf %add3A_433, %mul3A_465 : vector<4x768xf32>
    %mul3A_467 = vector.broadcast %select_n3A_460 : f32 to vector<4x1xf32>
    %mul3A_468 = arith.mulf %mul3A_467, %convert_element_type3A_444 : vector<4x1xf32>
    %mul3A_469 = vector.broadcast %mul3A_468 : vector<4x1xf32> to vector<4x768xf32>
    %mul3A_470 = vector.broadcast %get3A_373 : vector<1x768xf32> to vector<4x768xf32>
    %mul3A_471 = arith.mulf %mul3A_469, %mul3A_470 : vector<4x768xf32>
    %add3A_472 = arith.addf %add3A_439, %mul3A_471 : vector<4x768xf32>
    %eq3A_473 = arith.constant 3 : i32
    %eq3A_474 = vector.broadcast %eq3A_473 : i32 to vector<4x1xi32>
    %eq3A_475 = arith.cmpi eq, %iota3A_235, %eq3A_474 : vector<4x1xi32>
    %convert_element_type3A_476 = arith.extui %eq3A_475 : vector<4x1xi1> to vector<4x1xi32>
    %convert_element_type3A_477 = arith.sitofp %convert_element_type3A_476 : vector<4x1xi32> to vector<4x1xf32>
    %get3A_478 = arith.constant 3 : index
    %get3A_479 = memref.load %arg1[%get3A_478] : memref<12xi32, #tpu.memory_space<smem>>
    %get3A_480 = arith.constant 9 : index
    %get3A_481 = memref.load %arg1[%get3A_480] : memref<12xi32, #tpu.memory_space<smem>>
    %eq3A_482 = arith.cmpi eq, %get3A_479, %get3A_481 : i32
    %jit3A_483 = arith.constant 1.000000e+00 : f32
    %jit3A_484 = arith.constant 0.000000e+00 : f32
    %select_n3A_485 = arith.select %eq3A_482, %jit3A_483, %jit3A_484 : f32
    %get3A_486 = arith.constant 7 : index
    %get3A_487 = memref.load %arg1[%get3A_486] : memref<12xi32, #tpu.memory_space<smem>>
    %get3A_488 = arith.constant 9 : index
    %get3A_489 = memref.load %arg1[%get3A_488] : memref<12xi32, #tpu.memory_space<smem>>
    %eq3A_490 = arith.cmpi eq, %get3A_487, %get3A_489 : i32
    %jit3A_491 = arith.constant 1.000000e+00 : f32
    %jit3A_492 = arith.constant 0.000000e+00 : f32
    %select_n3A_493 = arith.select %eq3A_490, %jit3A_491, %jit3A_492 : f32
    %mul3A_494 = vector.broadcast %select_n3A_485 : f32 to vector<4x1xf32>
    %mul3A_495 = arith.mulf %mul3A_494, %convert_element_type3A_477 : vector<4x1xf32>
    %mul3A_496 = vector.broadcast %mul3A_495 : vector<4x1xf32> to vector<4x768xf32>
    %mul3A_497 = vector.broadcast %get3A_373 : vector<1x768xf32> to vector<4x768xf32>
    %mul3A_498 = arith.mulf %mul3A_496, %mul3A_497 : vector<4x768xf32>
    %add3A_499 = arith.addf %add3A_466, %mul3A_498 : vector<4x768xf32>
    %mul3A_500 = vector.broadcast %select_n3A_493 : f32 to vector<4x1xf32>
    %mul3A_501 = arith.mulf %mul3A_500, %convert_element_type3A_477 : vector<4x1xf32>
    %mul3A_502 = vector.broadcast %mul3A_501 : vector<4x1xf32> to vector<4x768xf32>
    %mul3A_503 = vector.broadcast %get3A_373 : vector<1x768xf32> to vector<4x768xf32>
    %mul3A_504 = arith.mulf %mul3A_502, %mul3A_503 : vector<4x768xf32>
    %add3A_505 = arith.addf %add3A_472, %mul3A_504 : vector<4x768xf32>
    %get3A_506 = arith.constant 2 : index
    %get3A_507 = arith.constant 0 : index
    %get3A_508 = vector.load %arg10[%get3A_506, %get3A_507] : memref<4x768xf32, #tpu.memory_space<vmem>>, vector<1x768xf32>
    %eq3A_509 = arith.constant 0 : i32
    %eq3A_510 = vector.broadcast %eq3A_509 : i32 to vector<4x1xi32>
    %eq3A_511 = arith.cmpi eq, %iota3A_235, %eq3A_510 : vector<4x1xi32>
    %convert_element_type3A_512 = arith.extui %eq3A_511 : vector<4x1xi1> to vector<4x1xi32>
    %convert_element_type3A_513 = arith.sitofp %convert_element_type3A_512 : vector<4x1xi32> to vector<4x1xf32>
    %get3A_514 = arith.constant 0 : index
    %get3A_515 = memref.load %arg1[%get3A_514] : memref<12xi32, #tpu.memory_space<smem>>
    %get3A_516 = arith.constant 10 : index
    %get3A_517 = memref.load %arg1[%get3A_516] : memref<12xi32, #tpu.memory_space<smem>>
    %eq3A_518 = arith.cmpi eq, %get3A_515, %get3A_517 : i32
    %jit3A_519 = arith.constant 1.000000e+00 : f32
    %jit3A_520 = arith.constant 0.000000e+00 : f32
    %select_n3A_521 = arith.select %eq3A_518, %jit3A_519, %jit3A_520 : f32
    %get3A_522 = arith.constant 4 : index
    %get3A_523 = memref.load %arg1[%get3A_522] : memref<12xi32, #tpu.memory_space<smem>>
    %get3A_524 = arith.constant 10 : index
    %get3A_525 = memref.load %arg1[%get3A_524] : memref<12xi32, #tpu.memory_space<smem>>
    %eq3A_526 = arith.cmpi eq, %get3A_523, %get3A_525 : i32
    %jit3A_527 = arith.constant 1.000000e+00 : f32
    %jit3A_528 = arith.constant 0.000000e+00 : f32
    %select_n3A_529 = arith.select %eq3A_526, %jit3A_527, %jit3A_528 : f32
    %mul3A_530 = vector.broadcast %select_n3A_521 : f32 to vector<4x1xf32>
    %mul3A_531 = arith.mulf %mul3A_530, %convert_element_type3A_513 : vector<4x1xf32>
    %mul3A_532 = vector.broadcast %mul3A_531 : vector<4x1xf32> to vector<4x768xf32>
    %mul3A_533 = vector.broadcast %get3A_508 : vector<1x768xf32> to vector<4x768xf32>
    %mul3A_534 = arith.mulf %mul3A_532, %mul3A_533 : vector<4x768xf32>
    %add3A_535 = arith.addf %add3A_499, %mul3A_534 : vector<4x768xf32>
    %mul3A_536 = vector.broadcast %select_n3A_529 : f32 to vector<4x1xf32>
    %mul3A_537 = arith.mulf %mul3A_536, %convert_element_type3A_513 : vector<4x1xf32>
    %mul3A_538 = vector.broadcast %mul3A_537 : vector<4x1xf32> to vector<4x768xf32>
    %mul3A_539 = vector.broadcast %get3A_508 : vector<1x768xf32> to vector<4x768xf32>
    %mul3A_540 = arith.mulf %mul3A_538, %mul3A_539 : vector<4x768xf32>
    %add3A_541 = arith.addf %add3A_505, %mul3A_540 : vector<4x768xf32>
    %eq3A_542 = arith.constant 1 : i32
    %eq3A_543 = vector.broadcast %eq3A_542 : i32 to vector<4x1xi32>
    %eq3A_544 = arith.cmpi eq, %iota3A_235, %eq3A_543 : vector<4x1xi32>
    %convert_element_type3A_545 = arith.extui %eq3A_544 : vector<4x1xi1> to vector<4x1xi32>
    %convert_element_type3A_546 = arith.sitofp %convert_element_type3A_545 : vector<4x1xi32> to vector<4x1xf32>
    %get3A_547 = arith.constant 1 : index
    %get3A_548 = memref.load %arg1[%get3A_547] : memref<12xi32, #tpu.memory_space<smem>>
    %get3A_549 = arith.constant 10 : index
    %get3A_550 = memref.load %arg1[%get3A_549] : memref<12xi32, #tpu.memory_space<smem>>
    %eq3A_551 = arith.cmpi eq, %get3A_548, %get3A_550 : i32
    %jit3A_552 = arith.constant 1.000000e+00 : f32
    %jit3A_553 = arith.constant 0.000000e+00 : f32
    %select_n3A_554 = arith.select %eq3A_551, %jit3A_552, %jit3A_553 : f32
    %get3A_555 = arith.constant 5 : index
    %get3A_556 = memref.load %arg1[%get3A_555] : memref<12xi32, #tpu.memory_space<smem>>
    %get3A_557 = arith.constant 10 : index
    %get3A_558 = memref.load %arg1[%get3A_557] : memref<12xi32, #tpu.memory_space<smem>>
    %eq3A_559 = arith.cmpi eq, %get3A_556, %get3A_558 : i32
    %jit3A_560 = arith.constant 1.000000e+00 : f32
    %jit3A_561 = arith.constant 0.000000e+00 : f32
    %select_n3A_562 = arith.select %eq3A_559, %jit3A_560, %jit3A_561 : f32
    %mul3A_563 = vector.broadcast %select_n3A_554 : f32 to vector<4x1xf32>
    %mul3A_564 = arith.mulf %mul3A_563, %convert_element_type3A_546 : vector<4x1xf32>
    %mul3A_565 = vector.broadcast %mul3A_564 : vector<4x1xf32> to vector<4x768xf32>
    %mul3A_566 = vector.broadcast %get3A_508 : vector<1x768xf32> to vector<4x768xf32>
    %mul3A_567 = arith.mulf %mul3A_565, %mul3A_566 : vector<4x768xf32>
    %add3A_568 = arith.addf %add3A_535, %mul3A_567 : vector<4x768xf32>
    %mul3A_569 = vector.broadcast %select_n3A_562 : f32 to vector<4x1xf32>
    %mul3A_570 = arith.mulf %mul3A_569, %convert_element_type3A_546 : vector<4x1xf32>
    %mul3A_571 = vector.broadcast %mul3A_570 : vector<4x1xf32> to vector<4x768xf32>
    %mul3A_572 = vector.broadcast %get3A_508 : vector<1x768xf32> to vector<4x768xf32>
    %mul3A_573 = arith.mulf %mul3A_571, %mul3A_572 : vector<4x768xf32>
    %add3A_574 = arith.addf %add3A_541, %mul3A_573 : vector<4x768xf32>
    %eq3A_575 = arith.constant 2 : i32
    %eq3A_576 = vector.broadcast %eq3A_575 : i32 to vector<4x1xi32>
    %eq3A_577 = arith.cmpi eq, %iota3A_235, %eq3A_576 : vector<4x1xi32>
    %convert_element_type3A_578 = arith.extui %eq3A_577 : vector<4x1xi1> to vector<4x1xi32>
    %convert_element_type3A_579 = arith.sitofp %convert_element_type3A_578 : vector<4x1xi32> to vector<4x1xf32>
    %get3A_580 = arith.constant 2 : index
    %get3A_581 = memref.load %arg1[%get3A_580] : memref<12xi32, #tpu.memory_space<smem>>
    %get3A_582 = arith.constant 10 : index
    %get3A_583 = memref.load %arg1[%get3A_582] : memref<12xi32, #tpu.memory_space<smem>>
    %eq3A_584 = arith.cmpi eq, %get3A_581, %get3A_583 : i32
    %jit3A_585 = arith.constant 1.000000e+00 : f32
    %jit3A_586 = arith.constant 0.000000e+00 : f32
    %select_n3A_587 = arith.select %eq3A_584, %jit3A_585, %jit3A_586 : f32
    %get3A_588 = arith.constant 6 : index
    %get3A_589 = memref.load %arg1[%get3A_588] : memref<12xi32, #tpu.memory_space<smem>>
    %get3A_590 = arith.constant 10 : index
    %get3A_591 = memref.load %arg1[%get3A_590] : memref<12xi32, #tpu.memory_space<smem>>
    %eq3A_592 = arith.cmpi eq, %get3A_589, %get3A_591 : i32
    %jit3A_593 = arith.constant 1.000000e+00 : f32
    %jit3A_594 = arith.constant 0.000000e+00 : f32
    %select_n3A_595 = arith.select %eq3A_592, %jit3A_593, %jit3A_594 : f32
    %mul3A_596 = vector.broadcast %select_n3A_587 : f32 to vector<4x1xf32>
    %mul3A_597 = arith.mulf %mul3A_596, %convert_element_type3A_579 : vector<4x1xf32>
    %mul3A_598 = vector.broadcast %mul3A_597 : vector<4x1xf32> to vector<4x768xf32>
    %mul3A_599 = vector.broadcast %get3A_508 : vector<1x768xf32> to vector<4x768xf32>
    %mul3A_600 = arith.mulf %mul3A_598, %mul3A_599 : vector<4x768xf32>
    %add3A_601 = arith.addf %add3A_568, %mul3A_600 : vector<4x768xf32>
    %mul3A_602 = vector.broadcast %select_n3A_595 : f32 to vector<4x1xf32>
    %mul3A_603 = arith.mulf %mul3A_602, %convert_element_type3A_579 : vector<4x1xf32>
    %mul3A_604 = vector.broadcast %mul3A_603 : vector<4x1xf32> to vector<4x768xf32>
    %mul3A_605 = vector.broadcast %get3A_508 : vector<1x768xf32> to vector<4x768xf32>
    %mul3A_606 = arith.mulf %mul3A_604, %mul3A_605 : vector<4x768xf32>
    %add3A_607 = arith.addf %add3A_574, %mul3A_606 : vector<4x768xf32>
    %eq3A_608 = arith.constant 3 : i32
    %eq3A_609 = vector.broadcast %eq3A_608 : i32 to vector<4x1xi32>
    %eq3A_610 = arith.cmpi eq, %iota3A_235, %eq3A_609 : vector<4x1xi32>
    %convert_element_type3A_611 = arith.extui %eq3A_610 : vector<4x1xi1> to vector<4x1xi32>
    %convert_element_type3A_612 = arith.sitofp %convert_element_type3A_611 : vector<4x1xi32> to vector<4x1xf32>
    %get3A_613 = arith.constant 3 : index
    %get3A_614 = memref.load %arg1[%get3A_613] : memref<12xi32, #tpu.memory_space<smem>>
    %get3A_615 = arith.constant 10 : index
    %get3A_616 = memref.load %arg1[%get3A_615] : memref<12xi32, #tpu.memory_space<smem>>
    %eq3A_617 = arith.cmpi eq, %get3A_614, %get3A_616 : i32
    %jit3A_618 = arith.constant 1.000000e+00 : f32
    %jit3A_619 = arith.constant 0.000000e+00 : f32
    %select_n3A_620 = arith.select %eq3A_617, %jit3A_618, %jit3A_619 : f32
    %get3A_621 = arith.constant 7 : index
    %get3A_622 = memref.load %arg1[%get3A_621] : memref<12xi32, #tpu.memory_space<smem>>
    %get3A_623 = arith.constant 10 : index
    %get3A_624 = memref.load %arg1[%get3A_623] : memref<12xi32, #tpu.memory_space<smem>>
    %eq3A_625 = arith.cmpi eq, %get3A_622, %get3A_624 : i32
    %jit3A_626 = arith.constant 1.000000e+00 : f32
    %jit3A_627 = arith.constant 0.000000e+00 : f32
    %select_n3A_628 = arith.select %eq3A_625, %jit3A_626, %jit3A_627 : f32
    %mul3A_629 = vector.broadcast %select_n3A_620 : f32 to vector<4x1xf32>
    %mul3A_630 = arith.mulf %mul3A_629, %convert_element_type3A_612 : vector<4x1xf32>
    %mul3A_631 = vector.broadcast %mul3A_630 : vector<4x1xf32> to vector<4x768xf32>
    %mul3A_632 = vector.broadcast %get3A_508 : vector<1x768xf32> to vector<4x768xf32>
    %mul3A_633 = arith.mulf %mul3A_631, %mul3A_632 : vector<4x768xf32>
    %add3A_634 = arith.addf %add3A_601, %mul3A_633 : vector<4x768xf32>
    %mul3A_635 = vector.broadcast %select_n3A_628 : f32 to vector<4x1xf32>
    %mul3A_636 = arith.mulf %mul3A_635, %convert_element_type3A_612 : vector<4x1xf32>
    %mul3A_637 = vector.broadcast %mul3A_636 : vector<4x1xf32> to vector<4x768xf32>
    %mul3A_638 = vector.broadcast %get3A_508 : vector<1x768xf32> to vector<4x768xf32>
    %mul3A_639 = arith.mulf %mul3A_637, %mul3A_638 : vector<4x768xf32>
    %add3A_640 = arith.addf %add3A_607, %mul3A_639 : vector<4x768xf32>
    %get3A_641 = arith.constant 3 : index
    %get3A_642 = arith.constant 0 : index
    %get3A_643 = vector.load %arg10[%get3A_641, %get3A_642] : memref<4x768xf32, #tpu.memory_space<vmem>>, vector<1x768xf32>
    %eq3A_644 = arith.constant 0 : i32
    %eq3A_645 = vector.broadcast %eq3A_644 : i32 to vector<4x1xi32>
    %eq3A_646 = arith.cmpi eq, %iota3A_235, %eq3A_645 : vector<4x1xi32>
    %convert_element_type3A_647 = arith.extui %eq3A_646 : vector<4x1xi1> to vector<4x1xi32>
    %convert_element_type3A_648 = arith.sitofp %convert_element_type3A_647 : vector<4x1xi32> to vector<4x1xf32>
    %get3A_649 = arith.constant 0 : index
    %get3A_650 = memref.load %arg1[%get3A_649] : memref<12xi32, #tpu.memory_space<smem>>
    %get3A_651 = arith.constant 11 : index
    %get3A_652 = memref.load %arg1[%get3A_651] : memref<12xi32, #tpu.memory_space<smem>>
    %eq3A_653 = arith.cmpi eq, %get3A_650, %get3A_652 : i32
    %jit3A_654 = arith.constant 1.000000e+00 : f32
    %jit3A_655 = arith.constant 0.000000e+00 : f32
    %select_n3A_656 = arith.select %eq3A_653, %jit3A_654, %jit3A_655 : f32
    %get3A_657 = arith.constant 4 : index
    %get3A_658 = memref.load %arg1[%get3A_657] : memref<12xi32, #tpu.memory_space<smem>>
    %get3A_659 = arith.constant 11 : index
    %get3A_660 = memref.load %arg1[%get3A_659] : memref<12xi32, #tpu.memory_space<smem>>
    %eq3A_661 = arith.cmpi eq, %get3A_658, %get3A_660 : i32
    %jit3A_662 = arith.constant 1.000000e+00 : f32
    %jit3A_663 = arith.constant 0.000000e+00 : f32
    %select_n3A_664 = arith.select %eq3A_661, %jit3A_662, %jit3A_663 : f32
    %mul3A_665 = vector.broadcast %select_n3A_656 : f32 to vector<4x1xf32>
    %mul3A_666 = arith.mulf %mul3A_665, %convert_element_type3A_648 : vector<4x1xf32>
    %mul3A_667 = vector.broadcast %mul3A_666 : vector<4x1xf32> to vector<4x768xf32>
    %mul3A_668 = vector.broadcast %get3A_643 : vector<1x768xf32> to vector<4x768xf32>
    %mul3A_669 = arith.mulf %mul3A_667, %mul3A_668 : vector<4x768xf32>
    %add3A_670 = arith.addf %add3A_634, %mul3A_669 : vector<4x768xf32>
    %mul3A_671 = vector.broadcast %select_n3A_664 : f32 to vector<4x1xf32>
    %mul3A_672 = arith.mulf %mul3A_671, %convert_element_type3A_648 : vector<4x1xf32>
    %mul3A_673 = vector.broadcast %mul3A_672 : vector<4x1xf32> to vector<4x768xf32>
    %mul3A_674 = vector.broadcast %get3A_643 : vector<1x768xf32> to vector<4x768xf32>
    %mul3A_675 = arith.mulf %mul3A_673, %mul3A_674 : vector<4x768xf32>
    %add3A_676 = arith.addf %add3A_640, %mul3A_675 : vector<4x768xf32>
    %eq3A_677 = arith.constant 1 : i32
    %eq3A_678 = vector.broadcast %eq3A_677 : i32 to vector<4x1xi32>
    %eq3A_679 = arith.cmpi eq, %iota3A_235, %eq3A_678 : vector<4x1xi32>
    %convert_element_type3A_680 = arith.extui %eq3A_679 : vector<4x1xi1> to vector<4x1xi32>
    %convert_element_type3A_681 = arith.sitofp %convert_element_type3A_680 : vector<4x1xi32> to vector<4x1xf32>
    %get3A_682 = arith.constant 1 : index
    %get3A_683 = memref.load %arg1[%get3A_682] : memref<12xi32, #tpu.memory_space<smem>>
    %get3A_684 = arith.constant 11 : index
    %get3A_685 = memref.load %arg1[%get3A_684] : memref<12xi32, #tpu.memory_space<smem>>
    %eq3A_686 = arith.cmpi eq, %get3A_683, %get3A_685 : i32
    %jit3A_687 = arith.constant 1.000000e+00 : f32
    %jit3A_688 = arith.constant 0.000000e+00 : f32
    %select_n3A_689 = arith.select %eq3A_686, %jit3A_687, %jit3A_688 : f32
    %get3A_690 = arith.constant 5 : index
    %get3A_691 = memref.load %arg1[%get3A_690] : memref<12xi32, #tpu.memory_space<smem>>
    %get3A_692 = arith.constant 11 : index
    %get3A_693 = memref.load %arg1[%get3A_692] : memref<12xi32, #tpu.memory_space<smem>>
    %eq3A_694 = arith.cmpi eq, %get3A_691, %get3A_693 : i32
    %jit3A_695 = arith.constant 1.000000e+00 : f32
    %jit3A_696 = arith.constant 0.000000e+00 : f32
    %select_n3A_697 = arith.select %eq3A_694, %jit3A_695, %jit3A_696 : f32
    %mul3A_698 = vector.broadcast %select_n3A_689 : f32 to vector<4x1xf32>
    %mul3A_699 = arith.mulf %mul3A_698, %convert_element_type3A_681 : vector<4x1xf32>
    %mul3A_700 = vector.broadcast %mul3A_699 : vector<4x1xf32> to vector<4x768xf32>
    %mul3A_701 = vector.broadcast %get3A_643 : vector<1x768xf32> to vector<4x768xf32>
    %mul3A_702 = arith.mulf %mul3A_700, %mul3A_701 : vector<4x768xf32>
    %add3A_703 = arith.addf %add3A_670, %mul3A_702 : vector<4x768xf32>
    %mul3A_704 = vector.broadcast %select_n3A_697 : f32 to vector<4x1xf32>
    %mul3A_705 = arith.mulf %mul3A_704, %convert_element_type3A_681 : vector<4x1xf32>
    %mul3A_706 = vector.broadcast %mul3A_705 : vector<4x1xf32> to vector<4x768xf32>
    %mul3A_707 = vector.broadcast %get3A_643 : vector<1x768xf32> to vector<4x768xf32>
    %mul3A_708 = arith.mulf %mul3A_706, %mul3A_707 : vector<4x768xf32>
    %add3A_709 = arith.addf %add3A_676, %mul3A_708 : vector<4x768xf32>
    %eq3A_710 = arith.constant 2 : i32
    %eq3A_711 = vector.broadcast %eq3A_710 : i32 to vector<4x1xi32>
    %eq3A_712 = arith.cmpi eq, %iota3A_235, %eq3A_711 : vector<4x1xi32>
    %convert_element_type3A_713 = arith.extui %eq3A_712 : vector<4x1xi1> to vector<4x1xi32>
    %convert_element_type3A_714 = arith.sitofp %convert_element_type3A_713 : vector<4x1xi32> to vector<4x1xf32>
    %get3A_715 = arith.constant 2 : index
    %get3A_716 = memref.load %arg1[%get3A_715] : memref<12xi32, #tpu.memory_space<smem>>
    %get3A_717 = arith.constant 11 : index
    %get3A_718 = memref.load %arg1[%get3A_717] : memref<12xi32, #tpu.memory_space<smem>>
    %eq3A_719 = arith.cmpi eq, %get3A_716, %get3A_718 : i32
    %jit3A_720 = arith.constant 1.000000e+00 : f32
    %jit3A_721 = arith.constant 0.000000e+00 : f32
    %select_n3A_722 = arith.select %eq3A_719, %jit3A_720, %jit3A_721 : f32
    %get3A_723 = arith.constant 6 : index
    %get3A_724 = memref.load %arg1[%get3A_723] : memref<12xi32, #tpu.memory_space<smem>>
    %get3A_725 = arith.constant 11 : index
    %get3A_726 = memref.load %arg1[%get3A_725] : memref<12xi32, #tpu.memory_space<smem>>
    %eq3A_727 = arith.cmpi eq, %get3A_724, %get3A_726 : i32
    %jit3A_728 = arith.constant 1.000000e+00 : f32
    %jit3A_729 = arith.constant 0.000000e+00 : f32
    %select_n3A_730 = arith.select %eq3A_727, %jit3A_728, %jit3A_729 : f32
    %mul3A_731 = vector.broadcast %select_n3A_722 : f32 to vector<4x1xf32>
    %mul3A_732 = arith.mulf %mul3A_731, %convert_element_type3A_714 : vector<4x1xf32>
    %mul3A_733 = vector.broadcast %mul3A_732 : vector<4x1xf32> to vector<4x768xf32>
    %mul3A_734 = vector.broadcast %get3A_643 : vector<1x768xf32> to vector<4x768xf32>
    %mul3A_735 = arith.mulf %mul3A_733, %mul3A_734 : vector<4x768xf32>
    %add3A_736 = arith.addf %add3A_703, %mul3A_735 : vector<4x768xf32>
    %mul3A_737 = vector.broadcast %select_n3A_730 : f32 to vector<4x1xf32>
    %mul3A_738 = arith.mulf %mul3A_737, %convert_element_type3A_714 : vector<4x1xf32>
    %mul3A_739 = vector.broadcast %mul3A_738 : vector<4x1xf32> to vector<4x768xf32>
    %mul3A_740 = vector.broadcast %get3A_643 : vector<1x768xf32> to vector<4x768xf32>
    %mul3A_741 = arith.mulf %mul3A_739, %mul3A_740 : vector<4x768xf32>
    %add3A_742 = arith.addf %add3A_709, %mul3A_741 : vector<4x768xf32>
    %eq3A_743 = arith.constant 3 : i32
    %eq3A_744 = vector.broadcast %eq3A_743 : i32 to vector<4x1xi32>
    %eq3A_745 = arith.cmpi eq, %iota3A_235, %eq3A_744 : vector<4x1xi32>
    %convert_element_type3A_746 = arith.extui %eq3A_745 : vector<4x1xi1> to vector<4x1xi32>
    %convert_element_type3A_747 = arith.sitofp %convert_element_type3A_746 : vector<4x1xi32> to vector<4x1xf32>
    %get3A_748 = arith.constant 3 : index
    %get3A_749 = memref.load %arg1[%get3A_748] : memref<12xi32, #tpu.memory_space<smem>>
    %get3A_750 = arith.constant 11 : index
    %get3A_751 = memref.load %arg1[%get3A_750] : memref<12xi32, #tpu.memory_space<smem>>
    %eq3A_752 = arith.cmpi eq, %get3A_749, %get3A_751 : i32
    %jit3A_753 = arith.constant 1.000000e+00 : f32
    %jit3A_754 = arith.constant 0.000000e+00 : f32
    %select_n3A_755 = arith.select %eq3A_752, %jit3A_753, %jit3A_754 : f32
    %get3A_756 = arith.constant 7 : index
    %get3A_757 = memref.load %arg1[%get3A_756] : memref<12xi32, #tpu.memory_space<smem>>
    %get3A_758 = arith.constant 11 : index
    %get3A_759 = memref.load %arg1[%get3A_758] : memref<12xi32, #tpu.memory_space<smem>>
    %eq3A_760 = arith.cmpi eq, %get3A_757, %get3A_759 : i32
    %jit3A_761 = arith.constant 1.000000e+00 : f32
    %jit3A_762 = arith.constant 0.000000e+00 : f32
    %select_n3A_763 = arith.select %eq3A_760, %jit3A_761, %jit3A_762 : f32
    %mul3A_764 = vector.broadcast %select_n3A_755 : f32 to vector<4x1xf32>
    %mul3A_765 = arith.mulf %mul3A_764, %convert_element_type3A_747 : vector<4x1xf32>
    %mul3A_766 = vector.broadcast %mul3A_765 : vector<4x1xf32> to vector<4x768xf32>
    %mul3A_767 = vector.broadcast %get3A_643 : vector<1x768xf32> to vector<4x768xf32>
    %mul3A_768 = arith.mulf %mul3A_766, %mul3A_767 : vector<4x768xf32>
    %add3A_769 = arith.addf %add3A_736, %mul3A_768 : vector<4x768xf32>
    %mul3A_770 = vector.broadcast %select_n3A_763 : f32 to vector<4x1xf32>
    %mul3A_771 = arith.mulf %mul3A_770, %convert_element_type3A_747 : vector<4x1xf32>
    %mul3A_772 = vector.broadcast %mul3A_771 : vector<4x1xf32> to vector<4x768xf32>
    %mul3A_773 = vector.broadcast %get3A_643 : vector<1x768xf32> to vector<4x768xf32>
    %mul3A_774 = arith.mulf %mul3A_772, %mul3A_773 : vector<4x768xf32>
    %add3A_775 = arith.addf %add3A_742, %mul3A_774 : vector<4x768xf32>
    %get3A_776 = arith.constant 0 : index
    %get3A_777 = arith.constant 0 : index
    %get3A_778 = vector.load %arg13[%get3A_776, %get3A_777] : memref<1x768xf32, #tpu.memory_space<vmem>>, vector<1x768xf32>
    %reduce_sum3A_779 = arith.constant dense<0.000000e+00> : vector<4xf32>
    %reduce_sum3A_780 = vector.multi_reduction <add>, %add3A_769, %reduce_sum3A_779 [1] : vector<4x768xf32> to vector<4xf32>
    %broadcast_in_dim3A_781 = vector.shape_cast %reduce_sum3A_780 : vector<4xf32> to vector<4x1xf32>
    %div3A = arith.constant 7.680000e+02 : f32
    %div3A_782 = vector.broadcast %div3A : f32 to vector<4x1xf32>
    %div3A_783 = arith.divf %broadcast_in_dim3A_781, %div3A_782 : vector<4x1xf32>
    %sub3A = vector.broadcast %div3A_783 : vector<4x1xf32> to vector<4x768xf32>
    %sub3A_784 = arith.subf %add3A_769, %sub3A : vector<4x768xf32>
    %integer_pow3A = arith.mulf %sub3A_784, %sub3A_784 : vector<4x768xf32>
    %reduce_sum3A_785 = arith.constant dense<0.000000e+00> : vector<4xf32>
    %reduce_sum3A_786 = vector.multi_reduction <add>, %integer_pow3A, %reduce_sum3A_785 [1] : vector<4x768xf32> to vector<4xf32>
    %broadcast_in_dim3A_787 = vector.shape_cast %reduce_sum3A_786 : vector<4xf32> to vector<4x1xf32>
    %div3A_788 = arith.constant 7.680000e+02 : f32
    %div3A_789 = vector.broadcast %div3A_788 : f32 to vector<4x1xf32>
    %div3A_790 = arith.divf %broadcast_in_dim3A_787, %div3A_789 : vector<4x1xf32>
    %sub3A_791 = vector.broadcast %div3A_783 : vector<4x1xf32> to vector<4x768xf32>
    %sub3A_792 = arith.subf %add3A_769, %sub3A_791 : vector<4x768xf32>
    %add3A_793 = arith.constant 9.99999997E-7 : f32
    %add3A_794 = vector.broadcast %add3A_793 : f32 to vector<4x1xf32>
    %add3A_795 = arith.addf %div3A_790, %add3A_794 : vector<4x1xf32>
    %sqrt3A = math.sqrt %add3A_795 : vector<4x1xf32>
    %div3A_796 = vector.broadcast %sqrt3A : vector<4x1xf32> to vector<4x768xf32>
    %div3A_797 = arith.divf %sub3A_792, %div3A_796 : vector<4x768xf32>
    %mul3A_798 = vector.broadcast %get3A_778 : vector<1x768xf32> to vector<4x768xf32>
    %mul3A_799 = arith.mulf %div3A_797, %mul3A_798 : vector<4x768xf32>
    %get3A_800 = arith.constant 0 : index
    %get3A_801 = arith.constant 0 : index
    %get3A_802 = vector.load %arg13[%get3A_800, %get3A_801] : memref<1x768xf32, #tpu.memory_space<vmem>>, vector<1x768xf32>
    %reduce_sum3A_803 = arith.constant dense<0.000000e+00> : vector<4xf32>
    %reduce_sum3A_804 = vector.multi_reduction <add>, %add3A_775, %reduce_sum3A_803 [1] : vector<4x768xf32> to vector<4xf32>
    %broadcast_in_dim3A_805 = vector.shape_cast %reduce_sum3A_804 : vector<4xf32> to vector<4x1xf32>
    %div3A_806 = arith.constant 7.680000e+02 : f32
    %div3A_807 = vector.broadcast %div3A_806 : f32 to vector<4x1xf32>
    %div3A_808 = arith.divf %broadcast_in_dim3A_805, %div3A_807 : vector<4x1xf32>
    %sub3A_809 = vector.broadcast %div3A_808 : vector<4x1xf32> to vector<4x768xf32>
    %sub3A_810 = arith.subf %add3A_775, %sub3A_809 : vector<4x768xf32>
    %integer_pow3A_811 = arith.mulf %sub3A_810, %sub3A_810 : vector<4x768xf32>
    %reduce_sum3A_812 = arith.constant dense<0.000000e+00> : vector<4xf32>
    %reduce_sum3A_813 = vector.multi_reduction <add>, %integer_pow3A_811, %reduce_sum3A_812 [1] : vector<4x768xf32> to vector<4xf32>
    %broadcast_in_dim3A_814 = vector.shape_cast %reduce_sum3A_813 : vector<4xf32> to vector<4x1xf32>
    %div3A_815 = arith.constant 7.680000e+02 : f32
    %div3A_816 = vector.broadcast %div3A_815 : f32 to vector<4x1xf32>
    %div3A_817 = arith.divf %broadcast_in_dim3A_814, %div3A_816 : vector<4x1xf32>
    %sub3A_818 = vector.broadcast %div3A_808 : vector<4x1xf32> to vector<4x768xf32>
    %sub3A_819 = arith.subf %add3A_775, %sub3A_818 : vector<4x768xf32>
    %add3A_820 = arith.constant 9.99999997E-7 : f32
    %add3A_821 = vector.broadcast %add3A_820 : f32 to vector<4x1xf32>
    %add3A_822 = arith.addf %div3A_817, %add3A_821 : vector<4x1xf32>
    %sqrt3A_823 = math.sqrt %add3A_822 : vector<4x1xf32>
    %div3A_824 = vector.broadcast %sqrt3A_823 : vector<4x1xf32> to vector<4x768xf32>
    %div3A_825 = arith.divf %sub3A_819, %div3A_824 : vector<4x768xf32>
    %mul3A_826 = vector.broadcast %get3A_802 : vector<1x768xf32> to vector<4x768xf32>
    %mul3A_827 = arith.mulf %div3A_825, %mul3A_826 : vector<4x768xf32>
    %get3A_828 = arith.constant 0 : index
    %get3A_829 = arith.constant 0 : index
    %get3A_830 = vector.load %arg14[%get3A_828, %get3A_829] : memref<768x768xf32, #tpu.memory_space<vmem>>, vector<768x768xf32>
    %dot_general3A = arith.constant dense<0.000000e+00> : vector<4x768xf32>
    %dot_general3A_831 = tpu.matmul %mul3A_799, %get3A_830, %dot_general3A {dimension_numbers = #tpu.dot_dimension_numbers<[1], [0], [0], [1], [0, 0, 1, 1], [], []>, transpose_lhs_hint = false} : vector<4x768xf32>, vector<768x768xf32>, vector<4x768xf32> -> vector<4x768xf32>
    %get3A_832 = arith.constant 0 : index
    %get3A_833 = arith.constant 0 : index
    %get3A_834 = vector.load %arg15[%get3A_832, %get3A_833] : memref<768x768xf32, #tpu.memory_space<vmem>>, vector<768x768xf32>
    %dot_general3A_835 = arith.constant dense<0.000000e+00> : vector<4x768xf32>
    %dot_general3A_836 = tpu.matmul %mul3A_827, %get3A_834, %dot_general3A_835 {dimension_numbers = #tpu.dot_dimension_numbers<[1], [0], [0], [1], [0, 0, 1, 1], [], []>, transpose_lhs_hint = false} : vector<4x768xf32>, vector<768x768xf32>, vector<4x768xf32> -> vector<4x768xf32>
    %get3A_837 = arith.constant 0 : index
    %get3A_838 = arith.constant 0 : index
    %get3A_839 = vector.load %arg16[%get3A_837, %get3A_838] : memref<768x768xf32, #tpu.memory_space<vmem>>, vector<768x768xf32>
    %dot_general3A_840 = arith.constant dense<0.000000e+00> : vector<4x768xf32>
    %dot_general3A_841 = tpu.matmul %mul3A_827, %get3A_839, %dot_general3A_840 {dimension_numbers = #tpu.dot_dimension_numbers<[1], [0], [0], [1], [0, 0, 1, 1], [], []>, transpose_lhs_hint = false} : vector<4x768xf32>, vector<768x768xf32>, vector<4x768xf32> -> vector<4x768xf32>
    %get3A_842 = arith.constant 0 : index
    %get3A_843 = arith.constant 0 : index
    %get3A_844 = vector.load %arg12[%get3A_842, %get3A_843] : memref<4x1xf32, #tpu.memory_space<vmem>>, vector<4x1xf32>
    %logistic3A = arith.negf %get3A_844 : vector<4x1xf32>
    %logistic3A_845 = math.exp %logistic3A : vector<4x1xf32>
    %logistic3A_846 = arith.constant 1.000000e+00 : f32
    %logistic3A_847 = vector.broadcast %logistic3A_846 : f32 to vector<4x1xf32>
    %logistic3A_848 = arith.addf %logistic3A_847, %logistic3A_845 : vector<4x1xf32>
    %logistic3A_849 = arith.divf %logistic3A_847, %logistic3A_848 : vector<4x1xf32>
    %mul3A_850 = vector.broadcast %logistic3A_849 : vector<4x1xf32> to vector<4x768xf32>
    %mul3A_851 = arith.mulf %dot_general3A_841, %mul3A_850 : vector<4x768xf32>
    %dot_general3A_852 = arith.constant dense<0.000000e+00> : vector<4x4xf32>
    %dot_general3A_853 = tpu.matmul %dot_general3A_831, %dot_general3A_836, %dot_general3A_852 {dimension_numbers = #tpu.dot_dimension_numbers<[1], [1], [0], [0], [0, 0, 1, 0], [], []>, transpose_lhs_hint = false} : vector<4x768xf32>, vector<4x768xf32>, vector<4x4xf32> -> vector<4x4xf32>
    %mul3A_854 = arith.constant 0.0360843912 : f32
    %mul3A_855 = vector.broadcast %mul3A_854 : f32 to vector<4x4xf32>
    %mul3A_856 = arith.mulf %dot_general3A_853, %mul3A_855 : vector<4x4xf32>
    %exp3A = math.exp %mul3A_856 : vector<4x4xf32>
    %reduce_sum3A_857 = arith.constant dense<0.000000e+00> : vector<4xf32>
    %reduce_sum3A_858 = vector.multi_reduction <add>, %exp3A, %reduce_sum3A_857 [1] : vector<4x4xf32> to vector<4xf32>
    %broadcast_in_dim3A_859 = vector.shape_cast %reduce_sum3A_858 : vector<4xf32> to vector<4x1xf32>
    %div3A_860 = vector.broadcast %broadcast_in_dim3A_859 : vector<4x1xf32> to vector<4x4xf32>
    %div3A_861 = arith.divf %exp3A, %div3A_860 : vector<4x4xf32>
    %dot_general3A_862 = arith.constant dense<0.000000e+00> : vector<4x768xf32>
    %dot_general3A_863 = tpu.matmul %div3A_861, %mul3A_851, %dot_general3A_862 {dimension_numbers = #tpu.dot_dimension_numbers<[1], [0], [0], [1], [0, 0, 1, 1], [], []>, transpose_lhs_hint = false} : vector<4x4xf32>, vector<4x768xf32>, vector<4x768xf32> -> vector<4x768xf32>
    %get3A_864 = arith.constant 0 : index
    %get3A_865 = arith.constant 0 : index
    %get3A_866 = vector.load %arg17[%get3A_864, %get3A_865] : memref<768x768xf32, #tpu.memory_space<vmem>>, vector<768x768xf32>
    %dot_general3A_867 = arith.constant dense<0.000000e+00> : vector<4x768xf32>
    %dot_general3A_868 = tpu.matmul %dot_general3A_863, %get3A_866, %dot_general3A_867 {dimension_numbers = #tpu.dot_dimension_numbers<[1], [0], [0], [1], [0, 0, 1, 1], [], []>, transpose_lhs_hint = false} : vector<4x768xf32>, vector<768x768xf32>, vector<4x768xf32> -> vector<4x768xf32>
    %get3A_869 = arith.constant 0 : index
    %get3A_870 = arith.constant 0 : index
    %get3A_871 = vector.load %arg11[%get3A_869, %get3A_870] : memref<4x1xf32, #tpu.memory_space<vmem>>, vector<4x1xf32>
    %logistic3A_872 = arith.negf %get3A_871 : vector<4x1xf32>
    %logistic3A_873 = math.exp %logistic3A_872 : vector<4x1xf32>
    %logistic3A_874 = arith.constant 1.000000e+00 : f32
    %logistic3A_875 = vector.broadcast %logistic3A_874 : f32 to vector<4x1xf32>
    %logistic3A_876 = arith.addf %logistic3A_875, %logistic3A_873 : vector<4x1xf32>
    %logistic3A_877 = arith.divf %logistic3A_875, %logistic3A_876 : vector<4x1xf32>
    %mul3A_878 = vector.broadcast %logistic3A_877 : vector<4x1xf32> to vector<4x768xf32>
    %mul3A_879 = arith.mulf %dot_general3A_868, %mul3A_878 : vector<4x768xf32>
    %swap3A = arith.constant 0 : index
    %swap3A_880 = arith.constant 0 : index
    %swap3A_881 = vector.load %arg18[%swap3A, %swap3A_880] : memref<4x768xf32, #tpu.memory_space<vmem>>, vector<4x768xf32>
    tpu.vector_store %arg18[%swap3A, %swap3A_880], %mul3A_879 {strides = array<i32>} : memref<4x768xf32, #tpu.memory_space<vmem>>, vector<4x768xf32>,
    return
  }
  func.func @transform_0(%arg0: i32, %arg1: memref<12xi32, #tpu.memory_space<smem>>) -> (i32, i32) {
    %get3A = arith.constant 0 : index
    %get3A_0 = memref.load %arg1[%get3A] : memref<12xi32, #tpu.memory_space<smem>>
    %jit3A = arith.constant 8 : i32
    %div3A = arith.divsi %get3A_0, %jit3A : i32
    %sign3A = arith.constant 0 : i32
    %sign3A_1 = arith.cmpi sgt, %get3A_0, %sign3A : i32
    %sign3A_2 = arith.extui %sign3A_1 : i1 to i32
    %sign3A_3 = arith.constant 0 : i32
    %sign3A_4 = arith.cmpi slt, %get3A_0, %sign3A_3 : i32
    %sign3A_5 = arith.extui %sign3A_4 : i1 to i32
    %sign3A_6 = arith.subi %sign3A_2, %sign3A_5 : i32
    %sign3A_7 = arith.constant 0 : i32
    %sign3A_8 = arith.cmpi sgt, %jit3A, %sign3A_7 : i32
    %sign3A_9 = arith.extui %sign3A_8 : i1 to i32
    %sign3A_10 = arith.constant 0 : i32
    %sign3A_11 = arith.cmpi slt, %jit3A, %sign3A_10 : i32
    %sign3A_12 = arith.extui %sign3A_11 : i1 to i32
    %sign3A_13 = arith.subi %sign3A_9, %sign3A_12 : i32
    %ne3A = arith.cmpi ne, %sign3A_6, %sign3A_13 : i32
    %rem3A = arith.remsi %get3A_0, %jit3A : i32
    %ne3A_14 = arith.constant 0 : i32
    %ne3A_15 = arith.cmpi ne, %rem3A, %ne3A_14 : i32
    %and3A = arith.andi %ne3A, %ne3A_15 : i1
    %sub3A = arith.constant 1 : i32
    %sub3A_16 = arith.subi %div3A, %sub3A : i32
    %select_n3A = arith.select %and3A, %sub3A_16, %div3A : i32
    %c0_i32 = arith.constant 0 : i32
    %c0_i32_17 = arith.constant 0 : i32
    return %select_n3A, %c0_i32 : i32, i32
  }
  func.func @transform_1(%arg0: i32, %arg1: memref<12xi32, #tpu.memory_space<smem>>) -> (i32, i32) {
    %get3A = arith.constant 1 : index
    %get3A_0 = memref.load %arg1[%get3A] : memref<12xi32, #tpu.memory_space<smem>>
    %jit3A = arith.constant 8 : i32
    %div3A = arith.divsi %get3A_0, %jit3A : i32
    %sign3A = arith.constant 0 : i32
    %sign3A_1 = arith.cmpi sgt, %get3A_0, %sign3A : i32
    %sign3A_2 = arith.extui %sign3A_1 : i1 to i32
    %sign3A_3 = arith.constant 0 : i32
    %sign3A_4 = arith.cmpi slt, %get3A_0, %sign3A_3 : i32
    %sign3A_5 = arith.extui %sign3A_4 : i1 to i32
    %sign3A_6 = arith.subi %sign3A_2, %sign3A_5 : i32
    %sign3A_7 = arith.constant 0 : i32
    %sign3A_8 = arith.cmpi sgt, %jit3A, %sign3A_7 : i32
    %sign3A_9 = arith.extui %sign3A_8 : i1 to i32
    %sign3A_10 = arith.constant 0 : i32
    %sign3A_11 = arith.cmpi slt, %jit3A, %sign3A_10 : i32
    %sign3A_12 = arith.extui %sign3A_11 : i1 to i32
    %sign3A_13 = arith.subi %sign3A_9, %sign3A_12 : i32
    %ne3A = arith.cmpi ne, %sign3A_6, %sign3A_13 : i32
    %rem3A = arith.remsi %get3A_0, %jit3A : i32
    %ne3A_14 = arith.constant 0 : i32
    %ne3A_15 = arith.cmpi ne, %rem3A, %ne3A_14 : i32
    %and3A = arith.andi %ne3A, %ne3A_15 : i1
    %sub3A = arith.constant 1 : i32
    %sub3A_16 = arith.subi %div3A, %sub3A : i32
    %select_n3A = arith.select %and3A, %sub3A_16, %div3A : i32
    %c0_i32 = arith.constant 0 : i32
    %c0_i32_17 = arith.constant 0 : i32
    return %select_n3A, %c0_i32 : i32, i32
  }
  func.func @transform_2(%arg0: i32, %arg1: memref<12xi32, #tpu.memory_space<smem>>) -> (i32, i32) {
    %get3A = arith.constant 2 : index
    %get3A_0 = memref.load %arg1[%get3A] : memref<12xi32, #tpu.memory_space<smem>>
    %jit3A = arith.constant 8 : i32
    %div3A = arith.divsi %get3A_0, %jit3A : i32
    %sign3A = arith.constant 0 : i32
    %sign3A_1 = arith.cmpi sgt, %get3A_0, %sign3A : i32
    %sign3A_2 = arith.extui %sign3A_1 : i1 to i32
    %sign3A_3 = arith.constant 0 : i32
    %sign3A_4 = arith.cmpi slt, %get3A_0, %sign3A_3 : i32
    %sign3A_5 = arith.extui %sign3A_4 : i1 to i32
    %sign3A_6 = arith.subi %sign3A_2, %sign3A_5 : i32
    %sign3A_7 = arith.constant 0 : i32
    %sign3A_8 = arith.cmpi sgt, %jit3A, %sign3A_7 : i32
    %sign3A_9 = arith.extui %sign3A_8 : i1 to i32
    %sign3A_10 = arith.constant 0 : i32
    %sign3A_11 = arith.cmpi slt, %jit3A, %sign3A_10 : i32
    %sign3A_12 = arith.extui %sign3A_11 : i1 to i32
    %sign3A_13 = arith.subi %sign3A_9, %sign3A_12 : i32
    %ne3A = arith.cmpi ne, %sign3A_6, %sign3A_13 : i32
    %rem3A = arith.remsi %get3A_0, %jit3A : i32
    %ne3A_14 = arith.constant 0 : i32
    %ne3A_15 = arith.cmpi ne, %rem3A, %ne3A_14 : i32
    %and3A = arith.andi %ne3A, %ne3A_15 : i1
    %sub3A = arith.constant 1 : i32
    %sub3A_16 = arith.subi %div3A, %sub3A : i32
    %select_n3A = arith.select %and3A, %sub3A_16, %div3A : i32
    %c0_i32 = arith.constant 0 : i32
    %c0_i32_17 = arith.constant 0 : i32
    return %select_n3A, %c0_i32 : i32, i32
  }
  func.func @transform_3(%arg0: i32, %arg1: memref<12xi32, #tpu.memory_space<smem>>) -> (i32, i32) {
    %get3A = arith.constant 3 : index
    %get3A_0 = memref.load %arg1[%get3A] : memref<12xi32, #tpu.memory_space<smem>>
    %jit3A = arith.constant 8 : i32
    %div3A = arith.divsi %get3A_0, %jit3A : i32
    %sign3A = arith.constant 0 : i32
    %sign3A_1 = arith.cmpi sgt, %get3A_0, %sign3A : i32
    %sign3A_2 = arith.extui %sign3A_1 : i1 to i32
    %sign3A_3 = arith.constant 0 : i32
    %sign3A_4 = arith.cmpi slt, %get3A_0, %sign3A_3 : i32
    %sign3A_5 = arith.extui %sign3A_4 : i1 to i32
    %sign3A_6 = arith.subi %sign3A_2, %sign3A_5 : i32
    %sign3A_7 = arith.constant 0 : i32
    %sign3A_8 = arith.cmpi sgt, %jit3A, %sign3A_7 : i32
    %sign3A_9 = arith.extui %sign3A_8 : i1 to i32
    %sign3A_10 = arith.constant 0 : i32
    %sign3A_11 = arith.cmpi slt, %jit3A, %sign3A_10 : i32
    %sign3A_12 = arith.extui %sign3A_11 : i1 to i32
    %sign3A_13 = arith.subi %sign3A_9, %sign3A_12 : i32
    %ne3A = arith.cmpi ne, %sign3A_6, %sign3A_13 : i32
    %rem3A = arith.remsi %get3A_0, %jit3A : i32
    %ne3A_14 = arith.constant 0 : i32
    %ne3A_15 = arith.cmpi ne, %rem3A, %ne3A_14 : i32
    %and3A = arith.andi %ne3A, %ne3A_15 : i1
    %sub3A = arith.constant 1 : i32
    %sub3A_16 = arith.subi %div3A, %sub3A : i32
    %select_n3A = arith.select %and3A, %sub3A_16, %div3A : i32
    %c0_i32 = arith.constant 0 : i32
    %c0_i32_17 = arith.constant 0 : i32
    return %select_n3A, %c0_i32 : i32, i32
  }
  func.func @transform_4(%arg0: i32, %arg1: memref<12xi32, #tpu.memory_space<smem>>) -> (i32, i32) {
    %get3A = arith.constant 4 : index
    %get3A_0 = memref.load %arg1[%get3A] : memref<12xi32, #tpu.memory_space<smem>>
    %jit3A = arith.constant 8 : i32
    %div3A = arith.divsi %get3A_0, %jit3A : i32
    %sign3A = arith.constant 0 : i32
    %sign3A_1 = arith.cmpi sgt, %get3A_0, %sign3A : i32
    %sign3A_2 = arith.extui %sign3A_1 : i1 to i32
    %sign3A_3 = arith.constant 0 : i32
    %sign3A_4 = arith.cmpi slt, %get3A_0, %sign3A_3 : i32
    %sign3A_5 = arith.extui %sign3A_4 : i1 to i32
    %sign3A_6 = arith.subi %sign3A_2, %sign3A_5 : i32
    %sign3A_7 = arith.constant 0 : i32
    %sign3A_8 = arith.cmpi sgt, %jit3A, %sign3A_7 : i32
    %sign3A_9 = arith.extui %sign3A_8 : i1 to i32
    %sign3A_10 = arith.constant 0 : i32
    %sign3A_11 = arith.cmpi slt, %jit3A, %sign3A_10 : i32
    %sign3A_12 = arith.extui %sign3A_11 : i1 to i32
    %sign3A_13 = arith.subi %sign3A_9, %sign3A_12 : i32
    %ne3A = arith.cmpi ne, %sign3A_6, %sign3A_13 : i32
    %rem3A = arith.remsi %get3A_0, %jit3A : i32
    %ne3A_14 = arith.constant 0 : i32
    %ne3A_15 = arith.cmpi ne, %rem3A, %ne3A_14 : i32
    %and3A = arith.andi %ne3A, %ne3A_15 : i1
    %sub3A = arith.constant 1 : i32
    %sub3A_16 = arith.subi %div3A, %sub3A : i32
    %select_n3A = arith.select %and3A, %sub3A_16, %div3A : i32
    %c0_i32 = arith.constant 0 : i32
    %c0_i32_17 = arith.constant 0 : i32
    return %select_n3A, %c0_i32 : i32, i32
  }
  func.func @transform_5(%arg0: i32, %arg1: memref<12xi32, #tpu.memory_space<smem>>) -> (i32, i32) {
    %get3A = arith.constant 5 : index
    %get3A_0 = memref.load %arg1[%get3A] : memref<12xi32, #tpu.memory_space<smem>>
    %jit3A = arith.constant 8 : i32
    %div3A = arith.divsi %get3A_0, %jit3A : i32
    %sign3A = arith.constant 0 : i32
    %sign3A_1 = arith.cmpi sgt, %get3A_0, %sign3A : i32
    %sign3A_2 = arith.extui %sign3A_1 : i1 to i32
    %sign3A_3 = arith.constant 0 : i32
    %sign3A_4 = arith.cmpi slt, %get3A_0, %sign3A_3 : i32
    %sign3A_5 = arith.extui %sign3A_4 : i1 to i32
    %sign3A_6 = arith.subi %sign3A_2, %sign3A_5 : i32
    %sign3A_7 = arith.constant 0 : i32
    %sign3A_8 = arith.cmpi sgt, %jit3A, %sign3A_7 : i32
    %sign3A_9 = arith.extui %sign3A_8 : i1 to i32
    %sign3A_10 = arith.constant 0 : i32
    %sign3A_11 = arith.cmpi slt, %jit3A, %sign3A_10 : i32
    %sign3A_12 = arith.extui %sign3A_11 : i1 to i32
    %sign3A_13 = arith.subi %sign3A_9, %sign3A_12 : i32
    %ne3A = arith.cmpi ne, %sign3A_6, %sign3A_13 : i32
    %rem3A = arith.remsi %get3A_0, %jit3A : i32
    %ne3A_14 = arith.constant 0 : i32
    %ne3A_15 = arith.cmpi ne, %rem3A, %ne3A_14 : i32
    %and3A = arith.andi %ne3A, %ne3A_15 : i1
    %sub3A = arith.constant 1 : i32
    %sub3A_16 = arith.subi %div3A, %sub3A : i32
    %select_n3A = arith.select %and3A, %sub3A_16, %div3A : i32
    %c0_i32 = arith.constant 0 : i32
    %c0_i32_17 = arith.constant 0 : i32
    return %select_n3A, %c0_i32 : i32, i32
  }
  func.func @transform_6(%arg0: i32, %arg1: memref<12xi32, #tpu.memory_space<smem>>) -> (i32, i32) {
    %get3A = arith.constant 6 : index
    %get3A_0 = memref.load %arg1[%get3A] : memref<12xi32, #tpu.memory_space<smem>>
    %jit3A = arith.constant 8 : i32
    %div3A = arith.divsi %get3A_0, %jit3A : i32
    %sign3A = arith.constant 0 : i32
    %sign3A_1 = arith.cmpi sgt, %get3A_0, %sign3A : i32
    %sign3A_2 = arith.extui %sign3A_1 : i1 to i32
    %sign3A_3 = arith.constant 0 : i32
    %sign3A_4 = arith.cmpi slt, %get3A_0, %sign3A_3 : i32
    %sign3A_5 = arith.extui %sign3A_4 : i1 to i32
    %sign3A_6 = arith.subi %sign3A_2, %sign3A_5 : i32
    %sign3A_7 = arith.constant 0 : i32
    %sign3A_8 = arith.cmpi sgt, %jit3A, %sign3A_7 : i32
    %sign3A_9 = arith.extui %sign3A_8 : i1 to i32
    %sign3A_10 = arith.constant 0 : i32
    %sign3A_11 = arith.cmpi slt, %jit3A, %sign3A_10 : i32
    %sign3A_12 = arith.extui %sign3A_11 : i1 to i32
    %sign3A_13 = arith.subi %sign3A_9, %sign3A_12 : i32
    %ne3A = arith.cmpi ne, %sign3A_6, %sign3A_13 : i32
    %rem3A = arith.remsi %get3A_0, %jit3A : i32
    %ne3A_14 = arith.constant 0 : i32
    %ne3A_15 = arith.cmpi ne, %rem3A, %ne3A_14 : i32
    %and3A = arith.andi %ne3A, %ne3A_15 : i1
    %sub3A = arith.constant 1 : i32
    %sub3A_16 = arith.subi %div3A, %sub3A : i32
    %select_n3A = arith.select %and3A, %sub3A_16, %div3A : i32
    %c0_i32 = arith.constant 0 : i32
    %c0_i32_17 = arith.constant 0 : i32
    return %select_n3A, %c0_i32 : i32, i32
  }
  func.func @transform_7(%arg0: i32, %arg1: memref<12xi32, #tpu.memory_space<smem>>) -> (i32, i32) {
    %get3A = arith.constant 7 : index
    %get3A_0 = memref.load %arg1[%get3A] : memref<12xi32, #tpu.memory_space<smem>>
    %jit3A = arith.constant 8 : i32
    %div3A = arith.divsi %get3A_0, %jit3A : i32
    %sign3A = arith.constant 0 : i32
    %sign3A_1 = arith.cmpi sgt, %get3A_0, %sign3A : i32
    %sign3A_2 = arith.extui %sign3A_1 : i1 to i32
    %sign3A_3 = arith.constant 0 : i32
    %sign3A_4 = arith.cmpi slt, %get3A_0, %sign3A_3 : i32
    %sign3A_5 = arith.extui %sign3A_4 : i1 to i32
    %sign3A_6 = arith.subi %sign3A_2, %sign3A_5 : i32
    %sign3A_7 = arith.constant 0 : i32
    %sign3A_8 = arith.cmpi sgt, %jit3A, %sign3A_7 : i32
    %sign3A_9 = arith.extui %sign3A_8 : i1 to i32
    %sign3A_10 = arith.constant 0 : i32
    %sign3A_11 = arith.cmpi slt, %jit3A, %sign3A_10 : i32
    %sign3A_12 = arith.extui %sign3A_11 : i1 to i32
    %sign3A_13 = arith.subi %sign3A_9, %sign3A_12 : i32
    %ne3A = arith.cmpi ne, %sign3A_6, %sign3A_13 : i32
    %rem3A = arith.remsi %get3A_0, %jit3A : i32
    %ne3A_14 = arith.constant 0 : i32
    %ne3A_15 = arith.cmpi ne, %rem3A, %ne3A_14 : i32
    %and3A = arith.andi %ne3A, %ne3A_15 : i1
    %sub3A = arith.constant 1 : i32
    %sub3A_16 = arith.subi %div3A, %sub3A : i32
    %select_n3A = arith.select %and3A, %sub3A_16, %div3A : i32
    %c0_i32 = arith.constant 0 : i32
    %c0_i32_17 = arith.constant 0 : i32
    return %select_n3A, %c0_i32 : i32, i32
  }
  func.func @transform_8(%arg0: i32, %arg1: memref<12xi32, #tpu.memory_space<smem>>) -> (i32, i32) {
    %c0_i32 = arith.constant 0 : i32
    %c0_i32_0 = arith.constant 0 : i32
    %c0_i32_1 = arith.constant 0 : i32
    return %c0_i32, %c0_i32_0 : i32, i32
  }
  func.func @transform_9(%arg0: i32, %arg1: memref<12xi32, #tpu.memory_space<smem>>) -> (i32, i32) {
    %c0_i32 = arith.constant 0 : i32
    %c0_i32_0 = arith.constant 0 : i32
    %c0_i32_1 = arith.constant 0 : i32
    return %c0_i32, %c0_i32_0 : i32, i32
  }
  func.func @transform_10(%arg0: i32, %arg1: memref<12xi32, #tpu.memory_space<smem>>) -> (i32, i32) {
    %c0_i32 = arith.constant 0 : i32
    %c0_i32_0 = arith.constant 0 : i32
    %c0_i32_1 = arith.constant 0 : i32
    return %c0_i32, %c0_i32_0 : i32, i32
  }
  func.func @transform_11(%arg0: i32, %arg1: memref<12xi32, #tpu.memory_space<smem>>) -> (i32, i32) {
    %c0_i32 = arith.constant 0 : i32
    %c0_i32_0 = arith.constant 0 : i32
    %c0_i32_1 = arith.constant 0 : i32
    return %c0_i32, %c0_i32_0 : i32, i32
  }
  func.func @transform_12(%arg0: i32, %arg1: memref<12xi32, #tpu.memory_space<smem>>) -> (i32, i32) {
    %c0_i32 = arith.constant 0 : i32
    %c0_i32_0 = arith.constant 0 : i32
    %c0_i32_1 = arith.constant 0 : i32
    return %c0_i32, %c0_i32_0 : i32, i32
  }
  func.func @transform_13(%arg0: i32, %arg1: memref<12xi32, #tpu.memory_space<smem>>) -> (i32, i32) {
    %c0_i32 = arith.constant 0 : i32
    %c0_i32_0 = arith.constant 0 : i32
    %c0_i32_1 = arith.constant 0 : i32
    return %c0_i32, %c0_i32_0 : i32, i32
  }
  func.func @transform_14(%arg0: i32, %arg1: memref<12xi32, #tpu.memory_space<smem>>) -> (i32, i32) {
    %c0_i32 = arith.constant 0 : i32
    %c0_i32_0 = arith.constant 0 : i32
    %c0_i32_1 = arith.constant 0 : i32
    return %c0_i32, %c0_i32_0 : i32, i32
  }
  func.func @transform_15(%arg0: i32, %arg1: memref<12xi32, #tpu.memory_space<smem>>) -> (i32, i32) {
    %c0_i32 = arith.constant 0 : i32
    %c0_i32_0 = arith.constant 0 : i32
    %c0_i32_1 = arith.constant 0 : i32
    return %c0_i32, %c0_i32_0 : i32, i32
  }
  func.func @transform_16(%arg0: i32, %arg1: memref<12xi32, #tpu.memory_space<smem>>) -> (i32, i32) {
    %c0_i32 = arith.constant 0 : i32
    %c0_i32_0 = arith.constant 0 : i32
    %c0_i32_1 = arith.constant 0 : i32
    return %c0_i32, %c0_i32_0 : i32, i32
  }
}

module attributes {stable_mosaic.version = 14 : i64} {
  func.func @body(%arg0: i32, %arg1: memref<1024x768xf32, #tpu.memory_space<vmem>>, %arg2: memref<4x768xf32, #tpu.memory_space<vmem>>, %arg3: memref<4xi32, #tpu.memory_space<smem>>, %arg4: memref<768x1xf32, #tpu.memory_space<vmem>>, %arg5: memref<768x384xf32, #tpu.memory_space<vmem>>, %arg6: memref<384x768xf32, #tpu.memory_space<vmem>>, %arg7: memref<1x768xf32, #tpu.memory_space<vmem>>, %arg8: memref<1024x768xf32, #tpu.memory_space<vmem>>, %arg9: memref<4xi32, #tpu.memory_space<smem>>, %arg10: memref<4x1xf32, #tpu.memory_space<vmem>>, %arg11: memref<768x384xbf16, #tpu.memory_space<vmem>>, %arg12: memref<384x768xbf16, #tpu.memory_space<vmem>>, %arg13: memref<8x1024xf32, #tpu.memory_space<vmem>>) attributes {dimension_semantics = [#tpu.dimension_semantics<arbitrary>], iteration_bounds = array<i64: 8>, scalar_prefetch = 0 : i64, scratch_operands = 3 : i64, tpu.core_type = #tpu.core_type<tc>, window_params = [{transform_indices = @transform_0, window_bounds = array<i64: 1024, 768>}, {pipeline_mode = #tpu.pipeline_mode<synchronous>, transform_indices = @transform_1, window_bounds = array<i64: 4, 768>}, {transform_indices = @transform_2, window_bounds = array<i64: 4>}, {pipeline_mode = #tpu.pipeline_mode<synchronous>, transform_indices = @transform_3, window_bounds = array<i64: 768, 1>}, {pipeline_mode = #tpu.pipeline_mode<synchronous>, transform_indices = @transform_4, window_bounds = array<i64: 768, 384>}, {pipeline_mode = #tpu.pipeline_mode<synchronous>, transform_indices = @transform_5, window_bounds = array<i64: 384, 768>}, {pipeline_mode = #tpu.pipeline_mode<synchronous>, transform_indices = @transform_6, window_bounds = array<i64: 1, 768>}, {transform_indices = @transform_7, window_bounds = array<i64: 1024, 768>}, {transform_indices = @transform_8, window_bounds = array<i64: 4>}, {pipeline_mode = #tpu.pipeline_mode<synchronous>, transform_indices = @transform_9, window_bounds = array<i64: 4, 1>}]} {
    %eq3A = arith.constant 0 : i32
    %eq3A_0 = arith.cmpi eq, %arg0, %eq3A : i32
    %convert_element_type3A = arith.extui %eq3A_0 : i1 to i32
    %cond3A = arith.constant 0 : i32
    %cond3A_1 = arith.cmpi ne, %convert_element_type3A, %cond3A : i32
    scf.if %cond3A_1 {
      %get3A_88 = arith.constant 0 : index
      %get3A_89 = arith.constant 0 : index
      %get3A_90 = vector.load %arg5[%get3A_88, %get3A_89] : memref<768x384xf32, #tpu.memory_space<vmem>>, vector<768x384xf32>
      %get3A_91 = arith.constant 0 : index
      %get3A_92 = arith.constant 0 : index
      %get3A_93 = vector.load %arg4[%get3A_91, %get3A_92] : memref<768x1xf32, #tpu.memory_space<vmem>>, vector<768x1xf32>
      %mul3A_94 = vector.broadcast %get3A_93 : vector<768x1xf32> to vector<768x384xf32>
      %mul3A_95 = arith.mulf %get3A_90, %mul3A_94 : vector<768x384xf32>
      %convert_element_type3A_96 = arith.truncf %mul3A_95 : vector<768x384xf32> to vector<768x384xbf16>
      %swap3A_97 = arith.constant 0 : index
      %swap3A_98 = arith.constant 0 : index
      %swap3A_99 = vector.load %arg11[%swap3A_97, %swap3A_98] : memref<768x384xbf16, #tpu.memory_space<vmem>>, vector<768x384xbf16>
      tpu.vector_store %arg11[%swap3A_97, %swap3A_98], %convert_element_type3A_96 {strides = array<i32>} : memref<768x384xbf16, #tpu.memory_space<vmem>>, vector<768x384xbf16>,
      %get3A_100 = arith.constant 0 : index
      %get3A_101 = arith.constant 0 : index
      %get3A_102 = vector.load %arg6[%get3A_100, %get3A_101] : memref<384x768xf32, #tpu.memory_space<vmem>>, vector<384x768xf32>
      %convert_element_type3A_103 = arith.truncf %get3A_102 : vector<384x768xf32> to vector<384x768xbf16>
      %swap3A_104 = arith.constant 0 : index
      %swap3A_105 = arith.constant 0 : index
      %swap3A_106 = vector.load %arg12[%swap3A_104, %swap3A_105] : memref<384x768xbf16, #tpu.memory_space<vmem>>, vector<384x768xbf16>
      tpu.vector_store %arg12[%swap3A_104, %swap3A_105], %convert_element_type3A_103 {strides = array<i32>} : memref<384x768xbf16, #tpu.memory_space<vmem>>, vector<384x768xbf16>,
    } else {
    }
    %get3A = arith.constant 0 : index
    %get3A_2 = arith.constant 0 : index
    %get3A_3 = vector.load %arg1[%get3A, %get3A_2] : memref<1024x768xf32, #tpu.memory_space<vmem>>, vector<1024x768xf32>
    %iota3A = tpu.iota {dimensions = array<i32: 0>} : vector<1024x1xi32>
    %mul3A = arith.constant 1024 : i32
    %mul3A_4 = arith.muli %arg0, %mul3A : i32
    %add3A = vector.broadcast %mul3A_4 : i32 to vector<1024x1xi32>
    %add3A_5 = arith.addi %iota3A, %add3A : vector<1024x1xi32>
    %get3A_6 = arith.constant 0 : index
    %get3A_7 = memref.load %arg3[%get3A_6] : memref<4xi32, #tpu.memory_space<smem>>
    %eq3A_8 = vector.broadcast %get3A_7 : i32 to vector<1024x1xi32>
    %eq3A_9 = arith.cmpi eq, %add3A_5, %eq3A_8 : vector<1024x1xi32>
    %convert_element_type3A_10 = arith.extui %eq3A_9 : vector<1024x1xi1> to vector<1024x1xi32>
    %convert_element_type3A_11 = arith.sitofp %convert_element_type3A_10 : vector<1024x1xi32> to vector<1024x1xf32>
    %convert_element_type3A_12 = arith.truncf %convert_element_type3A_11 : vector<1024x1xf32> to vector<1024x1xbf16>
    %get3A_13 = arith.constant 1 : index
    %get3A_14 = memref.load %arg3[%get3A_13] : memref<4xi32, #tpu.memory_space<smem>>
    %eq3A_15 = vector.broadcast %get3A_14 : i32 to vector<1024x1xi32>
    %eq3A_16 = arith.cmpi eq, %add3A_5, %eq3A_15 : vector<1024x1xi32>
    %convert_element_type3A_17 = arith.extui %eq3A_16 : vector<1024x1xi1> to vector<1024x1xi32>
    %convert_element_type3A_18 = arith.sitofp %convert_element_type3A_17 : vector<1024x1xi32> to vector<1024x1xf32>
    %convert_element_type3A_19 = arith.truncf %convert_element_type3A_18 : vector<1024x1xf32> to vector<1024x1xbf16>
    %get3A_20 = arith.constant 2 : index
    %get3A_21 = memref.load %arg3[%get3A_20] : memref<4xi32, #tpu.memory_space<smem>>
    %eq3A_22 = vector.broadcast %get3A_21 : i32 to vector<1024x1xi32>
    %eq3A_23 = arith.cmpi eq, %add3A_5, %eq3A_22 : vector<1024x1xi32>
    %convert_element_type3A_24 = arith.extui %eq3A_23 : vector<1024x1xi1> to vector<1024x1xi32>
    %convert_element_type3A_25 = arith.sitofp %convert_element_type3A_24 : vector<1024x1xi32> to vector<1024x1xf32>
    %convert_element_type3A_26 = arith.truncf %convert_element_type3A_25 : vector<1024x1xf32> to vector<1024x1xbf16>
    %get3A_27 = arith.constant 3 : index
    %get3A_28 = memref.load %arg3[%get3A_27] : memref<4xi32, #tpu.memory_space<smem>>
    %eq3A_29 = vector.broadcast %get3A_28 : i32 to vector<1024x1xi32>
    %eq3A_30 = arith.cmpi eq, %add3A_5, %eq3A_29 : vector<1024x1xi32>
    %convert_element_type3A_31 = arith.extui %eq3A_30 : vector<1024x1xi1> to vector<1024x1xi32>
    %convert_element_type3A_32 = arith.sitofp %convert_element_type3A_31 : vector<1024x1xi32> to vector<1024x1xf32>
    %convert_element_type3A_33 = arith.truncf %convert_element_type3A_32 : vector<1024x1xf32> to vector<1024x1xbf16>
    %concatenate3A = tpu.concatenate %convert_element_type3A_12, %convert_element_type3A_19, %convert_element_type3A_26, %convert_element_type3A_33 in 1 : vector<1024x1xbf16>, vector<1024x1xbf16>, vector<1024x1xbf16>, vector<1024x1xbf16> -> vector<1024x4xbf16>
    %get3A_34 = arith.constant 0 : index
    %get3A_35 = arith.constant 0 : index
    %get3A_36 = vector.load %arg2[%get3A_34, %get3A_35] : memref<4x768xf32, #tpu.memory_space<vmem>>, vector<4x768xf32>
    %convert_element_type3A_37 = arith.truncf %get3A_36 : vector<4x768xf32> to vector<4x768xbf16>
    %dot_general3A = arith.constant dense<0.000000e+00> : vector<1024x768xf32>
    %dot_general3A_38 = tpu.matmul %concatenate3A, %convert_element_type3A_37, %dot_general3A {dimension_numbers = #tpu.dot_dimension_numbers<[1], [0], [0], [1], [0, 0, 1, 1], [], []>, transpose_lhs_hint = false} : vector<1024x4xbf16>, vector<4x768xbf16>, vector<1024x768xf32> -> vector<1024x768xf32>
    %add3A_39 = arith.addf %get3A_3, %dot_general3A_38 : vector<1024x768xf32>
    %reduce_sum3A = arith.constant dense<0.000000e+00> : vector<1024xf32>
    %reduce_sum3A_40 = vector.multi_reduction <add>, %add3A_39, %reduce_sum3A [1] : vector<1024x768xf32> to vector<1024xf32>
    %broadcast_in_dim3A = vector.shape_cast %reduce_sum3A_40 : vector<1024xf32> to vector<1024x1xf32>
    %div3A = arith.constant 7.680000e+02 : f32
    %div3A_41 = vector.broadcast %div3A : f32 to vector<1024x1xf32>
    %div3A_42 = arith.divf %broadcast_in_dim3A, %div3A_41 : vector<1024x1xf32>
    %mul3A_43 = arith.mulf %add3A_39, %add3A_39 : vector<1024x768xf32>
    %reduce_sum3A_44 = arith.constant dense<0.000000e+00> : vector<1024xf32>
    %reduce_sum3A_45 = vector.multi_reduction <add>, %mul3A_43, %reduce_sum3A_44 [1] : vector<1024x768xf32> to vector<1024xf32>
    %broadcast_in_dim3A_46 = vector.shape_cast %reduce_sum3A_45 : vector<1024xf32> to vector<1024x1xf32>
    %div3A_47 = arith.constant 7.680000e+02 : f32
    %div3A_48 = vector.broadcast %div3A_47 : f32 to vector<1024x1xf32>
    %div3A_49 = arith.divf %broadcast_in_dim3A_46, %div3A_48 : vector<1024x1xf32>
    %mul3A_50 = arith.mulf %div3A_42, %div3A_42 : vector<1024x1xf32>
    %sub3A = arith.subf %div3A_49, %mul3A_50 : vector<1024x1xf32>
    %sub3A_51 = vector.broadcast %div3A_42 : vector<1024x1xf32> to vector<1024x768xf32>
    %sub3A_52 = arith.subf %add3A_39, %sub3A_51 : vector<1024x768xf32>
    %add3A_53 = arith.constant 9.99999997E-7 : f32
    %add3A_54 = vector.broadcast %add3A_53 : f32 to vector<1024x1xf32>
    %add3A_55 = arith.addf %sub3A, %add3A_54 : vector<1024x1xf32>
    %rsqrt3A = math.rsqrt %add3A_55 : vector<1024x1xf32>
    %mul3A_56 = vector.broadcast %rsqrt3A : vector<1024x1xf32> to vector<1024x768xf32>
    %mul3A_57 = arith.mulf %sub3A_52, %mul3A_56 : vector<1024x768xf32>
    %convert_element_type3A_58 = arith.truncf %mul3A_57 : vector<1024x768xf32> to vector<1024x768xbf16>
    %get3A_59 = arith.constant 0 : index
    %get3A_60 = arith.constant 0 : index
    %get3A_61 = vector.load %arg7[%get3A_59, %get3A_60] : memref<1x768xf32, #tpu.memory_space<vmem>>, vector<1x768xf32>
    %dot_general3A_62 = arith.constant dense<0.000000e+00> : vector<1x1024xf32>
    %dot_general3A_63 = tpu.matmul %get3A_61, %mul3A_57, %dot_general3A_62 {dimension_numbers = #tpu.dot_dimension_numbers<[1], [1], [0], [0], [0, 0, 1, 0], [], []>, transpose_lhs_hint = false} : vector<1x768xf32>, vector<1024x768xf32>, vector<1x1024xf32> -> vector<1x1024xf32>
    %swap3A = arith.index_cast %arg0 : i32 to index
    %swap3A_64 = arith.constant 0 : index
    %swap3A_65 = vector.load %arg13[%swap3A, %swap3A_64] : memref<8x1024xf32, #tpu.memory_space<vmem>>, vector<1x1024xf32>
    tpu.vector_store %arg13[%swap3A, %swap3A_64], %dot_general3A_63 {strides = array<i32>} : memref<8x1024xf32, #tpu.memory_space<vmem>>, vector<1x1024xf32>,
    %get3A_66 = arith.constant 0 : index
    %get3A_67 = arith.constant 0 : index
    %get3A_68 = vector.load %arg11[%get3A_66, %get3A_67] : memref<768x384xbf16, #tpu.memory_space<vmem>>, vector<768x384xbf16>
    %dot_general3A_69 = arith.constant dense<0.000000e+00> : vector<1024x384xf32>
    %dot_general3A_70 = tpu.matmul %convert_element_type3A_58, %get3A_68, %dot_general3A_69 {dimension_numbers = #tpu.dot_dimension_numbers<[1], [0], [0], [1], [0, 0, 1, 1], [], []>, transpose_lhs_hint = false} : vector<1024x768xbf16>, vector<768x384xbf16>, vector<1024x384xf32> -> vector<1024x384xf32>
    %max3A = arith.constant 0.000000e+00 : f32
    %max3A_71 = vector.broadcast %max3A : f32 to vector<1024x384xf32>
    %max3A_72 = arith.maximumf %dot_general3A_70, %max3A_71 : vector<1024x384xf32>
    %convert_element_type3A_73 = arith.truncf %max3A_72 : vector<1024x384xf32> to vector<1024x384xbf16>
    %get3A_74 = arith.constant 0 : index
    %get3A_75 = arith.constant 0 : index
    %get3A_76 = vector.load %arg12[%get3A_74, %get3A_75] : memref<384x768xbf16, #tpu.memory_space<vmem>>, vector<384x768xbf16>
    %dot_general3A_77 = arith.constant dense<0.000000e+00> : vector<1024x768xf32>
    %dot_general3A_78 = tpu.matmul %convert_element_type3A_73, %get3A_76, %dot_general3A_77 {dimension_numbers = #tpu.dot_dimension_numbers<[1], [0], [0], [1], [0, 0, 1, 1], [], []>, transpose_lhs_hint = false} : vector<1024x384xbf16>, vector<384x768xbf16>, vector<1024x768xf32> -> vector<1024x768xf32>
    %add3A_79 = arith.addf %add3A_39, %dot_general3A_78 : vector<1024x768xf32>
    %swap3A_80 = arith.constant 0 : index
    %swap3A_81 = arith.constant 0 : index
    %swap3A_82 = vector.load %arg8[%swap3A_80, %swap3A_81] : memref<1024x768xf32, #tpu.memory_space<vmem>>, vector<1024x768xf32>
    tpu.vector_store %arg8[%swap3A_80, %swap3A_81], %add3A_79 {strides = array<i32>} : memref<1024x768xf32, #tpu.memory_space<vmem>>, vector<1024x768xf32>,
    %eq3A_83 = arith.constant 7 : i32
    %eq3A_84 = arith.cmpi eq, %arg0, %eq3A_83 : i32
    %convert_element_type3A_85 = arith.extui %eq3A_84 : i1 to i32
    %cond3A_86 = arith.constant 0 : i32
    %cond3A_87 = arith.cmpi ne, %convert_element_type3A_85, %cond3A_86 : i32
    scf.if %cond3A_87 {
      %iota3A_88 = tpu.iota {dimensions = array<i32: 0>} : vector<8x1024xi32>
      %mul3A_89 = arith.constant 1024 : i32
      %mul3A_90 = vector.broadcast %mul3A_89 : i32 to vector<8x1024xi32>
      %mul3A_91 = arith.muli %iota3A_88, %mul3A_90 : vector<8x1024xi32>
      %iota3A_92 = tpu.iota {dimensions = array<i32: 1>} : vector<8x1024xi32>
      %add3A_93 = arith.addi %mul3A_91, %iota3A_92 : vector<8x1024xi32>
      %get3A_94 = arith.constant 0 : index
      %get3A_95 = arith.constant 0 : index
      %get3A_96 = vector.load %arg13[%get3A_94, %get3A_95] : memref<8x1024xf32, #tpu.memory_space<vmem>>, vector<8x1024xf32>
      %reduce_max3A = vector.shape_cast %get3A_96 : vector<8x1024xf32> to vector<1x8x1024xf32>
      %reduce_max3A_97 = arith.constant dense<0xFF800000> : vector<1xf32>
      %reduce_max3A_98 = vector.multi_reduction <maximumf>, %reduce_max3A, %reduce_max3A_97 [1, 2] : vector<1x8x1024xf32> to vector<1xf32>
      %reduce_max3A_99 = vector.shape_cast %reduce_max3A_98 : vector<1xf32> to vector<1x1x1xf32>
      %reduce_max3A_100 = vector.extract %reduce_max3A_99[0, 0, 0] : f32 from vector<1x1x1xf32>
      %eq3A_101 = vector.broadcast %reduce_max3A_100 : f32 to vector<8x1024xf32>
      %eq3A_102 = arith.cmpf oeq, %get3A_96, %eq3A_101 : vector<8x1024xf32>
      %jit3A = arith.constant 8192 : i32
      %broadcast_in_dim3A_103 = vector.broadcast %jit3A : i32 to vector<8x1024xi32>
      %select_n3A = arith.select %eq3A_102, %add3A_93, %broadcast_in_dim3A_103 : vector<8x1024xi1>, vector<8x1024xi32>
      %reduce_min3A = vector.shape_cast %select_n3A : vector<8x1024xi32> to vector<1x8x1024xi32>
      %reduce_min3A_104 = arith.constant dense<2147483647> : vector<1xi32>
      %reduce_min3A_105 = vector.multi_reduction <minsi>, %reduce_min3A, %reduce_min3A_104 [1, 2] : vector<1x8x1024xi32> to vector<1xi32>
      %reduce_min3A_106 = vector.shape_cast %reduce_min3A_105 : vector<1xi32> to vector<1x1x1xi32>
      %reduce_min3A_107 = vector.extract %reduce_min3A_106[0, 0, 0] : i32 from vector<1x1x1xi32>
      %swap3A_108 = arith.constant 0 : index
      %swap3A_109 = memref.load %arg9[%swap3A_108] : memref<4xi32, #tpu.memory_space<smem>>
      memref.store %reduce_min3A_107, %arg9[%swap3A_108] : memref<4xi32, #tpu.memory_space<smem>>
      %reshape3A = vector.broadcast %reduce_max3A_100 : f32 to vector<1x1xf32>
      %eq3A_110 = vector.broadcast %reduce_min3A_107 : i32 to vector<8x1024xi32>
      %eq3A_111 = arith.cmpi eq, %add3A_93, %eq3A_110 : vector<8x1024xi32>
      %jit3A_112 = arith.constant -1.000000e+30 : f32
      %broadcast_in_dim3A_113 = vector.broadcast %jit3A_112 : f32 to vector<8x1024xf32>
      %select_n3A_114 = arith.select %eq3A_111, %broadcast_in_dim3A_113, %get3A_96 : vector<8x1024xi1>, vector<8x1024xf32>
      %reduce_max3A_115 = vector.shape_cast %select_n3A_114 : vector<8x1024xf32> to vector<1x8x1024xf32>
      %reduce_max3A_116 = arith.constant dense<0xFF800000> : vector<1xf32>
      %reduce_max3A_117 = vector.multi_reduction <maximumf>, %reduce_max3A_115, %reduce_max3A_116 [1, 2] : vector<1x8x1024xf32> to vector<1xf32>
      %reduce_max3A_118 = vector.shape_cast %reduce_max3A_117 : vector<1xf32> to vector<1x1x1xf32>
      %reduce_max3A_119 = vector.extract %reduce_max3A_118[0, 0, 0] : f32 from vector<1x1x1xf32>
      %eq3A_120 = vector.broadcast %reduce_max3A_119 : f32 to vector<8x1024xf32>
      %eq3A_121 = arith.cmpf oeq, %select_n3A_114, %eq3A_120 : vector<8x1024xf32>
      %jit3A_122 = arith.constant 8192 : i32
      %broadcast_in_dim3A_123 = vector.broadcast %jit3A_122 : i32 to vector<8x1024xi32>
      %select_n3A_124 = arith.select %eq3A_121, %add3A_93, %broadcast_in_dim3A_123 : vector<8x1024xi1>, vector<8x1024xi32>
      %reduce_min3A_125 = vector.shape_cast %select_n3A_124 : vector<8x1024xi32> to vector<1x8x1024xi32>
      %reduce_min3A_126 = arith.constant dense<2147483647> : vector<1xi32>
      %reduce_min3A_127 = vector.multi_reduction <minsi>, %reduce_min3A_125, %reduce_min3A_126 [1, 2] : vector<1x8x1024xi32> to vector<1xi32>
      %reduce_min3A_128 = vector.shape_cast %reduce_min3A_127 : vector<1xi32> to vector<1x1x1xi32>
      %reduce_min3A_129 = vector.extract %reduce_min3A_128[0, 0, 0] : i32 from vector<1x1x1xi32>
      %swap3A_130 = arith.constant 1 : index
      %swap3A_131 = memref.load %arg9[%swap3A_130] : memref<4xi32, #tpu.memory_space<smem>>
      memref.store %reduce_min3A_129, %arg9[%swap3A_130] : memref<4xi32, #tpu.memory_space<smem>>
      %reshape3A_132 = vector.broadcast %reduce_max3A_119 : f32 to vector<1x1xf32>
      %eq3A_133 = vector.broadcast %reduce_min3A_129 : i32 to vector<8x1024xi32>
      %eq3A_134 = arith.cmpi eq, %add3A_93, %eq3A_133 : vector<8x1024xi32>
      %jit3A_135 = arith.constant -1.000000e+30 : f32
      %broadcast_in_dim3A_136 = vector.broadcast %jit3A_135 : f32 to vector<8x1024xf32>
      %select_n3A_137 = arith.select %eq3A_134, %broadcast_in_dim3A_136, %select_n3A_114 : vector<8x1024xi1>, vector<8x1024xf32>
      %reduce_max3A_138 = vector.shape_cast %select_n3A_137 : vector<8x1024xf32> to vector<1x8x1024xf32>
      %reduce_max3A_139 = arith.constant dense<0xFF800000> : vector<1xf32>
      %reduce_max3A_140 = vector.multi_reduction <maximumf>, %reduce_max3A_138, %reduce_max3A_139 [1, 2] : vector<1x8x1024xf32> to vector<1xf32>
      %reduce_max3A_141 = vector.shape_cast %reduce_max3A_140 : vector<1xf32> to vector<1x1x1xf32>
      %reduce_max3A_142 = vector.extract %reduce_max3A_141[0, 0, 0] : f32 from vector<1x1x1xf32>
      %eq3A_143 = vector.broadcast %reduce_max3A_142 : f32 to vector<8x1024xf32>
      %eq3A_144 = arith.cmpf oeq, %select_n3A_137, %eq3A_143 : vector<8x1024xf32>
      %jit3A_145 = arith.constant 8192 : i32
      %broadcast_in_dim3A_146 = vector.broadcast %jit3A_145 : i32 to vector<8x1024xi32>
      %select_n3A_147 = arith.select %eq3A_144, %add3A_93, %broadcast_in_dim3A_146 : vector<8x1024xi1>, vector<8x1024xi32>
      %reduce_min3A_148 = vector.shape_cast %select_n3A_147 : vector<8x1024xi32> to vector<1x8x1024xi32>
      %reduce_min3A_149 = arith.constant dense<2147483647> : vector<1xi32>
      %reduce_min3A_150 = vector.multi_reduction <minsi>, %reduce_min3A_148, %reduce_min3A_149 [1, 2] : vector<1x8x1024xi32> to vector<1xi32>
      %reduce_min3A_151 = vector.shape_cast %reduce_min3A_150 : vector<1xi32> to vector<1x1x1xi32>
      %reduce_min3A_152 = vector.extract %reduce_min3A_151[0, 0, 0] : i32 from vector<1x1x1xi32>
      %swap3A_153 = arith.constant 2 : index
      %swap3A_154 = memref.load %arg9[%swap3A_153] : memref<4xi32, #tpu.memory_space<smem>>
      memref.store %reduce_min3A_152, %arg9[%swap3A_153] : memref<4xi32, #tpu.memory_space<smem>>
      %reshape3A_155 = vector.broadcast %reduce_max3A_142 : f32 to vector<1x1xf32>
      %eq3A_156 = vector.broadcast %reduce_min3A_152 : i32 to vector<8x1024xi32>
      %eq3A_157 = arith.cmpi eq, %add3A_93, %eq3A_156 : vector<8x1024xi32>
      %jit3A_158 = arith.constant -1.000000e+30 : f32
      %broadcast_in_dim3A_159 = vector.broadcast %jit3A_158 : f32 to vector<8x1024xf32>
      %select_n3A_160 = arith.select %eq3A_157, %broadcast_in_dim3A_159, %select_n3A_137 : vector<8x1024xi1>, vector<8x1024xf32>
      %reduce_max3A_161 = vector.shape_cast %select_n3A_160 : vector<8x1024xf32> to vector<1x8x1024xf32>
      %reduce_max3A_162 = arith.constant dense<0xFF800000> : vector<1xf32>
      %reduce_max3A_163 = vector.multi_reduction <maximumf>, %reduce_max3A_161, %reduce_max3A_162 [1, 2] : vector<1x8x1024xf32> to vector<1xf32>
      %reduce_max3A_164 = vector.shape_cast %reduce_max3A_163 : vector<1xf32> to vector<1x1x1xf32>
      %reduce_max3A_165 = vector.extract %reduce_max3A_164[0, 0, 0] : f32 from vector<1x1x1xf32>
      %eq3A_166 = vector.broadcast %reduce_max3A_165 : f32 to vector<8x1024xf32>
      %eq3A_167 = arith.cmpf oeq, %select_n3A_160, %eq3A_166 : vector<8x1024xf32>
      %jit3A_168 = arith.constant 8192 : i32
      %broadcast_in_dim3A_169 = vector.broadcast %jit3A_168 : i32 to vector<8x1024xi32>
      %select_n3A_170 = arith.select %eq3A_167, %add3A_93, %broadcast_in_dim3A_169 : vector<8x1024xi1>, vector<8x1024xi32>
      %reduce_min3A_171 = vector.shape_cast %select_n3A_170 : vector<8x1024xi32> to vector<1x8x1024xi32>
      %reduce_min3A_172 = arith.constant dense<2147483647> : vector<1xi32>
      %reduce_min3A_173 = vector.multi_reduction <minsi>, %reduce_min3A_171, %reduce_min3A_172 [1, 2] : vector<1x8x1024xi32> to vector<1xi32>
      %reduce_min3A_174 = vector.shape_cast %reduce_min3A_173 : vector<1xi32> to vector<1x1x1xi32>
      %reduce_min3A_175 = vector.extract %reduce_min3A_174[0, 0, 0] : i32 from vector<1x1x1xi32>
      %swap3A_176 = arith.constant 3 : index
      %swap3A_177 = memref.load %arg9[%swap3A_176] : memref<4xi32, #tpu.memory_space<smem>>
      memref.store %reduce_min3A_175, %arg9[%swap3A_176] : memref<4xi32, #tpu.memory_space<smem>>
      %reshape3A_178 = vector.broadcast %reduce_max3A_165 : f32 to vector<1x1xf32>
      %concatenate3A_179 = tpu.concatenate %reshape3A, %reshape3A_132, %reshape3A_155, %reshape3A_178 in 0 : vector<1x1xf32>, vector<1x1xf32>, vector<1x1xf32>, vector<1x1xf32> -> vector<4x1xf32>
      %swap3A_180 = arith.constant 0 : index
      %swap3A_181 = arith.constant 0 : index
      %swap3A_182 = vector.load %arg10[%swap3A_180, %swap3A_181] : memref<4x1xf32, #tpu.memory_space<vmem>>, vector<4x1xf32>
      tpu.vector_store %arg10[%swap3A_180, %swap3A_181], %concatenate3A_179 {strides = array<i32>} : memref<4x1xf32, #tpu.memory_space<vmem>>, vector<4x1xf32>,
    } else {
    }
    return
  }
  func.func @transform_0(%arg0: i32) -> (i32, i32) {
    %c0_i32 = arith.constant 0 : i32
    %c0_i32_0 = arith.constant 0 : i32
    return %arg0, %c0_i32 : i32, i32
  }
  func.func @transform_1(%arg0: i32) -> (i32, i32) {
    %c0_i32 = arith.constant 0 : i32
    %c0_i32_0 = arith.constant 0 : i32
    %c0_i32_1 = arith.constant 0 : i32
    return %c0_i32, %c0_i32_0 : i32, i32
  }
  func.func @transform_2(%arg0: i32) -> i32 {
    %c0_i32 = arith.constant 0 : i32
    %c0_i32_0 = arith.constant 0 : i32
    return %c0_i32 : i32
  }
  func.func @transform_3(%arg0: i32) -> (i32, i32) {
    %c0_i32 = arith.constant 0 : i32
    %c0_i32_0 = arith.constant 0 : i32
    %c0_i32_1 = arith.constant 0 : i32
    return %c0_i32, %c0_i32_0 : i32, i32
  }
  func.func @transform_4(%arg0: i32) -> (i32, i32) {
    %c0_i32 = arith.constant 0 : i32
    %c0_i32_0 = arith.constant 0 : i32
    %c0_i32_1 = arith.constant 0 : i32
    return %c0_i32, %c0_i32_0 : i32, i32
  }
  func.func @transform_5(%arg0: i32) -> (i32, i32) {
    %c0_i32 = arith.constant 0 : i32
    %c0_i32_0 = arith.constant 0 : i32
    %c0_i32_1 = arith.constant 0 : i32
    return %c0_i32, %c0_i32_0 : i32, i32
  }
  func.func @transform_6(%arg0: i32) -> (i32, i32) {
    %c0_i32 = arith.constant 0 : i32
    %c0_i32_0 = arith.constant 0 : i32
    %c0_i32_1 = arith.constant 0 : i32
    return %c0_i32, %c0_i32_0 : i32, i32
  }
  func.func @transform_7(%arg0: i32) -> (i32, i32) {
    %c0_i32 = arith.constant 0 : i32
    %c0_i32_0 = arith.constant 0 : i32
    return %arg0, %c0_i32 : i32, i32
  }
  func.func @transform_8(%arg0: i32) -> i32 {
    %c0_i32 = arith.constant 0 : i32
    %c0_i32_0 = arith.constant 0 : i32
    return %c0_i32 : i32
  }
  func.func @transform_9(%arg0: i32) -> (i32, i32) {
    %c0_i32 = arith.constant 0 : i32
    %c0_i32_0 = arith.constant 0 : i32
    %c0_i32_1 = arith.constant 0 : i32
    return %c0_i32, %c0_i32_0 : i32, i32
  }
}

module attributes {stable_mosaic.version = 14 : i64} {
  func.func @body(%arg0: i32, %arg1: memref<8xi32, #tpu.memory_space<smem>>, %arg2: memref<8x768xf32, #tpu.memory_space<vmem>>, %arg3: memref<8x768xf32, #tpu.memory_space<vmem>>, %arg4: memref<8x768xf32, #tpu.memory_space<vmem>>, %arg5: memref<8x768xf32, #tpu.memory_space<vmem>>, %arg6: memref<4x768xf32, #tpu.memory_space<vmem>>, %arg7: memref<4x1xf32, #tpu.memory_space<vmem>>, %arg8: memref<1x768xf32, #tpu.memory_space<vmem>>, %arg9: memref<768x3072xf32, #tpu.memory_space<vmem>>, %arg10: memref<3072x768xf32, #tpu.memory_space<vmem>>, %arg11: memref<4x768xf32, #tpu.memory_space<vmem>>) attributes {dimension_semantics = [#tpu.dimension_semantics<arbitrary>], iteration_bounds = array<i64: 1>, scalar_prefetch = 1 : i64, scratch_operands = 0 : i64, tpu.core_type = #tpu.core_type<tc>, window_params = [{transform_indices = @transform_0, window_bounds = array<i64: 8, 768>}, {transform_indices = @transform_1, window_bounds = array<i64: 8, 768>}, {transform_indices = @transform_2, window_bounds = array<i64: 8, 768>}, {transform_indices = @transform_3, window_bounds = array<i64: 8, 768>}, {pipeline_mode = #tpu.pipeline_mode<synchronous>, transform_indices = @transform_4, window_bounds = array<i64: 4, 768>}, {pipeline_mode = #tpu.pipeline_mode<synchronous>, transform_indices = @transform_5, window_bounds = array<i64: 4, 1>}, {pipeline_mode = #tpu.pipeline_mode<synchronous>, transform_indices = @transform_6, window_bounds = array<i64: 1, 768>}, {pipeline_mode = #tpu.pipeline_mode<synchronous>, transform_indices = @transform_7, window_bounds = array<i64: 768, 3072>}, {pipeline_mode = #tpu.pipeline_mode<synchronous>, transform_indices = @transform_8, window_bounds = array<i64: 3072, 768>}, {pipeline_mode = #tpu.pipeline_mode<synchronous>, transform_indices = @transform_9, window_bounds = array<i64: 4, 768>}]} {
    %get3A = arith.constant 0 : index
    %get3A_0 = memref.load %arg1[%get3A] : memref<8xi32, #tpu.memory_space<smem>>
    %jit3A = arith.constant 8 : i32
    %eq3A = arith.constant 0 : i32
    %eq3A_1 = arith.cmpi eq, %jit3A, %eq3A : i32
    %jit3A_2 = arith.constant 1 : i32
    %select_n3A = arith.select %eq3A_1, %jit3A_2, %jit3A : i32
    %rem3A = arith.remsi %get3A_0, %select_n3A : i32
    %ne3A = arith.constant 0 : i32
    %ne3A_3 = arith.cmpi ne, %rem3A, %ne3A : i32
    %lt3A = arith.constant 0 : i32
    %lt3A_4 = arith.cmpi slt, %rem3A, %lt3A : i32
    %lt3A_5 = arith.constant 0 : i32
    %lt3A_6 = arith.cmpi slt, %select_n3A, %lt3A_5 : i32
    %ne3A_7 = arith.xori %lt3A_4, %lt3A_6 : i1
    %and3A = arith.andi %ne3A_7, %ne3A_3 : i1
    %add3A = arith.addi %rem3A, %select_n3A : i32
    %select_n3A_8 = arith.select %and3A, %add3A, %rem3A : i32
    %iota3A = tpu.iota {dimensions = array<i32: 0>} : vector<8x1xi32>
    %eq3A_9 = vector.broadcast %select_n3A_8 : i32 to vector<8x1xi32>
    %eq3A_10 = arith.cmpi eq, %iota3A, %eq3A_9 : vector<8x1xi32>
    %convert_element_type3A = arith.extui %eq3A_10 : vector<8x1xi1> to vector<8x1xi32>
    %convert_element_type3A_11 = arith.sitofp %convert_element_type3A : vector<8x1xi32> to vector<8x1xf32>
    %get3A_12 = arith.constant 0 : index
    %get3A_13 = arith.constant 0 : index
    %get3A_14 = vector.load %arg2[%get3A_12, %get3A_13] : memref<8x768xf32, #tpu.memory_space<vmem>>, vector<8x768xf32>
    %mul3A = vector.broadcast %convert_element_type3A_11 : vector<8x1xf32> to vector<8x768xf32>
    %mul3A_15 = arith.mulf %mul3A, %get3A_14 : vector<8x768xf32>
    %reduce_sum3A = arith.constant dense<0.000000e+00> : vector<768xf32>
    %reduce_sum3A_16 = vector.multi_reduction <add>, %mul3A_15, %reduce_sum3A [0] : vector<8x768xf32> to vector<768xf32>
    %broadcast_in_dim3A = vector.shape_cast %reduce_sum3A_16 : vector<768xf32> to vector<1x768xf32>
    %get3A_17 = arith.constant 1 : index
    %get3A_18 = memref.load %arg1[%get3A_17] : memref<8xi32, #tpu.memory_space<smem>>
    %jit3A_19 = arith.constant 8 : i32
    %eq3A_20 = arith.constant 0 : i32
    %eq3A_21 = arith.cmpi eq, %jit3A_19, %eq3A_20 : i32
    %jit3A_22 = arith.constant 1 : i32
    %select_n3A_23 = arith.select %eq3A_21, %jit3A_22, %jit3A_19 : i32
    %rem3A_24 = arith.remsi %get3A_18, %select_n3A_23 : i32
    %ne3A_25 = arith.constant 0 : i32
    %ne3A_26 = arith.cmpi ne, %rem3A_24, %ne3A_25 : i32
    %lt3A_27 = arith.constant 0 : i32
    %lt3A_28 = arith.cmpi slt, %rem3A_24, %lt3A_27 : i32
    %lt3A_29 = arith.constant 0 : i32
    %lt3A_30 = arith.cmpi slt, %select_n3A_23, %lt3A_29 : i32
    %ne3A_31 = arith.xori %lt3A_28, %lt3A_30 : i1
    %and3A_32 = arith.andi %ne3A_31, %ne3A_26 : i1
    %add3A_33 = arith.addi %rem3A_24, %select_n3A_23 : i32
    %select_n3A_34 = arith.select %and3A_32, %add3A_33, %rem3A_24 : i32
    %iota3A_35 = tpu.iota {dimensions = array<i32: 0>} : vector<8x1xi32>
    %eq3A_36 = vector.broadcast %select_n3A_34 : i32 to vector<8x1xi32>
    %eq3A_37 = arith.cmpi eq, %iota3A_35, %eq3A_36 : vector<8x1xi32>
    %convert_element_type3A_38 = arith.extui %eq3A_37 : vector<8x1xi1> to vector<8x1xi32>
    %convert_element_type3A_39 = arith.sitofp %convert_element_type3A_38 : vector<8x1xi32> to vector<8x1xf32>
    %get3A_40 = arith.constant 0 : index
    %get3A_41 = arith.constant 0 : index
    %get3A_42 = vector.load %arg3[%get3A_40, %get3A_41] : memref<8x768xf32, #tpu.memory_space<vmem>>, vector<8x768xf32>
    %mul3A_43 = vector.broadcast %convert_element_type3A_39 : vector<8x1xf32> to vector<8x768xf32>
    %mul3A_44 = arith.mulf %mul3A_43, %get3A_42 : vector<8x768xf32>
    %reduce_sum3A_45 = arith.constant dense<0.000000e+00> : vector<768xf32>
    %reduce_sum3A_46 = vector.multi_reduction <add>, %mul3A_44, %reduce_sum3A_45 [0] : vector<8x768xf32> to vector<768xf32>
    %broadcast_in_dim3A_47 = vector.shape_cast %reduce_sum3A_46 : vector<768xf32> to vector<1x768xf32>
    %get3A_48 = arith.constant 2 : index
    %get3A_49 = memref.load %arg1[%get3A_48] : memref<8xi32, #tpu.memory_space<smem>>
    %jit3A_50 = arith.constant 8 : i32
    %eq3A_51 = arith.constant 0 : i32
    %eq3A_52 = arith.cmpi eq, %jit3A_50, %eq3A_51 : i32
    %jit3A_53 = arith.constant 1 : i32
    %select_n3A_54 = arith.select %eq3A_52, %jit3A_53, %jit3A_50 : i32
    %rem3A_55 = arith.remsi %get3A_49, %select_n3A_54 : i32
    %ne3A_56 = arith.constant 0 : i32
    %ne3A_57 = arith.cmpi ne, %rem3A_55, %ne3A_56 : i32
    %lt3A_58 = arith.constant 0 : i32
    %lt3A_59 = arith.cmpi slt, %rem3A_55, %lt3A_58 : i32
    %lt3A_60 = arith.constant 0 : i32
    %lt3A_61 = arith.cmpi slt, %select_n3A_54, %lt3A_60 : i32
    %ne3A_62 = arith.xori %lt3A_59, %lt3A_61 : i1
    %and3A_63 = arith.andi %ne3A_62, %ne3A_57 : i1
    %add3A_64 = arith.addi %rem3A_55, %select_n3A_54 : i32
    %select_n3A_65 = arith.select %and3A_63, %add3A_64, %rem3A_55 : i32
    %iota3A_66 = tpu.iota {dimensions = array<i32: 0>} : vector<8x1xi32>
    %eq3A_67 = vector.broadcast %select_n3A_65 : i32 to vector<8x1xi32>
    %eq3A_68 = arith.cmpi eq, %iota3A_66, %eq3A_67 : vector<8x1xi32>
    %convert_element_type3A_69 = arith.extui %eq3A_68 : vector<8x1xi1> to vector<8x1xi32>
    %convert_element_type3A_70 = arith.sitofp %convert_element_type3A_69 : vector<8x1xi32> to vector<8x1xf32>
    %get3A_71 = arith.constant 0 : index
    %get3A_72 = arith.constant 0 : index
    %get3A_73 = vector.load %arg4[%get3A_71, %get3A_72] : memref<8x768xf32, #tpu.memory_space<vmem>>, vector<8x768xf32>
    %mul3A_74 = vector.broadcast %convert_element_type3A_70 : vector<8x1xf32> to vector<8x768xf32>
    %mul3A_75 = arith.mulf %mul3A_74, %get3A_73 : vector<8x768xf32>
    %reduce_sum3A_76 = arith.constant dense<0.000000e+00> : vector<768xf32>
    %reduce_sum3A_77 = vector.multi_reduction <add>, %mul3A_75, %reduce_sum3A_76 [0] : vector<8x768xf32> to vector<768xf32>
    %broadcast_in_dim3A_78 = vector.shape_cast %reduce_sum3A_77 : vector<768xf32> to vector<1x768xf32>
    %get3A_79 = arith.constant 3 : index
    %get3A_80 = memref.load %arg1[%get3A_79] : memref<8xi32, #tpu.memory_space<smem>>
    %jit3A_81 = arith.constant 8 : i32
    %eq3A_82 = arith.constant 0 : i32
    %eq3A_83 = arith.cmpi eq, %jit3A_81, %eq3A_82 : i32
    %jit3A_84 = arith.constant 1 : i32
    %select_n3A_85 = arith.select %eq3A_83, %jit3A_84, %jit3A_81 : i32
    %rem3A_86 = arith.remsi %get3A_80, %select_n3A_85 : i32
    %ne3A_87 = arith.constant 0 : i32
    %ne3A_88 = arith.cmpi ne, %rem3A_86, %ne3A_87 : i32
    %lt3A_89 = arith.constant 0 : i32
    %lt3A_90 = arith.cmpi slt, %rem3A_86, %lt3A_89 : i32
    %lt3A_91 = arith.constant 0 : i32
    %lt3A_92 = arith.cmpi slt, %select_n3A_85, %lt3A_91 : i32
    %ne3A_93 = arith.xori %lt3A_90, %lt3A_92 : i1
    %and3A_94 = arith.andi %ne3A_93, %ne3A_88 : i1
    %add3A_95 = arith.addi %rem3A_86, %select_n3A_85 : i32
    %select_n3A_96 = arith.select %and3A_94, %add3A_95, %rem3A_86 : i32
    %iota3A_97 = tpu.iota {dimensions = array<i32: 0>} : vector<8x1xi32>
    %eq3A_98 = vector.broadcast %select_n3A_96 : i32 to vector<8x1xi32>
    %eq3A_99 = arith.cmpi eq, %iota3A_97, %eq3A_98 : vector<8x1xi32>
    %convert_element_type3A_100 = arith.extui %eq3A_99 : vector<8x1xi1> to vector<8x1xi32>
    %convert_element_type3A_101 = arith.sitofp %convert_element_type3A_100 : vector<8x1xi32> to vector<8x1xf32>
    %get3A_102 = arith.constant 0 : index
    %get3A_103 = arith.constant 0 : index
    %get3A_104 = vector.load %arg5[%get3A_102, %get3A_103] : memref<8x768xf32, #tpu.memory_space<vmem>>, vector<8x768xf32>
    %mul3A_105 = vector.broadcast %convert_element_type3A_101 : vector<8x1xf32> to vector<8x768xf32>
    %mul3A_106 = arith.mulf %mul3A_105, %get3A_104 : vector<8x768xf32>
    %reduce_sum3A_107 = arith.constant dense<0.000000e+00> : vector<768xf32>
    %reduce_sum3A_108 = vector.multi_reduction <add>, %mul3A_106, %reduce_sum3A_107 [0] : vector<8x768xf32> to vector<768xf32>
    %broadcast_in_dim3A_109 = vector.shape_cast %reduce_sum3A_108 : vector<768xf32> to vector<1x768xf32>
    %concatenate3A = tpu.concatenate %broadcast_in_dim3A, %broadcast_in_dim3A_47, %broadcast_in_dim3A_78, %broadcast_in_dim3A_109 in 0 : vector<1x768xf32>, vector<1x768xf32>, vector<1x768xf32>, vector<1x768xf32> -> vector<4x768xf32>
    %iota3A_110 = tpu.iota {dimensions = array<i32: 0>} : vector<4x1xi32>
    %get3A_111 = arith.constant 0 : index
    %get3A_112 = arith.constant 0 : index
    %get3A_113 = vector.load %arg6[%get3A_111, %get3A_112] : memref<4x768xf32, #tpu.memory_space<vmem>>, vector<1x768xf32>
    %eq3A_114 = arith.constant 0 : i32
    %eq3A_115 = vector.broadcast %eq3A_114 : i32 to vector<4x1xi32>
    %eq3A_116 = arith.cmpi eq, %iota3A_110, %eq3A_115 : vector<4x1xi32>
    %convert_element_type3A_117 = arith.extui %eq3A_116 : vector<4x1xi1> to vector<4x1xi32>
    %convert_element_type3A_118 = arith.sitofp %convert_element_type3A_117 : vector<4x1xi32> to vector<4x1xf32>
    %get3A_119 = arith.constant 0 : index
    %get3A_120 = memref.load %arg1[%get3A_119] : memref<8xi32, #tpu.memory_space<smem>>
    %get3A_121 = arith.constant 4 : index
    %get3A_122 = memref.load %arg1[%get3A_121] : memref<8xi32, #tpu.memory_space<smem>>
    %eq3A_123 = arith.cmpi eq, %get3A_120, %get3A_122 : i32
    %jit3A_124 = arith.constant 1.000000e+00 : f32
    %jit3A_125 = arith.constant 0.000000e+00 : f32
    %select_n3A_126 = arith.select %eq3A_123, %jit3A_124, %jit3A_125 : f32
    %mul3A_127 = vector.broadcast %select_n3A_126 : f32 to vector<4x1xf32>
    %mul3A_128 = arith.mulf %mul3A_127, %convert_element_type3A_118 : vector<4x1xf32>
    %mul3A_129 = vector.broadcast %mul3A_128 : vector<4x1xf32> to vector<4x768xf32>
    %mul3A_130 = vector.broadcast %get3A_113 : vector<1x768xf32> to vector<4x768xf32>
    %mul3A_131 = arith.mulf %mul3A_129, %mul3A_130 : vector<4x768xf32>
    %add3A_132 = arith.addf %concatenate3A, %mul3A_131 : vector<4x768xf32>
    %eq3A_133 = arith.constant 1 : i32
    %eq3A_134 = vector.broadcast %eq3A_133 : i32 to vector<4x1xi32>
    %eq3A_135 = arith.cmpi eq, %iota3A_110, %eq3A_134 : vector<4x1xi32>
    %convert_element_type3A_136 = arith.extui %eq3A_135 : vector<4x1xi1> to vector<4x1xi32>
    %convert_element_type3A_137 = arith.sitofp %convert_element_type3A_136 : vector<4x1xi32> to vector<4x1xf32>
    %get3A_138 = arith.constant 1 : index
    %get3A_139 = memref.load %arg1[%get3A_138] : memref<8xi32, #tpu.memory_space<smem>>
    %get3A_140 = arith.constant 4 : index
    %get3A_141 = memref.load %arg1[%get3A_140] : memref<8xi32, #tpu.memory_space<smem>>
    %eq3A_142 = arith.cmpi eq, %get3A_139, %get3A_141 : i32
    %jit3A_143 = arith.constant 1.000000e+00 : f32
    %jit3A_144 = arith.constant 0.000000e+00 : f32
    %select_n3A_145 = arith.select %eq3A_142, %jit3A_143, %jit3A_144 : f32
    %mul3A_146 = vector.broadcast %select_n3A_145 : f32 to vector<4x1xf32>
    %mul3A_147 = arith.mulf %mul3A_146, %convert_element_type3A_137 : vector<4x1xf32>
    %mul3A_148 = vector.broadcast %mul3A_147 : vector<4x1xf32> to vector<4x768xf32>
    %mul3A_149 = vector.broadcast %get3A_113 : vector<1x768xf32> to vector<4x768xf32>
    %mul3A_150 = arith.mulf %mul3A_148, %mul3A_149 : vector<4x768xf32>
    %add3A_151 = arith.addf %add3A_132, %mul3A_150 : vector<4x768xf32>
    %eq3A_152 = arith.constant 2 : i32
    %eq3A_153 = vector.broadcast %eq3A_152 : i32 to vector<4x1xi32>
    %eq3A_154 = arith.cmpi eq, %iota3A_110, %eq3A_153 : vector<4x1xi32>
    %convert_element_type3A_155 = arith.extui %eq3A_154 : vector<4x1xi1> to vector<4x1xi32>
    %convert_element_type3A_156 = arith.sitofp %convert_element_type3A_155 : vector<4x1xi32> to vector<4x1xf32>
    %get3A_157 = arith.constant 2 : index
    %get3A_158 = memref.load %arg1[%get3A_157] : memref<8xi32, #tpu.memory_space<smem>>
    %get3A_159 = arith.constant 4 : index
    %get3A_160 = memref.load %arg1[%get3A_159] : memref<8xi32, #tpu.memory_space<smem>>
    %eq3A_161 = arith.cmpi eq, %get3A_158, %get3A_160 : i32
    %jit3A_162 = arith.constant 1.000000e+00 : f32
    %jit3A_163 = arith.constant 0.000000e+00 : f32
    %select_n3A_164 = arith.select %eq3A_161, %jit3A_162, %jit3A_163 : f32
    %mul3A_165 = vector.broadcast %select_n3A_164 : f32 to vector<4x1xf32>
    %mul3A_166 = arith.mulf %mul3A_165, %convert_element_type3A_156 : vector<4x1xf32>
    %mul3A_167 = vector.broadcast %mul3A_166 : vector<4x1xf32> to vector<4x768xf32>
    %mul3A_168 = vector.broadcast %get3A_113 : vector<1x768xf32> to vector<4x768xf32>
    %mul3A_169 = arith.mulf %mul3A_167, %mul3A_168 : vector<4x768xf32>
    %add3A_170 = arith.addf %add3A_151, %mul3A_169 : vector<4x768xf32>
    %eq3A_171 = arith.constant 3 : i32
    %eq3A_172 = vector.broadcast %eq3A_171 : i32 to vector<4x1xi32>
    %eq3A_173 = arith.cmpi eq, %iota3A_110, %eq3A_172 : vector<4x1xi32>
    %convert_element_type3A_174 = arith.extui %eq3A_173 : vector<4x1xi1> to vector<4x1xi32>
    %convert_element_type3A_175 = arith.sitofp %convert_element_type3A_174 : vector<4x1xi32> to vector<4x1xf32>
    %get3A_176 = arith.constant 3 : index
    %get3A_177 = memref.load %arg1[%get3A_176] : memref<8xi32, #tpu.memory_space<smem>>
    %get3A_178 = arith.constant 4 : index
    %get3A_179 = memref.load %arg1[%get3A_178] : memref<8xi32, #tpu.memory_space<smem>>
    %eq3A_180 = arith.cmpi eq, %get3A_177, %get3A_179 : i32
    %jit3A_181 = arith.constant 1.000000e+00 : f32
    %jit3A_182 = arith.constant 0.000000e+00 : f32
    %select_n3A_183 = arith.select %eq3A_180, %jit3A_181, %jit3A_182 : f32
    %mul3A_184 = vector.broadcast %select_n3A_183 : f32 to vector<4x1xf32>
    %mul3A_185 = arith.mulf %mul3A_184, %convert_element_type3A_175 : vector<4x1xf32>
    %mul3A_186 = vector.broadcast %mul3A_185 : vector<4x1xf32> to vector<4x768xf32>
    %mul3A_187 = vector.broadcast %get3A_113 : vector<1x768xf32> to vector<4x768xf32>
    %mul3A_188 = arith.mulf %mul3A_186, %mul3A_187 : vector<4x768xf32>
    %add3A_189 = arith.addf %add3A_170, %mul3A_188 : vector<4x768xf32>
    %get3A_190 = arith.constant 1 : index
    %get3A_191 = arith.constant 0 : index
    %get3A_192 = vector.load %arg6[%get3A_190, %get3A_191] : memref<4x768xf32, #tpu.memory_space<vmem>>, vector<1x768xf32>
    %eq3A_193 = arith.constant 0 : i32
    %eq3A_194 = vector.broadcast %eq3A_193 : i32 to vector<4x1xi32>
    %eq3A_195 = arith.cmpi eq, %iota3A_110, %eq3A_194 : vector<4x1xi32>
    %convert_element_type3A_196 = arith.extui %eq3A_195 : vector<4x1xi1> to vector<4x1xi32>
    %convert_element_type3A_197 = arith.sitofp %convert_element_type3A_196 : vector<4x1xi32> to vector<4x1xf32>
    %get3A_198 = arith.constant 0 : index
    %get3A_199 = memref.load %arg1[%get3A_198] : memref<8xi32, #tpu.memory_space<smem>>
    %get3A_200 = arith.constant 5 : index
    %get3A_201 = memref.load %arg1[%get3A_200] : memref<8xi32, #tpu.memory_space<smem>>
    %eq3A_202 = arith.cmpi eq, %get3A_199, %get3A_201 : i32
    %jit3A_203 = arith.constant 1.000000e+00 : f32
    %jit3A_204 = arith.constant 0.000000e+00 : f32
    %select_n3A_205 = arith.select %eq3A_202, %jit3A_203, %jit3A_204 : f32
    %mul3A_206 = vector.broadcast %select_n3A_205 : f32 to vector<4x1xf32>
    %mul3A_207 = arith.mulf %mul3A_206, %convert_element_type3A_197 : vector<4x1xf32>
    %mul3A_208 = vector.broadcast %mul3A_207 : vector<4x1xf32> to vector<4x768xf32>
    %mul3A_209 = vector.broadcast %get3A_192 : vector<1x768xf32> to vector<4x768xf32>
    %mul3A_210 = arith.mulf %mul3A_208, %mul3A_209 : vector<4x768xf32>
    %add3A_211 = arith.addf %add3A_189, %mul3A_210 : vector<4x768xf32>
    %eq3A_212 = arith.constant 1 : i32
    %eq3A_213 = vector.broadcast %eq3A_212 : i32 to vector<4x1xi32>
    %eq3A_214 = arith.cmpi eq, %iota3A_110, %eq3A_213 : vector<4x1xi32>
    %convert_element_type3A_215 = arith.extui %eq3A_214 : vector<4x1xi1> to vector<4x1xi32>
    %convert_element_type3A_216 = arith.sitofp %convert_element_type3A_215 : vector<4x1xi32> to vector<4x1xf32>
    %get3A_217 = arith.constant 1 : index
    %get3A_218 = memref.load %arg1[%get3A_217] : memref<8xi32, #tpu.memory_space<smem>>
    %get3A_219 = arith.constant 5 : index
    %get3A_220 = memref.load %arg1[%get3A_219] : memref<8xi32, #tpu.memory_space<smem>>
    %eq3A_221 = arith.cmpi eq, %get3A_218, %get3A_220 : i32
    %jit3A_222 = arith.constant 1.000000e+00 : f32
    %jit3A_223 = arith.constant 0.000000e+00 : f32
    %select_n3A_224 = arith.select %eq3A_221, %jit3A_222, %jit3A_223 : f32
    %mul3A_225 = vector.broadcast %select_n3A_224 : f32 to vector<4x1xf32>
    %mul3A_226 = arith.mulf %mul3A_225, %convert_element_type3A_216 : vector<4x1xf32>
    %mul3A_227 = vector.broadcast %mul3A_226 : vector<4x1xf32> to vector<4x768xf32>
    %mul3A_228 = vector.broadcast %get3A_192 : vector<1x768xf32> to vector<4x768xf32>
    %mul3A_229 = arith.mulf %mul3A_227, %mul3A_228 : vector<4x768xf32>
    %add3A_230 = arith.addf %add3A_211, %mul3A_229 : vector<4x768xf32>
    %eq3A_231 = arith.constant 2 : i32
    %eq3A_232 = vector.broadcast %eq3A_231 : i32 to vector<4x1xi32>
    %eq3A_233 = arith.cmpi eq, %iota3A_110, %eq3A_232 : vector<4x1xi32>
    %convert_element_type3A_234 = arith.extui %eq3A_233 : vector<4x1xi1> to vector<4x1xi32>
    %convert_element_type3A_235 = arith.sitofp %convert_element_type3A_234 : vector<4x1xi32> to vector<4x1xf32>
    %get3A_236 = arith.constant 2 : index
    %get3A_237 = memref.load %arg1[%get3A_236] : memref<8xi32, #tpu.memory_space<smem>>
    %get3A_238 = arith.constant 5 : index
    %get3A_239 = memref.load %arg1[%get3A_238] : memref<8xi32, #tpu.memory_space<smem>>
    %eq3A_240 = arith.cmpi eq, %get3A_237, %get3A_239 : i32
    %jit3A_241 = arith.constant 1.000000e+00 : f32
    %jit3A_242 = arith.constant 0.000000e+00 : f32
    %select_n3A_243 = arith.select %eq3A_240, %jit3A_241, %jit3A_242 : f32
    %mul3A_244 = vector.broadcast %select_n3A_243 : f32 to vector<4x1xf32>
    %mul3A_245 = arith.mulf %mul3A_244, %convert_element_type3A_235 : vector<4x1xf32>
    %mul3A_246 = vector.broadcast %mul3A_245 : vector<4x1xf32> to vector<4x768xf32>
    %mul3A_247 = vector.broadcast %get3A_192 : vector<1x768xf32> to vector<4x768xf32>
    %mul3A_248 = arith.mulf %mul3A_246, %mul3A_247 : vector<4x768xf32>
    %add3A_249 = arith.addf %add3A_230, %mul3A_248 : vector<4x768xf32>
    %eq3A_250 = arith.constant 3 : i32
    %eq3A_251 = vector.broadcast %eq3A_250 : i32 to vector<4x1xi32>
    %eq3A_252 = arith.cmpi eq, %iota3A_110, %eq3A_251 : vector<4x1xi32>
    %convert_element_type3A_253 = arith.extui %eq3A_252 : vector<4x1xi1> to vector<4x1xi32>
    %convert_element_type3A_254 = arith.sitofp %convert_element_type3A_253 : vector<4x1xi32> to vector<4x1xf32>
    %get3A_255 = arith.constant 3 : index
    %get3A_256 = memref.load %arg1[%get3A_255] : memref<8xi32, #tpu.memory_space<smem>>
    %get3A_257 = arith.constant 5 : index
    %get3A_258 = memref.load %arg1[%get3A_257] : memref<8xi32, #tpu.memory_space<smem>>
    %eq3A_259 = arith.cmpi eq, %get3A_256, %get3A_258 : i32
    %jit3A_260 = arith.constant 1.000000e+00 : f32
    %jit3A_261 = arith.constant 0.000000e+00 : f32
    %select_n3A_262 = arith.select %eq3A_259, %jit3A_260, %jit3A_261 : f32
    %mul3A_263 = vector.broadcast %select_n3A_262 : f32 to vector<4x1xf32>
    %mul3A_264 = arith.mulf %mul3A_263, %convert_element_type3A_254 : vector<4x1xf32>
    %mul3A_265 = vector.broadcast %mul3A_264 : vector<4x1xf32> to vector<4x768xf32>
    %mul3A_266 = vector.broadcast %get3A_192 : vector<1x768xf32> to vector<4x768xf32>
    %mul3A_267 = arith.mulf %mul3A_265, %mul3A_266 : vector<4x768xf32>
    %add3A_268 = arith.addf %add3A_249, %mul3A_267 : vector<4x768xf32>
    %get3A_269 = arith.constant 2 : index
    %get3A_270 = arith.constant 0 : index
    %get3A_271 = vector.load %arg6[%get3A_269, %get3A_270] : memref<4x768xf32, #tpu.memory_space<vmem>>, vector<1x768xf32>
    %eq3A_272 = arith.constant 0 : i32
    %eq3A_273 = vector.broadcast %eq3A_272 : i32 to vector<4x1xi32>
    %eq3A_274 = arith.cmpi eq, %iota3A_110, %eq3A_273 : vector<4x1xi32>
    %convert_element_type3A_275 = arith.extui %eq3A_274 : vector<4x1xi1> to vector<4x1xi32>
    %convert_element_type3A_276 = arith.sitofp %convert_element_type3A_275 : vector<4x1xi32> to vector<4x1xf32>
    %get3A_277 = arith.constant 0 : index
    %get3A_278 = memref.load %arg1[%get3A_277] : memref<8xi32, #tpu.memory_space<smem>>
    %get3A_279 = arith.constant 6 : index
    %get3A_280 = memref.load %arg1[%get3A_279] : memref<8xi32, #tpu.memory_space<smem>>
    %eq3A_281 = arith.cmpi eq, %get3A_278, %get3A_280 : i32
    %jit3A_282 = arith.constant 1.000000e+00 : f32
    %jit3A_283 = arith.constant 0.000000e+00 : f32
    %select_n3A_284 = arith.select %eq3A_281, %jit3A_282, %jit3A_283 : f32
    %mul3A_285 = vector.broadcast %select_n3A_284 : f32 to vector<4x1xf32>
    %mul3A_286 = arith.mulf %mul3A_285, %convert_element_type3A_276 : vector<4x1xf32>
    %mul3A_287 = vector.broadcast %mul3A_286 : vector<4x1xf32> to vector<4x768xf32>
    %mul3A_288 = vector.broadcast %get3A_271 : vector<1x768xf32> to vector<4x768xf32>
    %mul3A_289 = arith.mulf %mul3A_287, %mul3A_288 : vector<4x768xf32>
    %add3A_290 = arith.addf %add3A_268, %mul3A_289 : vector<4x768xf32>
    %eq3A_291 = arith.constant 1 : i32
    %eq3A_292 = vector.broadcast %eq3A_291 : i32 to vector<4x1xi32>
    %eq3A_293 = arith.cmpi eq, %iota3A_110, %eq3A_292 : vector<4x1xi32>
    %convert_element_type3A_294 = arith.extui %eq3A_293 : vector<4x1xi1> to vector<4x1xi32>
    %convert_element_type3A_295 = arith.sitofp %convert_element_type3A_294 : vector<4x1xi32> to vector<4x1xf32>
    %get3A_296 = arith.constant 1 : index
    %get3A_297 = memref.load %arg1[%get3A_296] : memref<8xi32, #tpu.memory_space<smem>>
    %get3A_298 = arith.constant 6 : index
    %get3A_299 = memref.load %arg1[%get3A_298] : memref<8xi32, #tpu.memory_space<smem>>
    %eq3A_300 = arith.cmpi eq, %get3A_297, %get3A_299 : i32
    %jit3A_301 = arith.constant 1.000000e+00 : f32
    %jit3A_302 = arith.constant 0.000000e+00 : f32
    %select_n3A_303 = arith.select %eq3A_300, %jit3A_301, %jit3A_302 : f32
    %mul3A_304 = vector.broadcast %select_n3A_303 : f32 to vector<4x1xf32>
    %mul3A_305 = arith.mulf %mul3A_304, %convert_element_type3A_295 : vector<4x1xf32>
    %mul3A_306 = vector.broadcast %mul3A_305 : vector<4x1xf32> to vector<4x768xf32>
    %mul3A_307 = vector.broadcast %get3A_271 : vector<1x768xf32> to vector<4x768xf32>
    %mul3A_308 = arith.mulf %mul3A_306, %mul3A_307 : vector<4x768xf32>
    %add3A_309 = arith.addf %add3A_290, %mul3A_308 : vector<4x768xf32>
    %eq3A_310 = arith.constant 2 : i32
    %eq3A_311 = vector.broadcast %eq3A_310 : i32 to vector<4x1xi32>
    %eq3A_312 = arith.cmpi eq, %iota3A_110, %eq3A_311 : vector<4x1xi32>
    %convert_element_type3A_313 = arith.extui %eq3A_312 : vector<4x1xi1> to vector<4x1xi32>
    %convert_element_type3A_314 = arith.sitofp %convert_element_type3A_313 : vector<4x1xi32> to vector<4x1xf32>
    %get3A_315 = arith.constant 2 : index
    %get3A_316 = memref.load %arg1[%get3A_315] : memref<8xi32, #tpu.memory_space<smem>>
    %get3A_317 = arith.constant 6 : index
    %get3A_318 = memref.load %arg1[%get3A_317] : memref<8xi32, #tpu.memory_space<smem>>
    %eq3A_319 = arith.cmpi eq, %get3A_316, %get3A_318 : i32
    %jit3A_320 = arith.constant 1.000000e+00 : f32
    %jit3A_321 = arith.constant 0.000000e+00 : f32
    %select_n3A_322 = arith.select %eq3A_319, %jit3A_320, %jit3A_321 : f32
    %mul3A_323 = vector.broadcast %select_n3A_322 : f32 to vector<4x1xf32>
    %mul3A_324 = arith.mulf %mul3A_323, %convert_element_type3A_314 : vector<4x1xf32>
    %mul3A_325 = vector.broadcast %mul3A_324 : vector<4x1xf32> to vector<4x768xf32>
    %mul3A_326 = vector.broadcast %get3A_271 : vector<1x768xf32> to vector<4x768xf32>
    %mul3A_327 = arith.mulf %mul3A_325, %mul3A_326 : vector<4x768xf32>
    %add3A_328 = arith.addf %add3A_309, %mul3A_327 : vector<4x768xf32>
    %eq3A_329 = arith.constant 3 : i32
    %eq3A_330 = vector.broadcast %eq3A_329 : i32 to vector<4x1xi32>
    %eq3A_331 = arith.cmpi eq, %iota3A_110, %eq3A_330 : vector<4x1xi32>
    %convert_element_type3A_332 = arith.extui %eq3A_331 : vector<4x1xi1> to vector<4x1xi32>
    %convert_element_type3A_333 = arith.sitofp %convert_element_type3A_332 : vector<4x1xi32> to vector<4x1xf32>
    %get3A_334 = arith.constant 3 : index
    %get3A_335 = memref.load %arg1[%get3A_334] : memref<8xi32, #tpu.memory_space<smem>>
    %get3A_336 = arith.constant 6 : index
    %get3A_337 = memref.load %arg1[%get3A_336] : memref<8xi32, #tpu.memory_space<smem>>
    %eq3A_338 = arith.cmpi eq, %get3A_335, %get3A_337 : i32
    %jit3A_339 = arith.constant 1.000000e+00 : f32
    %jit3A_340 = arith.constant 0.000000e+00 : f32
    %select_n3A_341 = arith.select %eq3A_338, %jit3A_339, %jit3A_340 : f32
    %mul3A_342 = vector.broadcast %select_n3A_341 : f32 to vector<4x1xf32>
    %mul3A_343 = arith.mulf %mul3A_342, %convert_element_type3A_333 : vector<4x1xf32>
    %mul3A_344 = vector.broadcast %mul3A_343 : vector<4x1xf32> to vector<4x768xf32>
    %mul3A_345 = vector.broadcast %get3A_271 : vector<1x768xf32> to vector<4x768xf32>
    %mul3A_346 = arith.mulf %mul3A_344, %mul3A_345 : vector<4x768xf32>
    %add3A_347 = arith.addf %add3A_328, %mul3A_346 : vector<4x768xf32>
    %get3A_348 = arith.constant 3 : index
    %get3A_349 = arith.constant 0 : index
    %get3A_350 = vector.load %arg6[%get3A_348, %get3A_349] : memref<4x768xf32, #tpu.memory_space<vmem>>, vector<1x768xf32>
    %eq3A_351 = arith.constant 0 : i32
    %eq3A_352 = vector.broadcast %eq3A_351 : i32 to vector<4x1xi32>
    %eq3A_353 = arith.cmpi eq, %iota3A_110, %eq3A_352 : vector<4x1xi32>
    %convert_element_type3A_354 = arith.extui %eq3A_353 : vector<4x1xi1> to vector<4x1xi32>
    %convert_element_type3A_355 = arith.sitofp %convert_element_type3A_354 : vector<4x1xi32> to vector<4x1xf32>
    %get3A_356 = arith.constant 0 : index
    %get3A_357 = memref.load %arg1[%get3A_356] : memref<8xi32, #tpu.memory_space<smem>>
    %get3A_358 = arith.constant 7 : index
    %get3A_359 = memref.load %arg1[%get3A_358] : memref<8xi32, #tpu.memory_space<smem>>
    %eq3A_360 = arith.cmpi eq, %get3A_357, %get3A_359 : i32
    %jit3A_361 = arith.constant 1.000000e+00 : f32
    %jit3A_362 = arith.constant 0.000000e+00 : f32
    %select_n3A_363 = arith.select %eq3A_360, %jit3A_361, %jit3A_362 : f32
    %mul3A_364 = vector.broadcast %select_n3A_363 : f32 to vector<4x1xf32>
    %mul3A_365 = arith.mulf %mul3A_364, %convert_element_type3A_355 : vector<4x1xf32>
    %mul3A_366 = vector.broadcast %mul3A_365 : vector<4x1xf32> to vector<4x768xf32>
    %mul3A_367 = vector.broadcast %get3A_350 : vector<1x768xf32> to vector<4x768xf32>
    %mul3A_368 = arith.mulf %mul3A_366, %mul3A_367 : vector<4x768xf32>
    %add3A_369 = arith.addf %add3A_347, %mul3A_368 : vector<4x768xf32>
    %eq3A_370 = arith.constant 1 : i32
    %eq3A_371 = vector.broadcast %eq3A_370 : i32 to vector<4x1xi32>
    %eq3A_372 = arith.cmpi eq, %iota3A_110, %eq3A_371 : vector<4x1xi32>
    %convert_element_type3A_373 = arith.extui %eq3A_372 : vector<4x1xi1> to vector<4x1xi32>
    %convert_element_type3A_374 = arith.sitofp %convert_element_type3A_373 : vector<4x1xi32> to vector<4x1xf32>
    %get3A_375 = arith.constant 1 : index
    %get3A_376 = memref.load %arg1[%get3A_375] : memref<8xi32, #tpu.memory_space<smem>>
    %get3A_377 = arith.constant 7 : index
    %get3A_378 = memref.load %arg1[%get3A_377] : memref<8xi32, #tpu.memory_space<smem>>
    %eq3A_379 = arith.cmpi eq, %get3A_376, %get3A_378 : i32
    %jit3A_380 = arith.constant 1.000000e+00 : f32
    %jit3A_381 = arith.constant 0.000000e+00 : f32
    %select_n3A_382 = arith.select %eq3A_379, %jit3A_380, %jit3A_381 : f32
    %mul3A_383 = vector.broadcast %select_n3A_382 : f32 to vector<4x1xf32>
    %mul3A_384 = arith.mulf %mul3A_383, %convert_element_type3A_374 : vector<4x1xf32>
    %mul3A_385 = vector.broadcast %mul3A_384 : vector<4x1xf32> to vector<4x768xf32>
    %mul3A_386 = vector.broadcast %get3A_350 : vector<1x768xf32> to vector<4x768xf32>
    %mul3A_387 = arith.mulf %mul3A_385, %mul3A_386 : vector<4x768xf32>
    %add3A_388 = arith.addf %add3A_369, %mul3A_387 : vector<4x768xf32>
    %eq3A_389 = arith.constant 2 : i32
    %eq3A_390 = vector.broadcast %eq3A_389 : i32 to vector<4x1xi32>
    %eq3A_391 = arith.cmpi eq, %iota3A_110, %eq3A_390 : vector<4x1xi32>
    %convert_element_type3A_392 = arith.extui %eq3A_391 : vector<4x1xi1> to vector<4x1xi32>
    %convert_element_type3A_393 = arith.sitofp %convert_element_type3A_392 : vector<4x1xi32> to vector<4x1xf32>
    %get3A_394 = arith.constant 2 : index
    %get3A_395 = memref.load %arg1[%get3A_394] : memref<8xi32, #tpu.memory_space<smem>>
    %get3A_396 = arith.constant 7 : index
    %get3A_397 = memref.load %arg1[%get3A_396] : memref<8xi32, #tpu.memory_space<smem>>
    %eq3A_398 = arith.cmpi eq, %get3A_395, %get3A_397 : i32
    %jit3A_399 = arith.constant 1.000000e+00 : f32
    %jit3A_400 = arith.constant 0.000000e+00 : f32
    %select_n3A_401 = arith.select %eq3A_398, %jit3A_399, %jit3A_400 : f32
    %mul3A_402 = vector.broadcast %select_n3A_401 : f32 to vector<4x1xf32>
    %mul3A_403 = arith.mulf %mul3A_402, %convert_element_type3A_393 : vector<4x1xf32>
    %mul3A_404 = vector.broadcast %mul3A_403 : vector<4x1xf32> to vector<4x768xf32>
    %mul3A_405 = vector.broadcast %get3A_350 : vector<1x768xf32> to vector<4x768xf32>
    %mul3A_406 = arith.mulf %mul3A_404, %mul3A_405 : vector<4x768xf32>
    %add3A_407 = arith.addf %add3A_388, %mul3A_406 : vector<4x768xf32>
    %eq3A_408 = arith.constant 3 : i32
    %eq3A_409 = vector.broadcast %eq3A_408 : i32 to vector<4x1xi32>
    %eq3A_410 = arith.cmpi eq, %iota3A_110, %eq3A_409 : vector<4x1xi32>
    %convert_element_type3A_411 = arith.extui %eq3A_410 : vector<4x1xi1> to vector<4x1xi32>
    %convert_element_type3A_412 = arith.sitofp %convert_element_type3A_411 : vector<4x1xi32> to vector<4x1xf32>
    %get3A_413 = arith.constant 3 : index
    %get3A_414 = memref.load %arg1[%get3A_413] : memref<8xi32, #tpu.memory_space<smem>>
    %get3A_415 = arith.constant 7 : index
    %get3A_416 = memref.load %arg1[%get3A_415] : memref<8xi32, #tpu.memory_space<smem>>
    %eq3A_417 = arith.cmpi eq, %get3A_414, %get3A_416 : i32
    %jit3A_418 = arith.constant 1.000000e+00 : f32
    %jit3A_419 = arith.constant 0.000000e+00 : f32
    %select_n3A_420 = arith.select %eq3A_417, %jit3A_418, %jit3A_419 : f32
    %mul3A_421 = vector.broadcast %select_n3A_420 : f32 to vector<4x1xf32>
    %mul3A_422 = arith.mulf %mul3A_421, %convert_element_type3A_412 : vector<4x1xf32>
    %mul3A_423 = vector.broadcast %mul3A_422 : vector<4x1xf32> to vector<4x768xf32>
    %mul3A_424 = vector.broadcast %get3A_350 : vector<1x768xf32> to vector<4x768xf32>
    %mul3A_425 = arith.mulf %mul3A_423, %mul3A_424 : vector<4x768xf32>
    %add3A_426 = arith.addf %add3A_407, %mul3A_425 : vector<4x768xf32>
    %get3A_427 = arith.constant 0 : index
    %get3A_428 = arith.constant 0 : index
    %get3A_429 = vector.load %arg8[%get3A_427, %get3A_428] : memref<1x768xf32, #tpu.memory_space<vmem>>, vector<1x768xf32>
    %reduce_sum3A_430 = arith.constant dense<0.000000e+00> : vector<4xf32>
    %reduce_sum3A_431 = vector.multi_reduction <add>, %add3A_426, %reduce_sum3A_430 [1] : vector<4x768xf32> to vector<4xf32>
    %broadcast_in_dim3A_432 = vector.shape_cast %reduce_sum3A_431 : vector<4xf32> to vector<4x1xf32>
    %div3A = arith.constant 7.680000e+02 : f32
    %div3A_433 = vector.broadcast %div3A : f32 to vector<4x1xf32>
    %div3A_434 = arith.divf %broadcast_in_dim3A_432, %div3A_433 : vector<4x1xf32>
    %sub3A = vector.broadcast %div3A_434 : vector<4x1xf32> to vector<4x768xf32>
    %sub3A_435 = arith.subf %add3A_426, %sub3A : vector<4x768xf32>
    %integer_pow3A = arith.mulf %sub3A_435, %sub3A_435 : vector<4x768xf32>
    %reduce_sum3A_436 = arith.constant dense<0.000000e+00> : vector<4xf32>
    %reduce_sum3A_437 = vector.multi_reduction <add>, %integer_pow3A, %reduce_sum3A_436 [1] : vector<4x768xf32> to vector<4xf32>
    %broadcast_in_dim3A_438 = vector.shape_cast %reduce_sum3A_437 : vector<4xf32> to vector<4x1xf32>
    %div3A_439 = arith.constant 7.680000e+02 : f32
    %div3A_440 = vector.broadcast %div3A_439 : f32 to vector<4x1xf32>
    %div3A_441 = arith.divf %broadcast_in_dim3A_438, %div3A_440 : vector<4x1xf32>
    %sub3A_442 = vector.broadcast %div3A_434 : vector<4x1xf32> to vector<4x768xf32>
    %sub3A_443 = arith.subf %add3A_426, %sub3A_442 : vector<4x768xf32>
    %add3A_444 = arith.constant 9.99999997E-7 : f32
    %add3A_445 = vector.broadcast %add3A_444 : f32 to vector<4x1xf32>
    %add3A_446 = arith.addf %div3A_441, %add3A_445 : vector<4x1xf32>
    %sqrt3A = math.sqrt %add3A_446 : vector<4x1xf32>
    %div3A_447 = vector.broadcast %sqrt3A : vector<4x1xf32> to vector<4x768xf32>
    %div3A_448 = arith.divf %sub3A_443, %div3A_447 : vector<4x768xf32>
    %mul3A_449 = vector.broadcast %get3A_429 : vector<1x768xf32> to vector<4x768xf32>
    %mul3A_450 = arith.mulf %div3A_448, %mul3A_449 : vector<4x768xf32>
    %get3A_451 = arith.constant 0 : index
    %get3A_452 = arith.constant 0 : index
    %get3A_453 = vector.load %arg9[%get3A_451, %get3A_452] : memref<768x3072xf32, #tpu.memory_space<vmem>>, vector<768x3072xf32>
    %dot_general3A = arith.constant dense<0.000000e+00> : vector<4x3072xf32>
    %dot_general3A_454 = tpu.matmul %mul3A_450, %get3A_453, %dot_general3A {dimension_numbers = #tpu.dot_dimension_numbers<[1], [0], [0], [1], [0, 0, 1, 1], [], []>, transpose_lhs_hint = false} : vector<4x768xf32>, vector<768x3072xf32>, vector<4x3072xf32> -> vector<4x3072xf32>
    %max3A = arith.constant 0.000000e+00 : f32
    %max3A_455 = vector.broadcast %max3A : f32 to vector<4x3072xf32>
    %max3A_456 = arith.maximumf %dot_general3A_454, %max3A_455 : vector<4x3072xf32>
    %get3A_457 = arith.constant 0 : index
    %get3A_458 = arith.constant 0 : index
    %get3A_459 = vector.load %arg10[%get3A_457, %get3A_458] : memref<3072x768xf32, #tpu.memory_space<vmem>>, vector<3072x768xf32>
    %dot_general3A_460 = arith.constant dense<0.000000e+00> : vector<4x768xf32>
    %dot_general3A_461 = tpu.matmul %max3A_456, %get3A_459, %dot_general3A_460 {dimension_numbers = #tpu.dot_dimension_numbers<[1], [0], [0], [1], [0, 0, 1, 1], [], []>, transpose_lhs_hint = false} : vector<4x3072xf32>, vector<3072x768xf32>, vector<4x768xf32> -> vector<4x768xf32>
    %get3A_462 = arith.constant 0 : index
    %get3A_463 = arith.constant 0 : index
    %get3A_464 = vector.load %arg7[%get3A_462, %get3A_463] : memref<4x1xf32, #tpu.memory_space<vmem>>, vector<4x1xf32>
    %logistic3A = arith.negf %get3A_464 : vector<4x1xf32>
    %logistic3A_465 = math.exp %logistic3A : vector<4x1xf32>
    %logistic3A_466 = arith.constant 1.000000e+00 : f32
    %logistic3A_467 = vector.broadcast %logistic3A_466 : f32 to vector<4x1xf32>
    %logistic3A_468 = arith.addf %logistic3A_467, %logistic3A_465 : vector<4x1xf32>
    %logistic3A_469 = arith.divf %logistic3A_467, %logistic3A_468 : vector<4x1xf32>
    %mul3A_470 = vector.broadcast %logistic3A_469 : vector<4x1xf32> to vector<4x768xf32>
    %mul3A_471 = arith.mulf %dot_general3A_461, %mul3A_470 : vector<4x768xf32>
    %swap3A = arith.constant 0 : index
    %swap3A_472 = arith.constant 0 : index
    %swap3A_473 = vector.load %arg11[%swap3A, %swap3A_472] : memref<4x768xf32, #tpu.memory_space<vmem>>, vector<4x768xf32>
    tpu.vector_store %arg11[%swap3A, %swap3A_472], %mul3A_471 {strides = array<i32>} : memref<4x768xf32, #tpu.memory_space<vmem>>, vector<4x768xf32>,
    return
  }
  func.func @transform_0(%arg0: i32, %arg1: memref<8xi32, #tpu.memory_space<smem>>) -> (i32, i32) {
    %get3A = arith.constant 0 : index
    %get3A_0 = memref.load %arg1[%get3A] : memref<8xi32, #tpu.memory_space<smem>>
    %jit3A = arith.constant 8 : i32
    %div3A = arith.divsi %get3A_0, %jit3A : i32
    %sign3A = arith.constant 0 : i32
    %sign3A_1 = arith.cmpi sgt, %get3A_0, %sign3A : i32
    %sign3A_2 = arith.extui %sign3A_1 : i1 to i32
    %sign3A_3 = arith.constant 0 : i32
    %sign3A_4 = arith.cmpi slt, %get3A_0, %sign3A_3 : i32
    %sign3A_5 = arith.extui %sign3A_4 : i1 to i32
    %sign3A_6 = arith.subi %sign3A_2, %sign3A_5 : i32
    %sign3A_7 = arith.constant 0 : i32
    %sign3A_8 = arith.cmpi sgt, %jit3A, %sign3A_7 : i32
    %sign3A_9 = arith.extui %sign3A_8 : i1 to i32
    %sign3A_10 = arith.constant 0 : i32
    %sign3A_11 = arith.cmpi slt, %jit3A, %sign3A_10 : i32
    %sign3A_12 = arith.extui %sign3A_11 : i1 to i32
    %sign3A_13 = arith.subi %sign3A_9, %sign3A_12 : i32
    %ne3A = arith.cmpi ne, %sign3A_6, %sign3A_13 : i32
    %rem3A = arith.remsi %get3A_0, %jit3A : i32
    %ne3A_14 = arith.constant 0 : i32
    %ne3A_15 = arith.cmpi ne, %rem3A, %ne3A_14 : i32
    %and3A = arith.andi %ne3A, %ne3A_15 : i1
    %sub3A = arith.constant 1 : i32
    %sub3A_16 = arith.subi %div3A, %sub3A : i32
    %select_n3A = arith.select %and3A, %sub3A_16, %div3A : i32
    %c0_i32 = arith.constant 0 : i32
    %c0_i32_17 = arith.constant 0 : i32
    return %select_n3A, %c0_i32 : i32, i32
  }
  func.func @transform_1(%arg0: i32, %arg1: memref<8xi32, #tpu.memory_space<smem>>) -> (i32, i32) {
    %get3A = arith.constant 1 : index
    %get3A_0 = memref.load %arg1[%get3A] : memref<8xi32, #tpu.memory_space<smem>>
    %jit3A = arith.constant 8 : i32
    %div3A = arith.divsi %get3A_0, %jit3A : i32
    %sign3A = arith.constant 0 : i32
    %sign3A_1 = arith.cmpi sgt, %get3A_0, %sign3A : i32
    %sign3A_2 = arith.extui %sign3A_1 : i1 to i32
    %sign3A_3 = arith.constant 0 : i32
    %sign3A_4 = arith.cmpi slt, %get3A_0, %sign3A_3 : i32
    %sign3A_5 = arith.extui %sign3A_4 : i1 to i32
    %sign3A_6 = arith.subi %sign3A_2, %sign3A_5 : i32
    %sign3A_7 = arith.constant 0 : i32
    %sign3A_8 = arith.cmpi sgt, %jit3A, %sign3A_7 : i32
    %sign3A_9 = arith.extui %sign3A_8 : i1 to i32
    %sign3A_10 = arith.constant 0 : i32
    %sign3A_11 = arith.cmpi slt, %jit3A, %sign3A_10 : i32
    %sign3A_12 = arith.extui %sign3A_11 : i1 to i32
    %sign3A_13 = arith.subi %sign3A_9, %sign3A_12 : i32
    %ne3A = arith.cmpi ne, %sign3A_6, %sign3A_13 : i32
    %rem3A = arith.remsi %get3A_0, %jit3A : i32
    %ne3A_14 = arith.constant 0 : i32
    %ne3A_15 = arith.cmpi ne, %rem3A, %ne3A_14 : i32
    %and3A = arith.andi %ne3A, %ne3A_15 : i1
    %sub3A = arith.constant 1 : i32
    %sub3A_16 = arith.subi %div3A, %sub3A : i32
    %select_n3A = arith.select %and3A, %sub3A_16, %div3A : i32
    %c0_i32 = arith.constant 0 : i32
    %c0_i32_17 = arith.constant 0 : i32
    return %select_n3A, %c0_i32 : i32, i32
  }
  func.func @transform_2(%arg0: i32, %arg1: memref<8xi32, #tpu.memory_space<smem>>) -> (i32, i32) {
    %get3A = arith.constant 2 : index
    %get3A_0 = memref.load %arg1[%get3A] : memref<8xi32, #tpu.memory_space<smem>>
    %jit3A = arith.constant 8 : i32
    %div3A = arith.divsi %get3A_0, %jit3A : i32
    %sign3A = arith.constant 0 : i32
    %sign3A_1 = arith.cmpi sgt, %get3A_0, %sign3A : i32
    %sign3A_2 = arith.extui %sign3A_1 : i1 to i32
    %sign3A_3 = arith.constant 0 : i32
    %sign3A_4 = arith.cmpi slt, %get3A_0, %sign3A_3 : i32
    %sign3A_5 = arith.extui %sign3A_4 : i1 to i32
    %sign3A_6 = arith.subi %sign3A_2, %sign3A_5 : i32
    %sign3A_7 = arith.constant 0 : i32
    %sign3A_8 = arith.cmpi sgt, %jit3A, %sign3A_7 : i32
    %sign3A_9 = arith.extui %sign3A_8 : i1 to i32
    %sign3A_10 = arith.constant 0 : i32
    %sign3A_11 = arith.cmpi slt, %jit3A, %sign3A_10 : i32
    %sign3A_12 = arith.extui %sign3A_11 : i1 to i32
    %sign3A_13 = arith.subi %sign3A_9, %sign3A_12 : i32
    %ne3A = arith.cmpi ne, %sign3A_6, %sign3A_13 : i32
    %rem3A = arith.remsi %get3A_0, %jit3A : i32
    %ne3A_14 = arith.constant 0 : i32
    %ne3A_15 = arith.cmpi ne, %rem3A, %ne3A_14 : i32
    %and3A = arith.andi %ne3A, %ne3A_15 : i1
    %sub3A = arith.constant 1 : i32
    %sub3A_16 = arith.subi %div3A, %sub3A : i32
    %select_n3A = arith.select %and3A, %sub3A_16, %div3A : i32
    %c0_i32 = arith.constant 0 : i32
    %c0_i32_17 = arith.constant 0 : i32
    return %select_n3A, %c0_i32 : i32, i32
  }
  func.func @transform_3(%arg0: i32, %arg1: memref<8xi32, #tpu.memory_space<smem>>) -> (i32, i32) {
    %get3A = arith.constant 3 : index
    %get3A_0 = memref.load %arg1[%get3A] : memref<8xi32, #tpu.memory_space<smem>>
    %jit3A = arith.constant 8 : i32
    %div3A = arith.divsi %get3A_0, %jit3A : i32
    %sign3A = arith.constant 0 : i32
    %sign3A_1 = arith.cmpi sgt, %get3A_0, %sign3A : i32
    %sign3A_2 = arith.extui %sign3A_1 : i1 to i32
    %sign3A_3 = arith.constant 0 : i32
    %sign3A_4 = arith.cmpi slt, %get3A_0, %sign3A_3 : i32
    %sign3A_5 = arith.extui %sign3A_4 : i1 to i32
    %sign3A_6 = arith.subi %sign3A_2, %sign3A_5 : i32
    %sign3A_7 = arith.constant 0 : i32
    %sign3A_8 = arith.cmpi sgt, %jit3A, %sign3A_7 : i32
    %sign3A_9 = arith.extui %sign3A_8 : i1 to i32
    %sign3A_10 = arith.constant 0 : i32
    %sign3A_11 = arith.cmpi slt, %jit3A, %sign3A_10 : i32
    %sign3A_12 = arith.extui %sign3A_11 : i1 to i32
    %sign3A_13 = arith.subi %sign3A_9, %sign3A_12 : i32
    %ne3A = arith.cmpi ne, %sign3A_6, %sign3A_13 : i32
    %rem3A = arith.remsi %get3A_0, %jit3A : i32
    %ne3A_14 = arith.constant 0 : i32
    %ne3A_15 = arith.cmpi ne, %rem3A, %ne3A_14 : i32
    %and3A = arith.andi %ne3A, %ne3A_15 : i1
    %sub3A = arith.constant 1 : i32
    %sub3A_16 = arith.subi %div3A, %sub3A : i32
    %select_n3A = arith.select %and3A, %sub3A_16, %div3A : i32
    %c0_i32 = arith.constant 0 : i32
    %c0_i32_17 = arith.constant 0 : i32
    return %select_n3A, %c0_i32 : i32, i32
  }
  func.func @transform_4(%arg0: i32, %arg1: memref<8xi32, #tpu.memory_space<smem>>) -> (i32, i32) {
    %c0_i32 = arith.constant 0 : i32
    %c0_i32_0 = arith.constant 0 : i32
    %c0_i32_1 = arith.constant 0 : i32
    return %c0_i32, %c0_i32_0 : i32, i32
  }
  func.func @transform_5(%arg0: i32, %arg1: memref<8xi32, #tpu.memory_space<smem>>) -> (i32, i32) {
    %c0_i32 = arith.constant 0 : i32
    %c0_i32_0 = arith.constant 0 : i32
    %c0_i32_1 = arith.constant 0 : i32
    return %c0_i32, %c0_i32_0 : i32, i32
  }
  func.func @transform_6(%arg0: i32, %arg1: memref<8xi32, #tpu.memory_space<smem>>) -> (i32, i32) {
    %c0_i32 = arith.constant 0 : i32
    %c0_i32_0 = arith.constant 0 : i32
    %c0_i32_1 = arith.constant 0 : i32
    return %c0_i32, %c0_i32_0 : i32, i32
  }
  func.func @transform_7(%arg0: i32, %arg1: memref<8xi32, #tpu.memory_space<smem>>) -> (i32, i32) {
    %c0_i32 = arith.constant 0 : i32
    %c0_i32_0 = arith.constant 0 : i32
    %c0_i32_1 = arith.constant 0 : i32
    return %c0_i32, %c0_i32_0 : i32, i32
  }
  func.func @transform_8(%arg0: i32, %arg1: memref<8xi32, #tpu.memory_space<smem>>) -> (i32, i32) {
    %c0_i32 = arith.constant 0 : i32
    %c0_i32_0 = arith.constant 0 : i32
    %c0_i32_1 = arith.constant 0 : i32
    return %c0_i32, %c0_i32_0 : i32, i32
  }
  func.func @transform_9(%arg0: i32, %arg1: memref<8xi32, #tpu.memory_space<smem>>) -> (i32, i32) {
    %c0_i32 = arith.constant 0 : i32
    %c0_i32_0 = arith.constant 0 : i32
    %c0_i32_1 = arith.constant 0 : i32
    return %c0_i32, %c0_i32_0 : i32, i32
  }
}

module attributes {stable_mosaic.version = 14 : i64} {
  func.func @body(%arg0: i32, %arg1: memref<8xi32, #tpu.memory_space<smem>>, %arg2: memref<8x768xf32, #tpu.memory_space<vmem>>, %arg3: memref<4x768xf32, #tpu.memory_space<vmem>>, %arg4: memref<8x768xf32, #tpu.memory_space<vmem>>) attributes {dimension_semantics = [#tpu.dimension_semantics<arbitrary>], iteration_bounds = array<i64: 4>, scalar_prefetch = 1 : i64, scratch_operands = 0 : i64, tpu.core_type = #tpu.core_type<tc>, window_params = [{transform_indices = @transform_0, window_bounds = array<i64: 8, 768>}, {pipeline_mode = #tpu.pipeline_mode<synchronous>, transform_indices = @transform_1, window_bounds = array<i64: 4, 768>}, {transform_indices = @transform_2, window_bounds = array<i64: 8, 768>}]} {
    %add3A = arith.constant 4 : i32
    %add3A_0 = arith.addi %add3A, %arg0 : i32
    %get3A = arith.index_cast %add3A_0 : i32 to index
    %get3A_1 = memref.load %arg1[%get3A] : memref<8xi32, #tpu.memory_space<smem>>
    %iota3A = tpu.iota {dimensions = array<i32: 0>} : vector<4x1xi32>
    %eq3A = vector.broadcast %get3A_1 : i32 to vector<4x1xi32>
    %eq3A_2 = arith.cmpi eq, %iota3A, %eq3A : vector<4x1xi32>
    %convert_element_type3A = arith.extui %eq3A_2 : vector<4x1xi1> to vector<4x1xi32>
    %convert_element_type3A_3 = arith.sitofp %convert_element_type3A : vector<4x1xi32> to vector<4x1xf32>
    %get3A_4 = arith.constant 0 : index
    %get3A_5 = arith.constant 0 : index
    %get3A_6 = vector.load %arg3[%get3A_4, %get3A_5] : memref<4x768xf32, #tpu.memory_space<vmem>>, vector<4x768xf32>
    %mul3A = vector.broadcast %convert_element_type3A_3 : vector<4x1xf32> to vector<4x768xf32>
    %mul3A_7 = arith.mulf %mul3A, %get3A_6 : vector<4x768xf32>
    %reduce_sum3A = arith.constant dense<0.000000e+00> : vector<768xf32>
    %reduce_sum3A_8 = vector.multi_reduction <add>, %mul3A_7, %reduce_sum3A [0] : vector<4x768xf32> to vector<768xf32>
    %broadcast_in_dim3A = vector.shape_cast %reduce_sum3A_8 : vector<768xf32> to vector<1x768xf32>
    %get3A_9 = arith.index_cast %arg0 : i32 to index
    %get3A_10 = memref.load %arg1[%get3A_9] : memref<8xi32, #tpu.memory_space<smem>>
    %jit3A = arith.constant 8 : i32
    %eq3A_11 = arith.constant 0 : i32
    %eq3A_12 = arith.cmpi eq, %jit3A, %eq3A_11 : i32
    %jit3A_13 = arith.constant 1 : i32
    %select_n3A = arith.select %eq3A_12, %jit3A_13, %jit3A : i32
    %rem3A = arith.remsi %get3A_10, %select_n3A : i32
    %ne3A = arith.constant 0 : i32
    %ne3A_14 = arith.cmpi ne, %rem3A, %ne3A : i32
    %lt3A = arith.constant 0 : i32
    %lt3A_15 = arith.cmpi slt, %rem3A, %lt3A : i32
    %lt3A_16 = arith.constant 0 : i32
    %lt3A_17 = arith.cmpi slt, %select_n3A, %lt3A_16 : i32
    %ne3A_18 = arith.xori %lt3A_15, %lt3A_17 : i1
    %and3A = arith.andi %ne3A_18, %ne3A_14 : i1
    %add3A_19 = arith.addi %rem3A, %select_n3A : i32
    %select_n3A_20 = arith.select %and3A, %add3A_19, %rem3A : i32
    %iota3A_21 = tpu.iota {dimensions = array<i32: 0>} : vector<8x1xi32>
    %eq3A_22 = vector.broadcast %select_n3A_20 : i32 to vector<8x1xi32>
    %eq3A_23 = arith.cmpi eq, %iota3A_21, %eq3A_22 : vector<8x1xi32>
    %convert_element_type3A_24 = arith.extui %eq3A_23 : vector<8x1xi1> to vector<8x1xi32>
    %convert_element_type3A_25 = arith.sitofp %convert_element_type3A_24 : vector<8x1xi32> to vector<8x1xf32>
    %mul3A_26 = vector.broadcast %convert_element_type3A_25 : vector<8x1xf32> to vector<8x768xf32>
    %mul3A_27 = vector.broadcast %broadcast_in_dim3A : vector<1x768xf32> to vector<8x768xf32>
    %mul3A_28 = arith.mulf %mul3A_26, %mul3A_27 : vector<8x768xf32>
    %sub3A = arith.constant 1 : i32
    %sub3A_29 = arith.subi %arg0, %sub3A : i32
    %max3A = arith.constant 0 : i32
    %max3A_30 = arith.maxsi %sub3A_29, %max3A : i32
    %eq3A_31 = arith.constant 0 : i32
    %eq3A_32 = arith.cmpi eq, %arg0, %eq3A_31 : i32
    %get3A_33 = arith.index_cast %arg0 : i32 to index
    %get3A_34 = memref.load %arg1[%get3A_33] : memref<8xi32, #tpu.memory_space<smem>>
    %jit3A_35 = arith.constant 8 : i32
    %div3A = arith.divsi %get3A_34, %jit3A_35 : i32
    %sign3A = arith.constant 0 : i32
    %sign3A_36 = arith.cmpi sgt, %get3A_34, %sign3A : i32
    %sign3A_37 = arith.extui %sign3A_36 : i1 to i32
    %sign3A_38 = arith.constant 0 : i32
    %sign3A_39 = arith.cmpi slt, %get3A_34, %sign3A_38 : i32
    %sign3A_40 = arith.extui %sign3A_39 : i1 to i32
    %sign3A_41 = arith.subi %sign3A_37, %sign3A_40 : i32
    %sign3A_42 = arith.constant 0 : i32
    %sign3A_43 = arith.cmpi sgt, %jit3A_35, %sign3A_42 : i32
    %sign3A_44 = arith.extui %sign3A_43 : i1 to i32
    %sign3A_45 = arith.constant 0 : i32
    %sign3A_46 = arith.cmpi slt, %jit3A_35, %sign3A_45 : i32
    %sign3A_47 = arith.extui %sign3A_46 : i1 to i32
    %sign3A_48 = arith.subi %sign3A_44, %sign3A_47 : i32
    %ne3A_49 = arith.cmpi ne, %sign3A_41, %sign3A_48 : i32
    %rem3A_50 = arith.remsi %get3A_34, %jit3A_35 : i32
    %ne3A_51 = arith.constant 0 : i32
    %ne3A_52 = arith.cmpi ne, %rem3A_50, %ne3A_51 : i32
    %and3A_53 = arith.andi %ne3A_49, %ne3A_52 : i1
    %sub3A_54 = arith.constant 1 : i32
    %sub3A_55 = arith.subi %div3A, %sub3A_54 : i32
    %select_n3A_56 = arith.select %and3A_53, %sub3A_55, %div3A : i32
    %get3A_57 = arith.index_cast %max3A_30 : i32 to index
    %get3A_58 = memref.load %arg1[%get3A_57] : memref<8xi32, #tpu.memory_space<smem>>
    %jit3A_59 = arith.constant 8 : i32
    %div3A_60 = arith.divsi %get3A_58, %jit3A_59 : i32
    %sign3A_61 = arith.constant 0 : i32
    %sign3A_62 = arith.cmpi sgt, %get3A_58, %sign3A_61 : i32
    %sign3A_63 = arith.extui %sign3A_62 : i1 to i32
    %sign3A_64 = arith.constant 0 : i32
    %sign3A_65 = arith.cmpi slt, %get3A_58, %sign3A_64 : i32
    %sign3A_66 = arith.extui %sign3A_65 : i1 to i32
    %sign3A_67 = arith.subi %sign3A_63, %sign3A_66 : i32
    %sign3A_68 = arith.constant 0 : i32
    %sign3A_69 = arith.cmpi sgt, %jit3A_59, %sign3A_68 : i32
    %sign3A_70 = arith.extui %sign3A_69 : i1 to i32
    %sign3A_71 = arith.constant 0 : i32
    %sign3A_72 = arith.cmpi slt, %jit3A_59, %sign3A_71 : i32
    %sign3A_73 = arith.extui %sign3A_72 : i1 to i32
    %sign3A_74 = arith.subi %sign3A_70, %sign3A_73 : i32
    %ne3A_75 = arith.cmpi ne, %sign3A_67, %sign3A_74 : i32
    %rem3A_76 = arith.remsi %get3A_58, %jit3A_59 : i32
    %ne3A_77 = arith.constant 0 : i32
    %ne3A_78 = arith.cmpi ne, %rem3A_76, %ne3A_77 : i32
    %and3A_79 = arith.andi %ne3A_75, %ne3A_78 : i1
    %sub3A_80 = arith.constant 1 : i32
    %sub3A_81 = arith.subi %div3A_60, %sub3A_80 : i32
    %select_n3A_82 = arith.select %and3A_79, %sub3A_81, %div3A_60 : i32
    %ne3A_83 = arith.cmpi ne, %select_n3A_56, %select_n3A_82 : i32
    %or3A = arith.ori %eq3A_32, %ne3A_83 : i1
    %convert_element_type3A_84 = arith.extui %or3A : i1 to i32
    %cond3A = arith.constant 0 : i32
    %cond3A_85 = arith.cmpi ne, %convert_element_type3A_84, %cond3A : i32
    scf.if %cond3A_85 {
      %get3A_90 = arith.constant 0 : index
      %get3A_91 = arith.constant 0 : index
      %get3A_92 = vector.load %arg2[%get3A_90, %get3A_91] : memref<8x768xf32, #tpu.memory_space<vmem>>, vector<8x768xf32>
      %add3A_93 = arith.addf %get3A_92, %mul3A_28 : vector<8x768xf32>
      %swap3A = arith.constant 0 : index
      %swap3A_94 = arith.constant 0 : index
      %swap3A_95 = vector.load %arg4[%swap3A, %swap3A_94] : memref<8x768xf32, #tpu.memory_space<vmem>>, vector<8x768xf32>
      tpu.vector_store %arg4[%swap3A, %swap3A_94], %add3A_93 {strides = array<i32>} : memref<8x768xf32, #tpu.memory_space<vmem>>, vector<8x768xf32>,
    } else {
    }
    %not3A = arith.constant true
    %not3A_86 = arith.xori %or3A, %not3A : i1
    %convert_element_type3A_87 = arith.extui %not3A_86 : i1 to i32
    %cond3A_88 = arith.constant 0 : i32
    %cond3A_89 = arith.cmpi ne, %convert_element_type3A_87, %cond3A_88 : i32
    scf.if %cond3A_89 {
      %get3A_90 = arith.constant 0 : index
      %get3A_91 = arith.constant 0 : index
      %get3A_92 = vector.load %arg4[%get3A_90, %get3A_91] : memref<8x768xf32, #tpu.memory_space<vmem>>, vector<8x768xf32>
      %add3A_93 = arith.addf %get3A_92, %mul3A_28 : vector<8x768xf32>
      %swap3A = arith.constant 0 : index
      %swap3A_94 = arith.constant 0 : index
      %swap3A_95 = vector.load %arg4[%swap3A, %swap3A_94] : memref<8x768xf32, #tpu.memory_space<vmem>>, vector<8x768xf32>
      tpu.vector_store %arg4[%swap3A, %swap3A_94], %add3A_93 {strides = array<i32>} : memref<8x768xf32, #tpu.memory_space<vmem>>, vector<8x768xf32>,
    } else {
    }
    return
  }
  func.func @transform_0(%arg0: i32, %arg1: memref<8xi32, #tpu.memory_space<smem>>) -> (i32, i32) {
    %get3A = arith.index_cast %arg0 : i32 to index
    %get3A_0 = memref.load %arg1[%get3A] : memref<8xi32, #tpu.memory_space<smem>>
    %jit3A = arith.constant 8 : i32
    %div3A = arith.divsi %get3A_0, %jit3A : i32
    %sign3A = arith.constant 0 : i32
    %sign3A_1 = arith.cmpi sgt, %get3A_0, %sign3A : i32
    %sign3A_2 = arith.extui %sign3A_1 : i1 to i32
    %sign3A_3 = arith.constant 0 : i32
    %sign3A_4 = arith.cmpi slt, %get3A_0, %sign3A_3 : i32
    %sign3A_5 = arith.extui %sign3A_4 : i1 to i32
    %sign3A_6 = arith.subi %sign3A_2, %sign3A_5 : i32
    %sign3A_7 = arith.constant 0 : i32
    %sign3A_8 = arith.cmpi sgt, %jit3A, %sign3A_7 : i32
    %sign3A_9 = arith.extui %sign3A_8 : i1 to i32
    %sign3A_10 = arith.constant 0 : i32
    %sign3A_11 = arith.cmpi slt, %jit3A, %sign3A_10 : i32
    %sign3A_12 = arith.extui %sign3A_11 : i1 to i32
    %sign3A_13 = arith.subi %sign3A_9, %sign3A_12 : i32
    %ne3A = arith.cmpi ne, %sign3A_6, %sign3A_13 : i32
    %rem3A = arith.remsi %get3A_0, %jit3A : i32
    %ne3A_14 = arith.constant 0 : i32
    %ne3A_15 = arith.cmpi ne, %rem3A, %ne3A_14 : i32
    %and3A = arith.andi %ne3A, %ne3A_15 : i1
    %sub3A = arith.constant 1 : i32
    %sub3A_16 = arith.subi %div3A, %sub3A : i32
    %select_n3A = arith.select %and3A, %sub3A_16, %div3A : i32
    %c0_i32 = arith.constant 0 : i32
    %c0_i32_17 = arith.constant 0 : i32
    return %select_n3A, %c0_i32 : i32, i32
  }
  func.func @transform_1(%arg0: i32, %arg1: memref<8xi32, #tpu.memory_space<smem>>) -> (i32, i32) {
    %c0_i32 = arith.constant 0 : i32
    %c0_i32_0 = arith.constant 0 : i32
    %c0_i32_1 = arith.constant 0 : i32
    return %c0_i32, %c0_i32_0 : i32, i32
  }
  func.func @transform_2(%arg0: i32, %arg1: memref<8xi32, #tpu.memory_space<smem>>) -> (i32, i32) {
    %get3A = arith.index_cast %arg0 : i32 to index
    %get3A_0 = memref.load %arg1[%get3A] : memref<8xi32, #tpu.memory_space<smem>>
    %jit3A = arith.constant 8 : i32
    %div3A = arith.divsi %get3A_0, %jit3A : i32
    %sign3A = arith.constant 0 : i32
    %sign3A_1 = arith.cmpi sgt, %get3A_0, %sign3A : i32
    %sign3A_2 = arith.extui %sign3A_1 : i1 to i32
    %sign3A_3 = arith.constant 0 : i32
    %sign3A_4 = arith.cmpi slt, %get3A_0, %sign3A_3 : i32
    %sign3A_5 = arith.extui %sign3A_4 : i1 to i32
    %sign3A_6 = arith.subi %sign3A_2, %sign3A_5 : i32
    %sign3A_7 = arith.constant 0 : i32
    %sign3A_8 = arith.cmpi sgt, %jit3A, %sign3A_7 : i32
    %sign3A_9 = arith.extui %sign3A_8 : i1 to i32
    %sign3A_10 = arith.constant 0 : i32
    %sign3A_11 = arith.cmpi slt, %jit3A, %sign3A_10 : i32
    %sign3A_12 = arith.extui %sign3A_11 : i1 to i32
    %sign3A_13 = arith.subi %sign3A_9, %sign3A_12 : i32
    %ne3A = arith.cmpi ne, %sign3A_6, %sign3A_13 : i32
    %rem3A = arith.remsi %get3A_0, %jit3A : i32
    %ne3A_14 = arith.constant 0 : i32
    %ne3A_15 = arith.cmpi ne, %rem3A, %ne3A_14 : i32
    %and3A = arith.andi %ne3A, %ne3A_15 : i1
    %sub3A = arith.constant 1 : i32
    %sub3A_16 = arith.subi %div3A, %sub3A : i32
    %select_n3A = arith.select %and3A, %sub3A_16, %div3A : i32
    %c0_i32 = arith.constant 0 : i32
    %c0_i32_17 = arith.constant 0 : i32
    return %select_n3A, %c0_i32 : i32, i32
  }
}

</mosaic_0001>

<sc_bundles>
// kernel: kernel.12.cloned.1.call-start
scs
__scs_entry_jumppad:
0x0: {  	(pc) =	sbr.rel $0x88, $3  }
0x1: {  	(tag) =	ssettag $0x0;
	lr =	simm.s32 $0x1  }
0x2: {  	[smem:$0x3F8E] =	sst lr;
	_ =	strace $0xD0000000  }
0x3: {  	_ = 	snop  }
0x4: {  	_ = 	snop  }
0x5: {  	_ = 	snop  }
0x6: {  	_ = 	snop  }
0x7: {  	_ = 	snop  }
__scs_overlays_trampoline_lowered:
0x8: {  	[smem:$0x3F9D] =	sst s0  }
0x9: {  	[smem:$0x3F9E] =	sst s1  }
0xa: {  	[smem:$0x3F9F] =	sst s2  }
0xb: {  	[smem:$0x3FA0] =	sst s3  }
0xc: {  	[smem:$0x3FA1] =	sst s4  }
0xd: {  	[smem:$0x3FA2] =	sst s5  }
0xe: {  	[smem:$0x3FA3] =	sst s6  }
0xf: {  	[smem:$0x3FA4] =	sst s7  }
0x10: {  	[smem:$0x3FA5] =	sst s8  }
0x11: {  	[smem:$0x3FA6] =	sst s9;
	s0 =	simm.s32 @!p0 $0x0  }
0x12: {  	s1 =	sld [smem:$0x3F8C];
	s0 =	simm.s32 @p0 $0x1  }
0x13: {  	[smem:$0x3FA7] =	sst s0;
	s0 =	simm.s32 @!p1 $0x0  }
0x14: {  	s2 =	sld [smem:$0x3F8B];
	s0 =	simm.s32 @p1 $0x1  }
0x15: {  	[smem:$0x3FA8] =	sst s0;
	s0 =	simm.s32 @!p2 $0x0  }
0x16: {  	s3 =	sld [smem:$0x3FDB];
	s0 =	simm.s32 @p2 $0x1  }
0x17: {  	s4 =	simm.s32 $0x1BF5;
	[smem:$0x3FAA] =	sst s0  }
0x18: {  	s0 =	sld [smem:$0x3F8D];
	_ =	swait.ge [sflag:s4], $0x0  }
0x19: {  	s7 =	sld [smem:$0x3F8E]  }
0x1a: {  	s8 =	sadd.s32 $0xFFFFE003, lr  }
0x1b: {  	s9 =	sadd.s32 $0xFFFFFEF7, lr;
	s5 =	simm.s32 $0xFFFFFFFF;
	p2 =	slt.u32 s8, $0xFFFFF086  }
0x1c: {  	p1 =	slt.u32 s9, $0xF7A;
	s5 =	simm.s32 @!p2 $0x0  }
0x1d: {  	s5 =	simm.s32 @p1 $0x1;
	p0 =	seq.s32 s7, s2  }
0x1e: {  	s7 =	smul.u32 @!p0 $0xF7A, s2;
	p2 =	seq.s32 @!p0 s5, $0x0  }
0x1f: {  	s9 =	smul.u32 $0xF7A, s1;
	s8 =	simm.s32 @!p0 $0x1BF5;
	p2 =	por !p2, p0  }
0x20: {  	[sflag:s8] =	ssyncset.s32 @!p0 $0xFFFFF086;
	s6 =	sadd.s32 @!p0 s3, s7;
	s7 =	simm.s32 @!p0 $0x108  }
0x21: {  	s3 =	sadd.s32 s3, s9;
	s6 =	sadd.s32 @!p0 $0x88, s6;
	s7 =	simm.s32 @p2 $0x1082  }
0x22: {  	[simem:s7], [sflag:s8] =	dma.local @!p0 [hbm:s6], $0xF7A  }
0x23: {  	s9 =	sor.u32 $0xD0000000, s2;
	s6 =	simm.s32 $0x108;
	_ =	swait.ge @!p0 [sflag:s8], $0x0  }
0x24: {  	s3 =	sadd.s32 $0x88, s3;
	s6 =	simm.s32 @!p1 $0x1082;
	[sflag:s4] =	ssyncset.s32 $0xFFFFF086  }
0x25: {  	[simem:s6], [sflag:s4] =	dma.local [hbm:s3], $0xF7A  }
0x26: {  	[smem:$0x3F8E] =	sst s1;
	(tag) =	ssettag s2;
	_ =	strace s9  }
0x27: {  	s1 =	sld [smem:$0x3F9E]  }
0x28: {  	s2 =	sld [smem:$0x3F9F]  }
0x29: {  	s4 =	sld [smem:$0x3FA1]  }
0x2a: {  	p0 =	seq.s32 s5, $0x0;
	s5 =	sld [smem:$0x3FA2]  }
0x2b: {  	s6 =	sld [smem:$0x3FA3]  }
0x2c: {  	s7 =	sld [smem:$0x3FA4]  }
0x2d: {  	s3 =	simm.s32 $0x108;
	s8 =	sld [smem:$0x3FA5]  }
0x2e: {  	s3 =	simm.s32 @!p0 $0x1082;
	s9 =	sld [smem:$0x3FA6]  }
0x2f: {  	lr =	sadd.s32 s0, s3;
	s0 =	sld [smem:$0x3F9D]  }
0x30: {  	s3 =	sld [smem:$0x3FA0]  }
0x31: {  	[smem:$0x3FA9] =	sst s10  }
0x32: {  	s10 =	sld [smem:$0x3FA7];
	_ =	sdelay $0x3  }
0x33: {  	p0 =	seq.s32 s10, $0x1;
	s10 =	sld [smem:$0x3FA9];
	_ =	sdelay $0x3  }
0x34: {  	[smem:$0x3FA9] =	sst s10  }
0x35: {  	s10 =	sld [smem:$0x3FA8];
	_ =	sdelay $0x3  }
0x36: {  	p1 =	seq.s32 s10, $0x1;
	s10 =	sld [smem:$0x3FA9];
	_ =	sdelay $0x3  }
0x37: {  	[smem:$0x3FA9] =	sst s10  }
0x38: {  	s10 =	sld [smem:$0x3FAA]  }
0x39: {  	_ = 	snop;
	(pc) =	sbr.ind lr, $3  }
0x3a: {  	_ = 	snop  }
0x3b: {  	_ = 	snop  }
0x3c: {  	p2 =	seq.s32 s10, $0x1;
	s10 =	sld [smem:$0x3FA9]  }
0x3d: {  	_ =	shalt  }
0x3e: {  	_ =	shalt  }
0x3f: {  	_ =	shalt  }
0x40: {  	_ =	shalt  }
0x41: {  	_ =	shalt  }
0x42: {  	_ =	shalt  }
0x43: {  	_ =	shalt  }
0x44: {  	_ =	shalt  }
0x45: {  	_ =	shalt  }
0x46: {  	_ =	shalt  }
0x47: {  	_ =	shalt  }
0x48: {  	_ =	shalt  }
0x49: {  	_ =	shalt  }
0x4a: {  	_ =	shalt  }
0x4b: {  	_ =	shalt  }
0x4c: {  	_ =	shalt  }
0x4d: {  	_ =	shalt  }
0x4e: {  	_ =	shalt  }
0x4f: {  	_ =	shalt  }
0x50: {  	_ =	shalt  }
0x51: {  	_ =	shalt  }
0x52: {  	_ =	shalt  }
0x53: {  	_ =	shalt  }
0x54: {  	_ =	shalt  }
0x55: {  	_ =	shalt  }
0x56: {  	_ =	shalt  }
0x57: {  	_ =	shalt  }
0x58: {  	_ =	shalt  }
0x59: {  	_ =	shalt  }
0x5a: {  	_ =	shalt  }
0x5b: {  	_ =	shalt  }
0x5c: {  	_ =	shalt  }
0x5d: {  	_ =	shalt  }
0x5e: {  	_ =	shalt  }
0x5f: {  	_ =	shalt  }
0x60: {  	_ =	shalt  }
0x61: {  	_ =	shalt  }
0x62: {  	_ =	shalt  }
0x63: {  	_ =	shalt  }
0x64: {  	_ =	shalt  }
0x65: {  	_ =	shalt  }
0x66: {  	_ =	shalt  }
0x67: {  	_ =	shalt  }
0x68: {  	_ =	shalt  }
0x69: {  	_ =	shalt  }
0x6a: {  	_ =	shalt  }
0x6b: {  	_ =	shalt  }
0x6c: {  	_ =	shalt  }
0x6d: {  	_ =	shalt  }
0x6e: {  	_ =	shalt  }
0x6f: {  	_ =	shalt  }
0x70: {  	_ =	shalt  }
0x71: {  	_ =	shalt  }
0x72: {  	_ =	shalt  }
0x73: {  	_ =	shalt  }
0x74: {  	_ =	shalt  }
0x75: {  	_ =	shalt  }
0x76: {  	_ =	shalt  }
0x77: {  	_ =	shalt  }
0x78: {  	_ =	shalt  }
0x79: {  	_ =	shalt  }
0x7a: {  	_ =	shalt  }
0x7b: {  	_ =	shalt  }
0x7c: {  	_ =	shalt  }
0x7d: {  	_ =	shalt  }
0x7e: {  	_ =	shalt  }
0x7f: {  	_ =	shalt  }
0x80: {  	_ =	shalt  }
0x81: {  	_ =	shalt  }
0x82: {  	_ =	shalt  }
0x83: {  	_ =	shalt  }
0x84: {  	_ =	shalt  }
0x85: {  	_ =	shalt  }
0x86: {  	_ =	shalt  }
0x87: {  	_ =	shalt  }
.Lfunc_end0:
.L_simem_size_0:
called_computation_lowered:
.L_overlay_start_0:
0x88: {  	s2 =	sld [smem:$0x3FD9]  }
0x89: {  	s3 =	sld [smem:$0x3FFE];
	_ =	sdelay $0x1  }
0x8a: {  	s1 =	srdreg.scid  }
0x8b: {  	s0 =	sand.u32 $0x1, s1  }
0x8c: {  	s17 =	sshll.u32 s0, $0xA;
	s2 =	sadd.s32 s3, s2  }
0x8d: {  	s2 =	sadd.s32 s2, s17  }
0x8e: {  	[smem:$0x3FB5] =	sst s2  }
0x8f: {  	_ = 	snop  }
0x90: {  	s2 =	sld [smem:$0x3FC9]  }
0x91: {  	s18 =	sld [smem:$0x3FC8];
	(tm) =	ssettm $0x1  }
0x92: {  	s4 =	sld [smem:$0x3FFB];
	_ =	sdelay $0x3  }
0x93: {  	_ =	strace s4  }
0x94: {  	s4 =	sld [smem:$0x3FFC];
	_ =	sdelay $0x3  }
0x95: {  	_ =	strace s4  }
0x96: {  	s4 =	sld [smem:$0x3FFD];
	_ =	sdelay $0x3  }
0x97: {  	_ =	strace s4  }
0x98: {  	_ =	strace $0x8FFFFFFF  }
0x99: {  	s19 =	sld [smem:$0x3FDB];
	_ =	sdelay $0x1  }
0x9a: {  	s5 =	simm.s32 $_scs_section_size  }
0x9b: {  	s6 =	simm.s32 $_size__tile_overlayer_lowered;
	s7 =	simm.s32 $_tile_overlayer_lowered  }
0x9c: {  	s22 =	simm.s32 $0x1BFF;
	s21 =	sshll.u32 s7, $0x1;
	s4 =	sadd.s32 s5, s19  }
0x9d: {  	s8 =	simm.s32 $0x0;
	s20 =	sshll.u32 s6, $0x1;
	s6 =	sadd.s32 s21, s4  }
0x9e: {  	[timem:s8], [sflag:s22] =	dma.local [hbm:s6], s20  }
0x9f: {  	_ =	swait.ge [sflag:s22], s20  }
0xa0: {  	s5 =	ssub.s32 $0x0, s20;
	[sflag:s22] =	ssyncset.done $0x0  }
0xa1: {  	[sflag:s22] =	ssyncadd.s32 s5;
	_ =	sdelay $0x1  }
0xa2: {  	s23 =	simm.s32 $0x1B8B  }
0xa3: {  	_ =	swait.ge [sflag:s23], $0x1  }
0xa4: {  	[sflag:s23] =	ssyncset.done $0x0  }
0xa5: {  	s25 =	simm.s32 $0x1B8E;
	s24 =	sld [smem:$0x3FFE];
	[sflag:s23] =	ssyncadd.s32 $0xFFFFFFFF  }
0xa6: {  	s26 =	simm.s32 $execute0_lowered;
	[smem:$0x3FD2] =	sst s25  }
0xa7: {  	s6 =	sshll.u32 s26, $0x1;
	_ =	strace $0x80000046;
	[dreg:$0x1] =	wrdreg $0xFFFFFFFF  }
0xa8: {  	s28 =	simm.s32 $_size_execute0_lowered;
	s4 =	sadd.s32 s4, s6;
	[dreg:$0x0] =	wrdreg $0x0  }
0xa9: {  	s6 =	sshll.u32 s28, $0x1;
	[dreg:$0x2] =	wrdreg s4  }
0xaa: {  	[dreg:$0x3] =	wrdreg s6  }
0xab: {  	[dreg:$0x4] =	wrdreg $0xC0  }
0xac: {  	_ =	task [dreg:s8], $0x5FFFF  }
0xad: {  	[dreg:$0x1] =	wrdreg $0xFFFFFFFF  }
0xae: {  	[dreg:$0x0] =	wrdreg $0x60  }
0xaf: {  	[dreg:$0x2] =	wrdreg s18  }
0xb0: {  	[dreg:$0x3] =	wrdreg s2  }
0xb1: {  	[dreg:$0x4] =	wrdreg s24  }
0xb2: {  	[dreg:$0x5] =	wrdreg $0x9  }
0xb3: {  	_ =	task.clear_ibuf [dreg:s8], $0x6FFFF;
	_ =	strace $0x90000046  }
0xb4: {  	s29 =	simm.s32 $0x9;
	_ =	strace $0x80000048  }
0xb5: {  	_ =	swait.ge [sflag:s29], $0x1  }
0xb6: {  	[sflag:s29] =	ssyncadd.s32 $0xFFFFFFFF  }
0xb7: {  	_ =	strace $0x90000048  }
0xb8: {  	_ =	sfence  }
0xb9: {  	s30 =	sld [smem:$0x0];
	_ =	sdelay $0x2  }
0xba: {  	s31 =	sshll.u32 s1, $0xD;
	s1 =	sshrl.u32 s1, $0x2  }
0xbb: {  	s3 =	sand.u32 $0x4000, s31;
	s1 =	sadd.s32 s1, s30  }
0xbc: {  	s0 =	sor.u32 s3, s0;
	s1 =	sshll.u32 s1, $0x11  }
0xbd: {  	s0 =	sor.u32 s1, s0  }
0xbe: {  	s0 =	sadd.s32 $0x8F2B, s0  }
0xbf: {  	[sflag:s0] =	ssyncadd.remote.s32 $0x1  }
0xc0: {  	_ =	sfence.sel $0xFFFF  }
0xc1: {  	[dreg:$0x0] =	wrdreg $0xFFFFFFFF;
	(pc) =	sbr.abs _section_cstart, $3  }
0xc2: {  	[dreg:$0x1] =	wrdreg $0xFFFFFFFF  }
0xc3: {  	_ =	task.clear_ibuf [dreg:s8], $0x2FFFF;
	_ =	strace $0x9FFFFFFF  }
0xc4: {  	(tm) =	ssettm $0x7FFFFFFF  }
0xc5: {  	_ =	shalt  }
tec
execute0_lowered:
.L_overlay_start_1:
0x0: {  	(tag) =	ssettag $0x1  }
0x1: {  	s1 =	rddreg [dreg:$0x0]  }
0x2: {  	s0 =	srdreg.scid;
	s2 =	rddreg [dreg:$0x1]  }
0x3: {  	s3 =	stileid.u32;
	s5 =	rddreg [dreg:$0x2];
	s15 =	simm.s32 $0x900  }
0x4: {  	s16 =	simm.s32 $0x1100;
	s17 =	simm.s32 $0x1900;
	s18 =	simm.s32 $0x2100  }
0x5: {  	s19 =	simm.s32 $0x2900;
	s20 =	simm.s32 $0x3100;
	s21 =	simm.s32 $0x3900  }
0x6: {  	s28 =	simm.s32 $0x6900;
	s29 =	simm.s32 $0x7100;
	s30 =	simm.s32 $0x7900  }
0x7: {  	s31 =	simm.s32 $0x8100;
	s9 =	simm.s32 $0xA100;
	s10 =	simm.s32 $0xB100  }
0x8: {  	s11 =	simm.s32 $0xB900;
	s12 =	simm.s32 $0xC100;
	s0 =	sand.u32 $0x1, s0  }
0x9: {  	s13 =	simm.s32 $0x1;
	s3 =	sshll.u32 s3, $0x6;
	s4 =	sshll.u32 s0, $0x5  }
0xa: {  	s5 =	sadd.s32 $0x7C00, s5;
	s0 =	ssub.s32 $0x2, s0;
	s4 =	sor.u32 s4, s3  }
0xb: {  	s3 =	simm.s32 $0x0;
	s24 =	sshrl.u32 s0, $0x1;
	s6 =	smul.u32 $0x300, s4  }
0xc: {  	[smem:$0x7FF] =	sst s3;
	s7 =	smul.u32 $0x1800, s4;
	s2 =	sadd.s32 s2, s4  }
0xd: {  	s0 =	ssub.s32 s0, s24;
	s24 =	simm.s32 $0x5100;
	_ =	strace $0x80000047  }
0xe: {  	[dreg:$0x4] =	wrdreg s2;
	s8 =	smax.u32 s0, $0x1;
	s6 =	sadd.s32 s5, s6  }
0xf: {  	s22 =	sshrl.u32 s7, $0x3;
	[dreg:$0x8] =	wrdreg s6;
	s23 =	sadd.s32 $0x1800, s6  }
0x10: {  	s4 =	sadd.s32 s5, s22;
	s5 =	sadd.s32 $0x100, s1;
	s6 =	sadd.s32 $0x200, s1  }
0x11: {  	v2 =	vlaneseq.u32;
	s22 =	simm.s32 $0x4100;
	[dreg:$0x5] =	wrdreg s23;
	s25 =	sadd.s32 $0x3000, s4  }
0x12: {  	vm0 =	vmmov $0xffff;
	v1 =	vshrl.u32 v2, $0x3;
	s26 =	sadd.s32 $0x4800, s4;
	s23 =	simm.s32 $0x4900;
	[dreg:$0x6] =	wrdreg s25  }
0x13: {  	v0 =	vand.u32 $0x7, v2;
	v2 =	vor.u32 $0x8, v2;
	v1 =	vmul.u32 $0x8, v1;
	[dreg:$0x7] =	wrdreg s26;
	s25 =	simm.s32 $0x5900;
	s26 =	simm.s32 $0x6100  }
.LBB2_1:
0x14: {  	s14 =	rddreg [dreg:$0x4];
	s0 =	simm.s32 $0x5  }
0x15: {  	[tilespmem:s3], [sflag:$0x5] =	stream.linear.gather [hbm4b:s14+s3], $0x100, $0x38;
	[tilespmem:$0x18100] =	vst v63  }
0x16: {  	_ =	swait.ge [sflag:s0], $0x100  }
0x17: {  	[sflag:s0] =	ssyncset.done $0x0  }
0x18: {  	[sflag:s0] =	ssyncadd.s32 $0xFFFFFF00  }
0x19: {  	v3 =	vld [tilespmem:$0x0];
	_ =	sdelay $0x4  }
0x1a: {  	v4 =	vshrl.u32 v3, $0x3  }
0x1b: {  	v4 =	vmul.u32 $0x30, v4  }
0x1c: {  	v3 =	vand.u32 $0x7, v3  }
0x1d: {  	v3 =	vor.u32 v3, v4  }
0x1e: {  	v4 =	vperm.xlane v3, v0;
	_ =	sdelay $0x1  }
0x1f: {  	v4 =	vadd.s32 v1, v4;
	_ =	sdelay $0x3  }
0x20: {  	s2 =	simm.s32 $0x100;
	v3 =	vperm.xlane v3, v2  }
0x21: {  	[tilespmem:s2], [sflag:$0x1] =	stream.indirect_vreg.gather [hbm4b:s1+s3], $0x80, v4, vm0, $0xb8;
	[tilespmem:$0x18100] =	vst v63  }
0x22: {  	v3 =	vadd.s32 v1, v3  }
0x23: {  	[tilespmem:s15], [sflag:$0x1] =	stream.indirect_vreg.gather [hbm4b:s5+s3], $0x80, v4, vm0, $0xb8;
	[tilespmem:$0x18100] =	vst v63  }
0x24: {  	_ = 	snop  }
0x25: {  	[tilespmem:s16], [sflag:$0x1] =	stream.indirect_vreg.gather [hbm4b:s6+s3], $0x80, v4, vm0, $0xb8;
	[tilespmem:$0x18100] =	vst v63  }
0x26: {  	_ = 	snop  }
0x27: {  	[tilespmem:s17], [sflag:$0x1] =	stream.indirect_vreg.gather [hbm4b:s1+s3], $0x80, v3, vm0, $0xb8;
	[tilespmem:$0x18100] =	vst v63  }
0x28: {  	_ = 	snop  }
0x29: {  	[tilespmem:s18], [sflag:$0x1] =	stream.indirect_vreg.gather [hbm4b:s5+s3], $0x80, v3, vm0, $0xb8;
	[tilespmem:$0x18100] =	vst v63  }
0x2a: {  	_ = 	snop  }
0x2b: {  	[tilespmem:s19], [sflag:$0x1] =	stream.indirect_vreg.gather [hbm4b:s6+s3], $0x80, v3, vm0, $0xb8;
	[tilespmem:$0x18100] =	vst v63  }
0x2c: {  	v3 =	vld [tilespmem:$0x10];
	_ =	sdelay $0x4  }
0x2d: {  	v49 =	vshrl.u32 v3, $0x3  }
0x2e: {  	v4 =	vmul.u32 $0x30, v49  }
0x2f: {  	v3 =	vand.u32 $0x7, v3  }
0x30: {  	v3 =	vor.u32 v3, v4  }
0x31: {  	v4 =	vperm.xlane v3, v0;
	_ =	sdelay $0x1  }
0x32: {  	v4 =	vadd.s32 v1, v4;
	_ =	sdelay $0x3  }
0x33: {  	v3 =	vperm.xlane v3, v2  }
0x34: {  	[tilespmem:s20], [sflag:$0x1] =	stream.indirect_vreg.gather [hbm4b:s1+s3], $0x80, v4, vm0, $0xb8;
	[tilespmem:$0x18100] =	vst v63  }
0x35: {  	v3 =	vadd.s32 v1, v3  }
0x36: {  	[tilespmem:s21], [sflag:$0x1] =	stream.indirect_vreg.gather [hbm4b:s5+s3], $0x80, v4, vm0, $0xb8;
	[tilespmem:$0x18100] =	vst v63  }
0x37: {  	_ = 	snop  }
0x38: {  	[tilespmem:s22], [sflag:$0x1] =	stream.indirect_vreg.gather [hbm4b:s6+s3], $0x80, v4, vm0, $0xb8;
	[tilespmem:$0x18100] =	vst v63  }
0x39: {  	_ = 	snop  }
0x3a: {  	[tilespmem:s23], [sflag:$0x1] =	stream.indirect_vreg.gather [hbm4b:s1+s3], $0x80, v3, vm0, $0xb8;
	[tilespmem:$0x18100] =	vst v63  }
0x3b: {  	_ = 	snop  }
0x3c: {  	[tilespmem:s24], [sflag:$0x1] =	stream.indirect_vreg.gather [hbm4b:s5+s3], $0x80, v3, vm0, $0xb8;
	[tilespmem:$0x18100] =	vst v63  }
0x3d: {  	_ = 	snop  }
0x3e: {  	[tilespmem:s25], [sflag:$0x1] =	stream.indirect_vreg.gather [hbm4b:s6+s3], $0x80, v3, vm0, $0xb8;
	[tilespmem:$0x18100] =	vst v63  }
0x3f: {  	v3 =	vld [tilespmem:$0x20];
	_ =	sdelay $0x4  }
0x40: {  	v50 =	vshrl.u32 v3, $0x3  }
0x41: {  	v4 =	vmul.u32 $0x30, v50  }
0x42: {  	v3 =	vand.u32 $0x7, v3  }
0x43: {  	v3 =	vor.u32 v3, v4  }
0x44: {  	v4 =	vperm.xlane v3, v0;
	_ =	sdelay $0x1  }
0x45: {  	v4 =	vadd.s32 v1, v4;
	_ =	sdelay $0x3  }
0x46: {  	v3 =	vperm.xlane v3, v2  }
0x47: {  	[tilespmem:s26], [sflag:$0x1] =	stream.indirect_vreg.gather [hbm4b:s1+s3], $0x80, v4, vm0, $0xb8;
	[tilespmem:$0x18100] =	vst v63  }
0x48: {  	v3 =	vadd.s32 v1, v3  }
0x49: {  	[tilespmem:s28], [sflag:$0x1] =	stream.indirect_vreg.gather [hbm4b:s5+s3], $0x80, v4, vm0, $0xb8;
	[tilespmem:$0x18100] =	vst v63  }
0x4a: {  	_ = 	snop  }
0x4b: {  	[tilespmem:s29], [sflag:$0x1] =	stream.indirect_vreg.gather [hbm4b:s6+s3], $0x80, v4, vm0, $0xb8;
	[tilespmem:$0x18100] =	vst v63  }
0x4c: {  	_ = 	snop  }
0x4d: {  	[tilespmem:s30], [sflag:$0x1] =	stream.indirect_vreg.gather [hbm4b:s1+s3], $0x80, v3, vm0, $0xb8;
	[tilespmem:$0x18100] =	vst v63  }
0x4e: {  	_ = 	snop  }
0x4f: {  	[tilespmem:s31], [sflag:$0x1] =	stream.indirect_vreg.gather [hbm4b:s5+s3], $0x80, v3, vm0, $0xb8;
	[tilespmem:$0x18100] =	vst v63  }
0x50: {  	s2 =	simm.s32 $0x8900  }
0x51: {  	[tilespmem:s2], [sflag:$0x1] =	stream.indirect_vreg.gather [hbm4b:s6+s3], $0x80, v3, vm0, $0xb8;
	[tilespmem:$0x18100] =	vst v63  }
0x52: {  	v3 =	vld [tilespmem:$0x30];
	_ =	sdelay $0x4  }
0x53: {  	v51 =	vshrl.u32 v3, $0x3  }
0x54: {  	v4 =	vmul.u32 $0x30, v51  }
0x55: {  	v3 =	vand.u32 $0x7, v3  }
0x56: {  	v3 =	vor.u32 v3, v4  }
0x57: {  	v4 =	vperm.xlane v3, v0;
	_ =	sdelay $0x1  }
0x58: {  	v4 =	vadd.s32 v1, v4;
	_ =	sdelay $0x3  }
0x59: {  	s4 =	simm.s32 $0x9100;
	v3 =	vperm.xlane v3, v2  }
0x5a: {  	[tilespmem:s4], [sflag:$0x1] =	stream.indirect_vreg.gather [hbm4b:s1+s3], $0x80, v4, vm0, $0xb8;
	[tilespmem:$0x18100] =	vst v63  }
0x5b: {  	s7 =	simm.s32 $0x9900;
	v3 =	vadd.s32 v1, v3  }
0x5c: {  	[tilespmem:s7], [sflag:$0x1] =	stream.indirect_vreg.gather [hbm4b:s5+s3], $0x80, v4, vm0, $0xb8;
	[tilespmem:$0x18100] =	vst v63  }
0x5d: {  	_ = 	snop  }
0x5e: {  	[tilespmem:s9], [sflag:$0x1] =	stream.indirect_vreg.gather [hbm4b:s6+s3], $0x80, v4, vm0, $0xb8;
	[tilespmem:$0x18100] =	vst v63  }
0x5f: {  	s4 =	simm.s32 $0xA900  }
0x60: {  	[tilespmem:s4], [sflag:$0x1] =	stream.indirect_vreg.gather [hbm4b:s1+s3], $0x80, v3, vm0, $0xb8;
	[tilespmem:$0x18100] =	vst v63  }
0x61: {  	_ = 	snop  }
0x62: {  	[tilespmem:s10], [sflag:$0x1] =	stream.indirect_vreg.gather [hbm4b:s5+s3], $0x80, v3, vm0, $0xb8;
	[tilespmem:$0x18100] =	vst v63  }
0x63: {  	_ = 	snop  }
0x64: {  	[tilespmem:s11], [sflag:$0x1] =	stream.indirect_vreg.gather [hbm4b:s6+s3], $0x80, v3, vm0, $0xb8;
	[tilespmem:$0x18100] =	vst v63  }
0x65: {  	v3 =	vld [tilespmem:$0x40];
	_ =	sdelay $0x4  }
0x66: {  	v52 =	vshrl.u32 v3, $0x3  }
0x67: {  	v4 =	vmul.u32 $0x30, v52  }
0x68: {  	v3 =	vand.u32 $0x7, v3  }
0x69: {  	v3 =	vor.u32 v3, v4  }
0x6a: {  	v4 =	vperm.xlane v3, v0;
	_ =	sdelay $0x1  }
0x6b: {  	v4 =	vadd.s32 v1, v4;
	_ =	sdelay $0x3  }
0x6c: {  	v3 =	vperm.xlane v3, v2  }
0x6d: {  	[tilespmem:s12], [sflag:$0x2] =	stream.indirect_vreg.gather [hbm4b:s1+s3], $0x80, v4, vm0, $0xb8;
	[tilespmem:$0x18100] =	vst v63  }
0x6e: {  	s14 =	simm.s32 $0xC900;
	v3 =	vadd.s32 v1, v3  }
0x6f: {  	[tilespmem:s14], [sflag:$0x2] =	stream.indirect_vreg.gather [hbm4b:s5+s3], $0x80, v4, vm0, $0xb8;
	[tilespmem:$0x18100] =	vst v63  }
0x70: {  	s7 =	simm.s32 $0xD100  }
0x71: {  	[tilespmem:s7], [sflag:$0x2] =	stream.indirect_vreg.gather [hbm4b:s6+s3], $0x80, v4, vm0, $0xb8;
	[tilespmem:$0x18100] =	vst v63  }
0x72: {  	s14 =	simm.s32 $0xD900  }
0x73: {  	[tilespmem:s14], [sflag:$0x2] =	stream.indirect_vreg.gather [hbm4b:s1+s3], $0x80, v3, vm0, $0xb8;
	[tilespmem:$0x18100] =	vst v63  }
0x74: {  	s7 =	simm.s32 $0xE100  }
0x75: {  	[tilespmem:s7], [sflag:$0x2] =	stream.indirect_vreg.gather [hbm4b:s5+s3], $0x80, v3, vm0, $0xb8;
	[tilespmem:$0x18100] =	vst v63  }
0x76: {  	s14 =	simm.s32 $0xE900  }
0x77: {  	[tilespmem:s14], [sflag:$0x2] =	stream.indirect_vreg.gather [hbm4b:s6+s3], $0x80, v3, vm0, $0xb8;
	[tilespmem:$0x18100] =	vst v63  }
0x78: {  	v3 =	vld [tilespmem:$0x50];
	_ =	sdelay $0x4  }
0x79: {  	v53 =	vshrl.u32 v3, $0x3  }
0x7a: {  	v4 =	vmul.u32 $0x30, v53  }
0x7b: {  	v3 =	vand.u32 $0x7, v3  }
0x7c: {  	v3 =	vor.u32 v3, v4  }
0x7d: {  	v4 =	vperm.xlane v3, v0;
	_ =	sdelay $0x1  }
0x7e: {  	v4 =	vadd.s32 v1, v4;
	_ =	sdelay $0x3  }
0x7f: {  	s7 =	simm.s32 $0xF100;
	v3 =	vperm.xlane v3, v2  }
0x80: {  	[tilespmem:s7], [sflag:$0x2] =	stream.indirect_vreg.gather [hbm4b:s1+s3], $0x80, v4, vm0, $0xb8;
	[tilespmem:$0x18100] =	vst v63  }
0x81: {  	s14 =	simm.s32 $0xF900;
	v3 =	vadd.s32 v1, v3  }
0x82: {  	[tilespmem:s14], [sflag:$0x2] =	stream.indirect_vreg.gather [hbm4b:s5+s3], $0x80, v4, vm0, $0xb8;
	[tilespmem:$0x18100] =	vst v63  }
0x83: {  	s7 =	simm.s32 $0x10100  }
0x84: {  	[tilespmem:s7], [sflag:$0x2] =	stream.indirect_vreg.gather [hbm4b:s6+s3], $0x80, v4, vm0, $0xb8;
	[tilespmem:$0x18100] =	vst v63  }
0x85: {  	s14 =	simm.s32 $0x10900  }
0x86: {  	[tilespmem:s14], [sflag:$0x2] =	stream.indirect_vreg.gather [hbm4b:s1+s3], $0x80, v3, vm0, $0xb8;
	[tilespmem:$0x18100] =	vst v63  }
0x87: {  	s7 =	simm.s32 $0x11100  }
0x88: {  	[tilespmem:s7], [sflag:$0x2] =	stream.indirect_vreg.gather [hbm4b:s5+s3], $0x80, v3, vm0, $0xb8;
	[tilespmem:$0x18100] =	vst v63  }
0x89: {  	s14 =	simm.s32 $0x11900  }
0x8a: {  	[tilespmem:s14], [sflag:$0x2] =	stream.indirect_vreg.gather [hbm4b:s6+s3], $0x80, v3, vm0, $0xb8;
	[tilespmem:$0x18100] =	vst v63  }
0x8b: {  	v3 =	vld [tilespmem:$0x60];
	_ =	sdelay $0x4  }
0x8c: {  	v54 =	vshrl.u32 v3, $0x3  }
0x8d: {  	v4 =	vmul.u32 $0x30, v54  }
0x8e: {  	v3 =	vand.u32 $0x7, v3  }
0x8f: {  	v3 =	vor.u32 v3, v4  }
0x90: {  	v4 =	vperm.xlane v3, v0;
	_ =	sdelay $0x1  }
0x91: {  	v4 =	vadd.s32 v1, v4;
	_ =	sdelay $0x3  }
0x92: {  	s7 =	simm.s32 $0x12100;
	v3 =	vperm.xlane v3, v2  }
0x93: {  	[tilespmem:s7], [sflag:$0x2] =	stream.indirect_vreg.gather [hbm4b:s1+s3], $0x80, v4, vm0, $0xb8;
	[tilespmem:$0x18100] =	vst v63  }
0x94: {  	s14 =	simm.s32 $0x12900;
	v3 =	vadd.s32 v1, v3  }
0x95: {  	[tilespmem:s14], [sflag:$0x2] =	stream.indirect_vreg.gather [hbm4b:s5+s3], $0x80, v4, vm0, $0xb8;
	[tilespmem:$0x18100] =	vst v63  }
0x96: {  	s7 =	simm.s32 $0x13100  }
0x97: {  	[tilespmem:s7], [sflag:$0x2] =	stream.indirect_vreg.gather [hbm4b:s6+s3], $0x80, v4, vm0, $0xb8;
	[tilespmem:$0x18100] =	vst v63  }
0x98: {  	s14 =	simm.s32 $0x13900  }
0x99: {  	[tilespmem:s14], [sflag:$0x2] =	stream.indirect_vreg.gather [hbm4b:s1+s3], $0x80, v3, vm0, $0xb8;
	[tilespmem:$0x18100] =	vst v63  }
0x9a: {  	s7 =	simm.s32 $0x14100  }
0x9b: {  	[tilespmem:s7], [sflag:$0x2] =	stream.indirect_vreg.gather [hbm4b:s5+s3], $0x80, v3, vm0, $0xb8;
	[tilespmem:$0x18100] =	vst v63  }
0x9c: {  	s14 =	simm.s32 $0x14900  }
0x9d: {  	[tilespmem:s14], [sflag:$0x2] =	stream.indirect_vreg.gather [hbm4b:s6+s3], $0x80, v3, vm0, $0xb8;
	[tilespmem:$0x18100] =	vst v63  }
0x9e: {  	v3 =	vld [tilespmem:$0x70];
	_ =	sdelay $0x4  }
0x9f: {  	v55 =	vshrl.u32 v3, $0x3  }
0xa0: {  	v4 =	vmul.u32 $0x30, v55  }
0xa1: {  	v3 =	vand.u32 $0x7, v3  }
0xa2: {  	v3 =	vor.u32 v3, v4  }
0xa3: {  	v4 =	vperm.xlane v3, v0;
	_ =	sdelay $0x1  }
0xa4: {  	v4 =	vadd.s32 v1, v4;
	_ =	sdelay $0x3  }
0xa5: {  	s7 =	simm.s32 $0x15100;
	v3 =	vperm.xlane v3, v2  }
0xa6: {  	[tilespmem:s7], [sflag:$0x2] =	stream.indirect_vreg.gather [hbm4b:s1+s3], $0x80, v4, vm0, $0xb8;
	[tilespmem:$0x18100] =	vst v63  }
0xa7: {  	s14 =	simm.s32 $0x15900;
	v3 =	vadd.s32 v1, v3  }
0xa8: {  	[tilespmem:s14], [sflag:$0x2] =	stream.indirect_vreg.gather [hbm4b:s5+s3], $0x80, v4, vm0, $0xb8;
	[tilespmem:$0x18100] =	vst v63  }
0xa9: {  	s7 =	simm.s32 $0x16100  }
0xaa: {  	[tilespmem:s7], [sflag:$0x2] =	stream.indirect_vreg.gather [hbm4b:s6+s3], $0x80, v4, vm0, $0xb8;
	[tilespmem:$0x18100] =	vst v63  }
0xab: {  	s14 =	simm.s32 $0x16900  }
0xac: {  	[tilespmem:s14], [sflag:$0x2] =	stream.indirect_vreg.gather [hbm4b:s1+s3], $0x80, v3, vm0, $0xb8;
	[tilespmem:$0x18100] =	vst v63  }
0xad: {  	s7 =	simm.s32 $0x17100  }
0xae: {  	[tilespmem:s7], [sflag:$0x2] =	stream.indirect_vreg.gather [hbm4b:s5+s3], $0x80, v3, vm0, $0xb8;
	[tilespmem:$0x18100] =	vst v63  }
0xaf: {  	s14 =	simm.s32 $0x17900  }
0xb0: {  	[tilespmem:s14], [sflag:$0x2] =	stream.indirect_vreg.gather [hbm4b:s6+s3], $0x80, v3, vm0, $0xb8;
	[tilespmem:$0x18100] =	vst v63  }
0xb1: {  	_ =	swait.ge [sflag:s13], $0xC000  }
0xb2: {  	[sflag:s13] =	ssyncset.done $0x0  }
0xb3: {  	s7 =	simm.s32 $0x100;
	s0 =	rddreg [dreg:$0x8];
	[sflag:s13] =	ssyncadd.s32 $0xFFFF4000  }
0xb4: {  	[hbm4b:s0+s3] =	stream.linear.scatter [tilespmem:s7], [sflag:$0x3], $0xC000, $0x38;
	[tilespmem:$0x18100] =	vst v63  }
0xb5: {  	s0 =	simm.s32 $0x3  }
0xb6: {  	_ =	swait.ge [sflag:s0], $0xC000  }
0xb7: {  	[sflag:s0] =	ssyncset.done $0x0  }
0xb8: {  	[sflag:s0] =	ssyncadd.s32 $0xFFFF4000  }
0xb9: {  	v3 =	vld [tilespmem:$0x80];
	_ =	sdelay $0x4  }
0xba: {  	v56 =	vshrl.u32 v3, $0x3  }
0xbb: {  	v4 =	vmul.u32 $0x30, v56  }
0xbc: {  	v3 =	vand.u32 $0x7, v3  }
0xbd: {  	v3 =	vor.u32 v3, v4  }
0xbe: {  	v4 =	vperm.xlane v3, v0;
	_ =	sdelay $0x1  }
0xbf: {  	v4 =	vadd.s32 v1, v4;
	_ =	sdelay $0x3  }
0xc0: {  	v3 =	vperm.xlane v3, v2  }
0xc1: {  	[tilespmem:s7], [sflag:$0x1] =	stream.indirect_vreg.gather [hbm4b:s1+s3], $0x80, v4, vm0, $0xb8;
	[tilespmem:$0x18100] =	vst v63  }
0xc2: {  	v3 =	vadd.s32 v1, v3  }
0xc3: {  	[tilespmem:s15], [sflag:$0x1] =	stream.indirect_vreg.gather [hbm4b:s5+s3], $0x80, v4, vm0, $0xb8;
	[tilespmem:$0x18100] =	vst v63  }
0xc4: {  	_ = 	snop  }
0xc5: {  	[tilespmem:s16], [sflag:$0x1] =	stream.indirect_vreg.gather [hbm4b:s6+s3], $0x80, v4, vm0, $0xb8;
	[tilespmem:$0x18100] =	vst v63  }
0xc6: {  	_ = 	snop  }
0xc7: {  	[tilespmem:s17], [sflag:$0x1] =	stream.indirect_vreg.gather [hbm4b:s1+s3], $0x80, v3, vm0, $0xb8;
	[tilespmem:$0x18100] =	vst v63  }
0xc8: {  	_ = 	snop  }
0xc9: {  	[tilespmem:s18], [sflag:$0x1] =	stream.indirect_vreg.gather [hbm4b:s5+s3], $0x80, v3, vm0, $0xb8;
	[tilespmem:$0x18100] =	vst v63  }
0xca: {  	_ = 	snop  }
0xcb: {  	[tilespmem:s19], [sflag:$0x1] =	stream.indirect_vreg.gather [hbm4b:s6+s3], $0x80, v3, vm0, $0xb8;
	[tilespmem:$0x18100] =	vst v63  }
0xcc: {  	v3 =	vld [tilespmem:$0x90];
	_ =	sdelay $0x4  }
0xcd: {  	v57 =	vshrl.u32 v3, $0x3  }
0xce: {  	v4 =	vmul.u32 $0x30, v57  }
0xcf: {  	v3 =	vand.u32 $0x7, v3  }
0xd0: {  	v3 =	vor.u32 v3, v4  }
0xd1: {  	v4 =	vperm.xlane v3, v0;
	_ =	sdelay $0x1  }
0xd2: {  	v4 =	vadd.s32 v1, v4;
	_ =	sdelay $0x3  }
0xd3: {  	v3 =	vperm.xlane v3, v2  }
0xd4: {  	[tilespmem:s20], [sflag:$0x1] =	stream.indirect_vreg.gather [hbm4b:s1+s3], $0x80, v4, vm0, $0xb8;
	[tilespmem:$0x18100] =	vst v63  }
0xd5: {  	v3 =	vadd.s32 v1, v3  }
0xd6: {  	[tilespmem:s21], [sflag:$0x1] =	stream.indirect_vreg.gather [hbm4b:s5+s3], $0x80, v4, vm0, $0xb8;
	[tilespmem:$0x18100] =	vst v63  }
0xd7: {  	_ = 	snop  }
0xd8: {  	[tilespmem:s22], [sflag:$0x1] =	stream.indirect_vreg.gather [hbm4b:s6+s3], $0x80, v4, vm0, $0xb8;
	[tilespmem:$0x18100] =	vst v63  }
0xd9: {  	_ = 	snop  }
0xda: {  	[tilespmem:s23], [sflag:$0x1] =	stream.indirect_vreg.gather [hbm4b:s1+s3], $0x80, v3, vm0, $0xb8;
	[tilespmem:$0x18100] =	vst v63  }
0xdb: {  	_ = 	snop  }
0xdc: {  	[tilespmem:s24], [sflag:$0x1] =	stream.indirect_vreg.gather [hbm4b:s5+s3], $0x80, v3, vm0, $0xb8;
	[tilespmem:$0x18100] =	vst v63  }
0xdd: {  	_ = 	snop  }
0xde: {  	[tilespmem:s25], [sflag:$0x1] =	stream.indirect_vreg.gather [hbm4b:s6+s3], $0x80, v3, vm0, $0xb8;
	[tilespmem:$0x18100] =	vst v63  }
0xdf: {  	v3 =	vld [tilespmem:$0xA0];
	_ =	sdelay $0x4  }
0xe0: {  	v58 =	vshrl.u32 v3, $0x3  }
0xe1: {  	v4 =	vmul.u32 $0x30, v58  }
0xe2: {  	v3 =	vand.u32 $0x7, v3  }
0xe3: {  	v3 =	vor.u32 v3, v4  }
0xe4: {  	v4 =	vperm.xlane v3, v0;
	_ =	sdelay $0x1  }
0xe5: {  	v4 =	vadd.s32 v1, v4;
	_ =	sdelay $0x3  }
0xe6: {  	v3 =	vperm.xlane v3, v2  }
0xe7: {  	[tilespmem:s26], [sflag:$0x1] =	stream.indirect_vreg.gather [hbm4b:s1+s3], $0x80, v4, vm0, $0xb8;
	[tilespmem:$0x18100] =	vst v63  }
0xe8: {  	v3 =	vadd.s32 v1, v3  }
0xe9: {  	[tilespmem:s28], [sflag:$0x1] =	stream.indirect_vreg.gather [hbm4b:s5+s3], $0x80, v4, vm0, $0xb8;
	[tilespmem:$0x18100] =	vst v63  }
0xea: {  	_ = 	snop  }
0xeb: {  	[tilespmem:s29], [sflag:$0x1] =	stream.indirect_vreg.gather [hbm4b:s6+s3], $0x80, v4, vm0, $0xb8;
	[tilespmem:$0x18100] =	vst v63  }
0xec: {  	_ = 	snop  }
0xed: {  	[tilespmem:s30], [sflag:$0x1] =	stream.indirect_vreg.gather [hbm4b:s1+s3], $0x80, v3, vm0, $0xb8;
	[tilespmem:$0x18100] =	vst v63  }
0xee: {  	_ = 	snop  }
0xef: {  	[tilespmem:s31], [sflag:$0x1] =	stream.indirect_vreg.gather [hbm4b:s5+s3], $0x80, v3, vm0, $0xb8;
	[tilespmem:$0x18100] =	vst v63  }
0xf0: {  	_ = 	snop  }
0xf1: {  	[tilespmem:s2], [sflag:$0x1] =	stream.indirect_vreg.gather [hbm4b:s6+s3], $0x80, v3, vm0, $0xb8;
	[tilespmem:$0x18100] =	vst v63  }
0xf2: {  	v3 =	vld [tilespmem:$0xB0];
	_ =	sdelay $0x4  }
0xf3: {  	v59 =	vshrl.u32 v3, $0x3  }
0xf4: {  	v4 =	vmul.u32 $0x30, v59  }
0xf5: {  	v3 =	vand.u32 $0x7, v3  }
0xf6: {  	v3 =	vor.u32 v3, v4  }
0xf7: {  	v4 =	vperm.xlane v3, v0;
	_ =	sdelay $0x1  }
0xf8: {  	v4 =	vadd.s32 v1, v4;
	_ =	sdelay $0x3  }
0xf9: {  	s7 =	simm.s32 $0x9100;
	v3 =	vperm.xlane v3, v2  }
0xfa: {  	[tilespmem:s7], [sflag:$0x1] =	stream.indirect_vreg.gather [hbm4b:s1+s3], $0x80, v4, vm0, $0xb8;
	[tilespmem:$0x18100] =	vst v63  }
0xfb: {  	s14 =	simm.s32 $0x9900;
	v3 =	vadd.s32 v1, v3  }
0xfc: {  	[tilespmem:s14], [sflag:$0x1] =	stream.indirect_vreg.gather [hbm4b:s5+s3], $0x80, v4, vm0, $0xb8;
	[tilespmem:$0x18100] =	vst v63  }
0xfd: {  	_ = 	snop  }
0xfe: {  	[tilespmem:s9], [sflag:$0x1] =	stream.indirect_vreg.gather [hbm4b:s6+s3], $0x80, v4, vm0, $0xb8;
	[tilespmem:$0x18100] =	vst v63  }
0xff: {  	_ = 	snop  }
0x100: {  	[tilespmem:s4], [sflag:$0x1] =	stream.indirect_vreg.gather [hbm4b:s1+s3], $0x80, v3, vm0, $0xb8;
	[tilespmem:$0x18100] =	vst v63  }
0x101: {  	_ = 	snop  }
0x102: {  	[tilespmem:s10], [sflag:$0x1] =	stream.indirect_vreg.gather [hbm4b:s5+s3], $0x80, v3, vm0, $0xb8;
	[tilespmem:$0x18100] =	vst v63  }
0x103: {  	s2 =	simm.s32 $0x2  }
0x104: {  	[tilespmem:s11], [sflag:$0x1] =	stream.indirect_vreg.gather [hbm4b:s6+s3], $0x80, v3, vm0, $0xb8;
	[tilespmem:$0x18100] =	vst v63  }
0x105: {  	_ =	swait.ge [sflag:s2], $0xC000  }
0x106: {  	[sflag:s2] =	ssyncset.done $0x0  }
0x107: {  	s4 =	simm.s32 $0x4;
	s7 =	rddreg [dreg:$0x5];
	[sflag:s2] =	ssyncadd.s32 $0xFFFF4000  }
0x108: {  	[hbm4b:s7+s3] =	stream.linear.scatter [tilespmem:s12], [sflag:$0x4], $0xC000, $0x38;
	[tilespmem:$0x18100] =	vst v63  }
0x109: {  	_ =	swait.ge [sflag:s4], $0xC000  }
0x10a: {  	[sflag:s4] =	ssyncset.done $0x0  }
0x10b: {  	[sflag:s4] =	ssyncadd.s32 $0xFFFF4000  }
0x10c: {  	v3 =	vld [tilespmem:$0xC0];
	_ =	sdelay $0x4  }
0x10d: {  	v60 =	vshrl.u32 v3, $0x3  }
0x10e: {  	v4 =	vmul.u32 $0x30, v60  }
0x10f: {  	v3 =	vand.u32 $0x7, v3  }
0x110: {  	v3 =	vor.u32 v3, v4  }
0x111: {  	v4 =	vperm.xlane v3, v0;
	_ =	sdelay $0x1  }
0x112: {  	v4 =	vadd.s32 v1, v4;
	_ =	sdelay $0x3  }
0x113: {  	v3 =	vperm.xlane v3, v2  }
0x114: {  	[tilespmem:s12], [sflag:$0x2] =	stream.indirect_vreg.gather [hbm4b:s1+s3], $0x80, v4, vm0, $0xb8;
	[tilespmem:$0x18100] =	vst v63  }
0x115: {  	s14 =	simm.s32 $0xC900;
	v3 =	vadd.s32 v1, v3  }
0x116: {  	[tilespmem:s14], [sflag:$0x2] =	stream.indirect_vreg.gather [hbm4b:s5+s3], $0x80, v4, vm0, $0xb8;
	[tilespmem:$0x18100] =	vst v63  }
0x117: {  	s14 =	simm.s32 $0xD100  }
0x118: {  	[tilespmem:s14], [sflag:$0x2] =	stream.indirect_vreg.gather [hbm4b:s6+s3], $0x80, v4, vm0, $0xb8;
	[tilespmem:$0x18100] =	vst v63  }
0x119: {  	s14 =	simm.s32 $0xD900  }
0x11a: {  	[tilespmem:s14], [sflag:$0x2] =	stream.indirect_vreg.gather [hbm4b:s1+s3], $0x80, v3, vm0, $0xb8;
	[tilespmem:$0x18100] =	vst v63  }
0x11b: {  	s14 =	simm.s32 $0xE100  }
0x11c: {  	[tilespmem:s14], [sflag:$0x2] =	stream.indirect_vreg.gather [hbm4b:s5+s3], $0x80, v3, vm0, $0xb8;
	[tilespmem:$0x18100] =	vst v63  }
0x11d: {  	s14 =	simm.s32 $0xE900  }
0x11e: {  	[tilespmem:s14], [sflag:$0x2] =	stream.indirect_vreg.gather [hbm4b:s6+s3], $0x80, v3, vm0, $0xb8;
	[tilespmem:$0x18100] =	vst v63  }
0x11f: {  	v3 =	vld [tilespmem:$0xD0];
	_ =	sdelay $0x4  }
0x120: {  	v61 =	vshrl.u32 v3, $0x3  }
0x121: {  	v4 =	vmul.u32 $0x30, v61  }
0x122: {  	v3 =	vand.u32 $0x7, v3  }
0x123: {  	v3 =	vor.u32 v3, v4  }
0x124: {  	v4 =	vperm.xlane v3, v0;
	_ =	sdelay $0x1  }
0x125: {  	v4 =	vadd.s32 v1, v4;
	_ =	sdelay $0x3  }
0x126: {  	s14 =	simm.s32 $0xF100;
	v3 =	vperm.xlane v3, v2  }
0x127: {  	[tilespmem:s14], [sflag:$0x2] =	stream.indirect_vreg.gather [hbm4b:s1+s3], $0x80, v4, vm0, $0xb8;
	[tilespmem:$0x18100] =	vst v63  }
0x128: {  	v3 =	vadd.s32 v1, v3;
	s14 =	simm.s32 $0xF900  }
0x129: {  	[tilespmem:s14], [sflag:$0x2] =	stream.indirect_vreg.gather [hbm4b:s5+s3], $0x80, v4, vm0, $0xb8;
	[tilespmem:$0x18100] =	vst v63  }
0x12a: {  	s14 =	simm.s32 $0x10100  }
0x12b: {  	[tilespmem:s14], [sflag:$0x2] =	stream.indirect_vreg.gather [hbm4b:s6+s3], $0x80, v4, vm0, $0xb8;
	[tilespmem:$0x18100] =	vst v63  }
0x12c: {  	s14 =	simm.s32 $0x10900  }
0x12d: {  	[tilespmem:s14], [sflag:$0x2] =	stream.indirect_vreg.gather [hbm4b:s1+s3], $0x80, v3, vm0, $0xb8;
	[tilespmem:$0x18100] =	vst v63  }
0x12e: {  	s14 =	simm.s32 $0x11100  }
0x12f: {  	[tilespmem:s14], [sflag:$0x2] =	stream.indirect_vreg.gather [hbm4b:s5+s3], $0x80, v3, vm0, $0xb8;
	[tilespmem:$0x18100] =	vst v63  }
0x130: {  	s14 =	simm.s32 $0x11900  }
0x131: {  	[tilespmem:s14], [sflag:$0x2] =	stream.indirect_vreg.gather [hbm4b:s6+s3], $0x80, v3, vm0, $0xb8;
	[tilespmem:$0x18100] =	vst v63  }
0x132: {  	v3 =	vld [tilespmem:$0xE0];
	_ =	sdelay $0x4  }
0x133: {  	v62 =	vshrl.u32 v3, $0x3  }
0x134: {  	v4 =	vmul.u32 $0x30, v62  }
0x135: {  	v3 =	vand.u32 $0x7, v3  }
0x136: {  	v3 =	vor.u32 v3, v4  }
0x137: {  	v4 =	vperm.xlane v3, v0;
	_ =	sdelay $0x1  }
0x138: {  	v4 =	vadd.s32 v1, v4;
	_ =	sdelay $0x3  }
0x139: {  	s14 =	simm.s32 $0x12100;
	v3 =	vperm.xlane v3, v2  }
0x13a: {  	[tilespmem:s14], [sflag:$0x2] =	stream.indirect_vreg.gather [hbm4b:s1+s3], $0x80, v4, vm0, $0xb8;
	[tilespmem:$0x18100] =	vst v63  }
0x13b: {  	v3 =	vadd.s32 v1, v3;
	s14 =	simm.s32 $0x12900  }
0x13c: {  	[tilespmem:s14], [sflag:$0x2] =	stream.indirect_vreg.gather [hbm4b:s5+s3], $0x80, v4, vm0, $0xb8;
	[tilespmem:$0x18100] =	vst v63  }
0x13d: {  	s14 =	simm.s32 $0x13100  }
0x13e: {  	[tilespmem:s14], [sflag:$0x2] =	stream.indirect_vreg.gather [hbm4b:s6+s3], $0x80, v4, vm0, $0xb8;
	[tilespmem:$0x18100] =	vst v63  }
0x13f: {  	s14 =	simm.s32 $0x13900  }
0x140: {  	[tilespmem:s14], [sflag:$0x2] =	stream.indirect_vreg.gather [hbm4b:s1+s3], $0x80, v3, vm0, $0xb8;
	[tilespmem:$0x18100] =	vst v63  }
0x141: {  	s14 =	simm.s32 $0x14100  }
0x142: {  	[tilespmem:s14], [sflag:$0x2] =	stream.indirect_vreg.gather [hbm4b:s5+s3], $0x80, v3, vm0, $0xb8;
	[tilespmem:$0x18100] =	vst v63  }
0x143: {  	s14 =	simm.s32 $0x14900  }
0x144: {  	[tilespmem:s14], [sflag:$0x2] =	stream.indirect_vreg.gather [hbm4b:s6+s3], $0x80, v3, vm0, $0xb8;
	[tilespmem:$0x18100] =	vst v63  }
0x145: {  	v3 =	vld [tilespmem:$0xF0];
	_ =	sdelay $0x4  }
0x146: {  	v63 =	vshrl.u32 v3, $0x3  }
0x147: {  	v4 =	vmul.u32 $0x30, v63  }
0x148: {  	v3 =	vand.u32 $0x7, v3  }
0x149: {  	v3 =	vor.u32 v3, v4  }
0x14a: {  	v4 =	vperm.xlane v3, v0;
	_ =	sdelay $0x1  }
0x14b: {  	v4 =	vadd.s32 v1, v4;
	_ =	sdelay $0x3  }
0x14c: {  	s14 =	simm.s32 $0x15100;
	v3 =	vperm.xlane v3, v2  }
0x14d: {  	[tilespmem:s14], [sflag:$0x2] =	stream.indirect_vreg.gather [hbm4b:s1+s3], $0x80, v4, vm0, $0xb8;
	[tilespmem:$0x18100] =	vst v63  }
0x14e: {  	v3 =	vadd.s32 v1, v3;
	s14 =	simm.s32 $0x15900  }
0x14f: {  	[tilespmem:s14], [sflag:$0x2] =	stream.indirect_vreg.gather [hbm4b:s5+s3], $0x80, v4, vm0, $0xb8;
	[tilespmem:$0x18100] =	vst v63  }
0x150: {  	s14 =	simm.s32 $0x16100  }
0x151: {  	[tilespmem:s14], [sflag:$0x2] =	stream.indirect_vreg.gather [hbm4b:s6+s3], $0x80, v4, vm0, $0xb8;
	[tilespmem:$0x18100] =	vst v63  }
0x152: {  	s14 =	simm.s32 $0x16900  }
0x153: {  	[tilespmem:s14], [sflag:$0x2] =	stream.indirect_vreg.gather [hbm4b:s1+s3], $0x80, v3, vm0, $0xb8;
	[tilespmem:$0x18100] =	vst v63  }
0x154: {  	s14 =	simm.s32 $0x17100  }
0x155: {  	[tilespmem:s14], [sflag:$0x2] =	stream.indirect_vreg.gather [hbm4b:s5+s3], $0x80, v3, vm0, $0xb8;
	[tilespmem:$0x18100] =	vst v63  }
0x156: {  	s14 =	simm.s32 $0x17900  }
0x157: {  	[tilespmem:s14], [sflag:$0x2] =	stream.indirect_vreg.gather [hbm4b:s6+s3], $0x80, v3, vm0, $0xb8;
	[tilespmem:$0x18100] =	vst v63  }
0x158: {  	_ =	swait.ge [sflag:s13], $0xC000  }
0x159: {  	[sflag:s13] =	ssyncset.done $0x0  }
0x15a: {  	s7 =	simm.s32 $0x100;
	s14 =	rddreg [dreg:$0x6];
	[sflag:s13] =	ssyncadd.s32 $0xFFFF4000  }
0x15b: {  	[hbm4b:s14+s3] =	stream.linear.scatter [tilespmem:s7], [sflag:$0x3], $0xC000, $0x38;
	[tilespmem:$0x18100] =	vst v63  }
0x15c: {  	_ =	swait.ge [sflag:s2], $0xC000  }
0x15d: {  	[sflag:s2] =	ssyncset.done $0x0  }
0x15e: {  	s7 =	rddreg [dreg:$0x7];
	[sflag:s2] =	ssyncadd.s32 $0xFFFF4000  }
0x15f: {  	[hbm4b:s7+s3] =	stream.linear.scatter [tilespmem:s12], [sflag:$0x4], $0xC000, $0x38;
	[tilespmem:$0x18100] =	vst v63  }
0x160: {  	p0 =	sne.s32 s8, $0x1;
	_ =	swait.ge [sflag:s0], $0xC000  }
.Ltmp0:
0x161: {  	[sflag:s0] =	ssyncset.done $0x0;
	(pc) =	sbr.rel @p0 .LBB2_1-.Ltmp0, $4  }
0x162: {  	[sflag:s0] =	ssyncadd.s32 $0xFFFF4000  }
0x163: {  	_ =	swait.ge [sflag:s4], $0xC000  }
0x164: {  	[sflag:s4] =	ssyncset.done $0x0  }
0x165: {  	s8 =	sadd.s32 $0xFFFFFFFF, s8;
	[sflag:s4] =	ssyncadd.s32 $0xFFFF4000  }
0x166: {  	_ =	sfence.sel $0x180000  }
0x167: {  	[bflag:$0x0] =	sbarrier.arrive $0xFFFF  }
0x168: {  	_ =	strace $0x90000047  }
0x169: {  	s0 =	stileid.u32;
	[bflag:$0x2] =	sbarrier.arrive $0xFFFF  }
0x16a: {  	p0 =	sne.s32 s0, $0x0;
	s0 =	rddreg [dreg:$0x3]  }
0x16b: {  	s0 =	sadd.s32 @!p0 $0x100000, s0  }
0x16c: {  	[sflag:s0] =	ssyncadd.tile.s32 @!p0 $0x1;
	_ =	shalt  }
.Lfunc_end2:
_tile_overlayer_lowered:
.L_overlay_start_2:
0x16d: {  	(tag) =	ssettag $0x2  }
0x16e: {  	s0 =	rddreg [dreg:$0x0];
	s2 =	stileid.u32  }
0x16f: {  	s1 =	rddreg [dreg:$0x1];
	p0 =	sne.s32 s2, $0x0  }
0x170: {  	s3 =	rddreg [dreg:$0x2];
	[bflag:$0x3] =	sbarrier.arrive $0xFFFF;
	s2 =	simm.s32 @!p0 $0x1C05  }
0x171: {  	[timem:s3], [sflag:s2] =	dma.local @!p0 [hbm:s0], s1  }
0x172: {  	s0 =	simm.s32 @!p0 $0x5  }
0x173: {  	_ =	swait.ge @!p0 [sflag:s0], s1  }
0x174: {  	s1 =	ssub.s32 @!p0 $0x0, s1;
	[sflag:s0] =	ssyncset.done @!p0 $0x0  }
0x175: {  	[sflag:s0] =	ssyncadd.s32 @!p0 s1  }
0x176: {  	[bflag:$0x3] =	sbarrier.arrive $0xFFFF  }
0x177: {  	_ =	shalt  }

</sc_bundles>
